<compile_context>
chip_gen: v7x
topology: tpu7x:2x2x1
jax: 0.10.2.dev20260603
libtpu: 0.0.44.dev20260713+nightly
codegen_flags: <defaults>
</compile_context>

<pallas_src>
import functools

import jax
import jax.numpy as jnp
from jax import lax
from jax.experimental import pallas as pl
from jax.experimental.pallas import tpu as pltpu
from jax.experimental.pallas import tpu_sc as plsc

_ARITY = 4
_GROUPS = 256
_OUT_DIM = 4
_BATCH = 16384
_ROW = _GROUPS * _ARITY
_N = _BATCH * _ROW
_NC = 2
_NS = 16
_NW = _NC * _NS
_SPAN = _N // _NW
_CHUNK = 8 * _ROW
_NCHUNK = _SPAN // _CHUNK
_PTWORDS = _OUT_DIM * _GROUPS * 16
_P15WORDS = _OUT_DIM * _GROUPS


def _sc_body(x_hbm, pt_hbm, p15_hbm, o_hbm, pt, p15,
             xv0, xv1, ov0, ov1, si0, si1, so0, so1):
    wid = lax.axis_index("s") * _NC + lax.axis_index("c")
    pltpu.sync_copy(pt_hbm, pt)
    pltpu.sync_copy(p15_hbm, p15)

    xvs, ovs = (xv0, xv1), (ov0, ov1)
    sis, sos = (si0, si1), (so0, so1)

    iota = jnp.arange(16, dtype=jnp.int32)
    lane4 = iota * 4
    lane16 = iota * 16
    hi_mask = jnp.int32(-16)

    base = wid * _SPAN
    pltpu.make_async_copy(x_hbm.at[pl.ds(base, _CHUNK)], xv0, si0).start()

    def chunk_pair(i, carry):
        for b in range(2):
            c = i * 2 + b
            cbase = base + c * _CHUNK
            xv, ov = xvs[b], ovs[b]

            @pl.when(c + 1 < _NCHUNK)
            def _():
                pltpu.make_async_copy(
                    x_hbm.at[pl.ds(cbase + _CHUNK, _CHUNK)],
                    xvs[1 - b], sis[1 - b]).start()

            pltpu.make_async_copy(
                x_hbm.at[pl.ds(cbase, _CHUNK)], xv, sis[b]).wait()

            @pl.when(c >= 2)
            def _():
                pltpu.make_async_copy(
                    ov, o_hbm.at[pl.ds(cbase - 2 * _CHUNK, _CHUNK)],
                    sos[b]).wait()

            @plsc.parallel_loop(0, _CHUNK // 64, unroll=4)
            def blk(t):
                i0 = t * 64 + lane4
                gb = t & 15
                gv16 = gb * 256 + lane16
                r0 = plsc.load_gather(xv, [i0])
                r1 = plsc.load_gather(xv, [i0 + 1])
                r2 = plsc.load_gather(xv, [i0 + 2])
                r3 = plsc.load_gather(xv, [i0 + 3])
                v0 = lax.bitcast_convert_type(
                    (lax.bitcast_convert_type(r0, jnp.int32) & hi_mask) | 1,
                    jnp.float32)
                v1 = lax.bitcast_convert_type(
                    (lax.bitcast_convert_type(r1, jnp.int32) & hi_mask) | 2,
                    jnp.float32)
                v2 = lax.bitcast_convert_type(
                    (lax.bitcast_convert_type(r2, jnp.int32) & hi_mask) | 4,
                    jnp.float32)
                v3 = lax.bitcast_convert_type(
                    (lax.bitcast_convert_type(r3, jnp.int32) & hi_mask) | 8,
                    jnp.float32)
                a, b = jnp.minimum(v0, v1), jnp.maximum(v0, v1)
                c2_, d2 = jnp.minimum(v2, v3), jnp.maximum(v2, v3)
                f0, s2_ = jnp.minimum(a, c2_), jnp.maximum(a, c2_)
                s1_, f3 = jnp.minimum(b, d2), jnp.maximum(b, d2)
                f1 = jnp.minimum(s1_, s2_)
                f2 = jnp.maximum(s1_, s2_)
                s1 = lax.bitcast_convert_type(f1, jnp.int32)
                s2 = lax.bitcast_convert_type(f2, jnp.int32)
                s3 = lax.bitcast_convert_type(f3, jnp.int32)
                m3 = s3 & 15
                m2 = m3 + (s2 & 15)
                m1 = m2 + (s1 & 15)
                q1 = gv16 + ((m1 + iota) & 15)
                q2 = gv16 + ((m2 + iota) & 15)
                q3 = gv16 + ((m3 + iota) & 15)
                c1 = f1 - f0
                c2c = f2 - f1
                c3 = f3 - f2
                for d in range(_OUT_DIM):
                    p15d = p15[pl.ds(d * _GROUPS + gb * 16, 16)]
                    acc0 = f0 * p15d + c1 * plsc.load_gather(pt, [q1 | (d * 4096)])
                    acc1 = c2c * plsc.load_gather(pt, [q2 | (d * 4096)]) + \
                        c3 * plsc.load_gather(pt, [q3 | (d * 4096)])
                    plsc.store_scatter(ov, [i0 + d], acc0 + acc1)

            pltpu.make_async_copy(
                ov, o_hbm.at[pl.ds(cbase, _CHUNK)], sos[b]).start()
        return carry

    lax.fori_loop(0, _NCHUNK // 2, chunk_pair, 0)
    pltpu.make_async_copy(
        ov0, o_hbm.at[pl.ds(base + (_NCHUNK - 2) * _CHUNK, _CHUNK)],
        so0).wait()
    pltpu.make_async_copy(
        ov1, o_hbm.at[pl.ds(base + (_NCHUNK - 1) * _CHUNK, _CHUNK)],
        so1).wait()


_sc_call = functools.partial(
    pl.kernel,
    mesh=plsc.VectorSubcoreMesh(core_axis_name="c", subcore_axis_name="s"),
    out_type=jax.ShapeDtypeStruct((_N,), jnp.float32),
    compiler_params=pltpu.CompilerParams(needs_layout_passes=False),
    scratch_types=[
        pltpu.VMEM((_PTWORDS,), jnp.float32),
        pltpu.VMEM((_P15WORDS,), jnp.float32),
        pltpu.VMEM((_CHUNK,), jnp.float32),
        pltpu.VMEM((_CHUNK,), jnp.float32),
        pltpu.VMEM((_CHUNK,), jnp.float32),
        pltpu.VMEM((_CHUNK,), jnp.float32),
        pltpu.SemaphoreType.DMA,
        pltpu.SemaphoreType.DMA,
        pltpu.SemaphoreType.DMA,
        pltpu.SemaphoreType.DMA,
    ],
)(_sc_body)


def kernel(X, params):
    g = jnp.arange(_GROUPS, dtype=jnp.int32)[:, None]
    s = jnp.arange(16, dtype=jnp.int32)[None, :]
    rolled = params[g, (s - g) % 16, :]
    pt = jnp.transpose(rolled, (2, 0, 1)).reshape(-1)
    p15 = params[:, 15, :].T.reshape(-1)
    out = _sc_call(X.reshape(-1), pt, p15)
    return out.reshape(X.shape[0], _ROW)

# --- scband reference (transcript-rebuilt; emitter-appended) ---
"""Pipeline reference for scband-high-order-activation-a-16741782520152 (READ-ONLY COPY).

The authoritative reference and input builder live on the scoring server;
editing this copy changes nothing except your own understanding.
"""

import jax, jax.numpy as jnp
import numpy as np

ARITY = 4
GROUPS = 256
OUT_DIM = 4
BATCH = 16384


def _cartesian_power(values, power):
    if power == 0:
        return np.zeros([1, 0], dtype=np.float32)
    A = _cartesian_power(values, power - 1)
    return np.concatenate(
        [np.concatenate([A, np.full([A.shape[0], 1], x, dtype=np.float32)], axis=1) for x in values],
        axis=0,
    )


def setup_inputs(seed: int = 0) -> dict:
    key = jax.random.key(seed)
    k1, _ = jax.random.split(key)
    X = jax.random.uniform(k1, (BATCH, GROUPS * ARITY), dtype=jnp.float32)
    # Faithful param init: randn then overwritten with max over cartesian power coords
    coords = _cartesian_power([0.0, 1.0], ARITY)  # [2**ARITY, ARITY]
    base = np.max(coords, axis=1).reshape(1, 2 ** ARITY, 1)
    params = jnp.asarray(np.broadcast_to(base, (GROUPS, 2 ** ARITY, OUT_DIM)).astype(np.float32).copy())
    return {"X": X, "params": params}


def _high_order_act(A, params):
    # A: [B, G, arity], params: [G, 2**arity, out_dim]
    A_sort = jnp.sort(A, axis=2)
    A_ind = jnp.argsort(A, axis=2)
    A_diff = A_sort[:, :, 1:] - A_sort[:, :, :-1]
    coef = jnp.concatenate([A_sort[:, :, 0:1], A_diff], axis=2)  # [B, G, arity]
    pow2 = jnp.power(2, A_ind).astype(jnp.int32)
    params_A_ind = jnp.flip(jnp.cumsum(jnp.flip(pow2, axis=2), axis=2), axis=2)  # [B, G, arity]
    ind0 = jnp.arange(params.shape[0])[:, None, None]  # [G,1,1]
    ind1 = jnp.transpose(params_A_ind, (1, 0, 2))  # [G, B, arity]
    params_gather = params[ind0, ind1, :]  # [G, B, arity, out_dim]
    out = jnp.einsum('jikl,ijk->ijl', params_gather, coef)  # [B, G, out_dim]
    return out


def reference(X, params):
    X1 = X.reshape(X.shape[0], GROUPS, ARITY)
    out1 = _high_order_act(X1, params)
    out = out1.reshape(X.shape[0], GROUPS * OUT_DIM)
    return out

if __name__ == "__main__":
    import jax
    _d = setup_inputs()
    print(jax.jit(kernel)(*tuple(_d.values())))

</pallas_src>

<mosaic_0001>
#map = affine_map<(d0, d1) -> (0)>
module attributes {stable_mosaic.version = 14 : i64} {
  func.func @_sc_body(%arg0: i32, %arg1: i32, %arg2: memref<16777216xf32, #tpu.memory_space<hbm>>, %arg3: memref<16384xf32, #tpu.memory_space<hbm>>, %arg4: memref<1024xf32, #tpu.memory_space<hbm>>, %arg5: memref<16777216xf32, #tpu.memory_space<hbm>>, %arg6: memref<16384xf32, #tpu.memory_space<vmem>>, %arg7: memref<1024xf32, #tpu.memory_space<vmem>>, %arg8: memref<8192xf32, #tpu.memory_space<vmem>>, %arg9: memref<8192xf32, #tpu.memory_space<vmem>>, %arg10: memref<8192xf32, #tpu.memory_space<vmem>>, %arg11: memref<8192xf32, #tpu.memory_space<vmem>>, %arg12: memref<!tpu.dma_semaphore, #tpu.memory_space<semaphore_mem>>, %arg13: memref<!tpu.dma_semaphore, #tpu.memory_space<semaphore_mem>>, %arg14: memref<!tpu.dma_semaphore, #tpu.memory_space<semaphore_mem>>, %arg15: memref<!tpu.dma_semaphore, #tpu.memory_space<semaphore_mem>>) attributes {dimension_semantics = [#tpu.dimension_semantics<core_parallel>, #tpu.dimension_semantics<subcore_parallel>], iteration_bounds = array<i64: 2, 16>, scalar_prefetch = 0 : i64, scratch_operands = 10 : i64, tpu.core_type = #tpu.core_type<sc_vector_subcore>, window_params = [{transform_indices = #map}, {transform_indices = #map}, {transform_indices = #map}, {transform_indices = #map}]} {
    %mul3A = arith.constant 2 : i32
    %mul3A_0 = arith.muli %arg1, %mul3A : i32
    %add3A = arith.addi %mul3A_0, %arg0 : i32
    "tpu.region"() ({
      %run_scoped3A = tpu.sem_alloc : memref<!tpu.dma_semaphore, #tpu.memory_space<semaphore_mem>>
      tpu.enqueue_dma source(%arg3 : memref<16384xf32, #tpu.memory_space<hbm>>) target(%arg6 : memref<16384xf32, #tpu.memory_space<vmem>>) target_semaphore(%run_scoped3A : memref<!tpu.dma_semaphore, #tpu.memory_space<semaphore_mem>>)
      tpu.wait_dma2 semaphore(%run_scoped3A : memref<!tpu.dma_semaphore, #tpu.memory_space<semaphore_mem>>) src(%arg3 : memref<16384xf32, #tpu.memory_space<hbm>>) dst(%arg6 : memref<16384xf32, #tpu.memory_space<vmem>>)
      tpu.yield
    }) : () -> ()
    "tpu.region"() ({
      %run_scoped3A = tpu.sem_alloc : memref<!tpu.dma_semaphore, #tpu.memory_space<semaphore_mem>>
      tpu.enqueue_dma source(%arg4 : memref<1024xf32, #tpu.memory_space<hbm>>) target(%arg7 : memref<1024xf32, #tpu.memory_space<vmem>>) target_semaphore(%run_scoped3A : memref<!tpu.dma_semaphore, #tpu.memory_space<semaphore_mem>>)
      tpu.wait_dma2 semaphore(%run_scoped3A : memref<!tpu.dma_semaphore, #tpu.memory_space<semaphore_mem>>) src(%arg4 : memref<1024xf32, #tpu.memory_space<hbm>>) dst(%arg7 : memref<1024xf32, #tpu.memory_space<vmem>>)
      tpu.yield
    }) : () -> ()
    %iota3A = tpu.iota {dimensions = array<i32: 0>} : vector<16xi32>
    %mul3A_1 = arith.constant 4 : i32
    %mul3A_2 = vector.broadcast %mul3A_1 : i32 to vector<16xi32>
    %mul3A_3 = arith.muli %iota3A, %mul3A_2 : vector<16xi32>
    %mul3A_4 = arith.constant 16 : i32
    %mul3A_5 = vector.broadcast %mul3A_4 : i32 to vector<16xi32>
    %mul3A_6 = arith.muli %iota3A, %mul3A_5 : vector<16xi32>
    %mul3A_7 = arith.constant 524288 : i32
    %mul3A_8 = arith.muli %add3A, %mul3A_7 : i32
    %dma_start3A = tpu.memref_slice %arg2[%mul3A_8] : memref<16777216xf32, #tpu.memory_space<hbm>> -> memref<8192xf32, #tpu.memory_space<hbm>>
    %dma_start3A_9 = tpu.memref_slice %arg2[%mul3A_8] : memref<16777216xf32, #tpu.memory_space<hbm>> -> memref<8192xf32, #tpu.memory_space<hbm>>
    tpu.enqueue_dma source(%dma_start3A_9 : memref<8192xf32, #tpu.memory_space<hbm>>) target(%arg8 : memref<8192xf32, #tpu.memory_space<vmem>>) target_semaphore(%arg12 : memref<!tpu.dma_semaphore, #tpu.memory_space<semaphore_mem>>)
    %scan3A = arith.constant 0 : i32
    %scan3A_10 = arith.constant -16 : i32
    %scan3A_11 = arith.constant 0 : i32
    %scan3A_12 = arith.constant 32 : i32
    %scan3A_13 = arith.addi %scan3A_11, %scan3A_12 : i32
    %scan3A_14 = arith.constant 1 : i32
    scf.for %scan3A_23 = %scan3A_11 to %scan3A_13 step %scan3A_14  : i32 {
      %mul3A_24 = arith.constant 2 : i32
      %mul3A_25 = arith.muli %scan3A_23, %mul3A_24 : i32
      %add3A_26 = arith.constant 0 : i32
      %add3A_27 = arith.addi %mul3A_25, %add3A_26 : i32
      %mul3A_28 = arith.constant 8192 : i32
      %mul3A_29 = arith.muli %add3A_27, %mul3A_28 : i32
      %add3A_30 = arith.addi %mul3A_8, %mul3A_29 : i32
      %add3A_31 = arith.constant 1 : i32
      %add3A_32 = arith.addi %add3A_27, %add3A_31 : i32
      %lt3A = arith.constant 64 : i32
      %lt3A_33 = arith.cmpi slt, %add3A_32, %lt3A : i32
      %convert_element_type3A = arith.extui %lt3A_33 : i1 to i32
      %cond3A = arith.constant 0 : i32
      %cond3A_34 = arith.cmpi ne, %convert_element_type3A, %cond3A : i32
      scf.if %cond3A_34 {
        %add3A_71 = arith.constant 8192 : i32
        %add3A_72 = arith.addi %add3A_30, %add3A_71 : i32
        %dma_start3A_73 = tpu.memref_slice %arg2[%add3A_72] : memref<16777216xf32, #tpu.memory_space<hbm>> -> memref<8192xf32, #tpu.memory_space<hbm>>
        %dma_start3A_74 = tpu.memref_slice %arg2[%add3A_72] : memref<16777216xf32, #tpu.memory_space<hbm>> -> memref<8192xf32, #tpu.memory_space<hbm>>
        tpu.enqueue_dma source(%dma_start3A_74 : memref<8192xf32, #tpu.memory_space<hbm>>) target(%arg9 : memref<8192xf32, #tpu.memory_space<vmem>>) target_semaphore(%arg13 : memref<!tpu.dma_semaphore, #tpu.memory_space<semaphore_mem>>)
      } else {
      }
      %dma_wait3A_35 = tpu.memref_slice %arg2[%add3A_30] : memref<16777216xf32, #tpu.memory_space<hbm>> -> memref<8192xf32, #tpu.memory_space<hbm>>
      %dma_wait3A_36 = tpu.memref_slice %arg2[%add3A_30] : memref<16777216xf32, #tpu.memory_space<hbm>> -> memref<8192xf32, #tpu.memory_space<hbm>>
      tpu.wait_dma2 semaphore(%arg12 : memref<!tpu.dma_semaphore, #tpu.memory_space<semaphore_mem>>) src(%dma_wait3A_36 : memref<8192xf32, #tpu.memory_space<hbm>>) dst(%arg8 : memref<8192xf32, #tpu.memory_space<vmem>>)
      %ge3A = arith.constant 2 : i32
      %ge3A_37 = arith.cmpi sge, %add3A_27, %ge3A : i32
      %convert_element_type3A_38 = arith.extui %ge3A_37 : i1 to i32
      %cond3A_39 = arith.constant 0 : i32
      %cond3A_40 = arith.cmpi ne, %convert_element_type3A_38, %cond3A_39 : i32
      scf.if %cond3A_40 {
        %sub3A = arith.constant 16384 : i32
        %sub3A_71 = arith.subi %add3A_30, %sub3A : i32
        %dma_wait3A_72 = tpu.memref_slice %arg5[%sub3A_71] : memref<16777216xf32, #tpu.memory_space<hbm>> -> memref<8192xf32, #tpu.memory_space<hbm>>
        %dma_wait3A_73 = tpu.memref_slice %arg5[%sub3A_71] : memref<16777216xf32, #tpu.memory_space<hbm>> -> memref<8192xf32, #tpu.memory_space<hbm>>
        tpu.wait_dma2 semaphore(%arg14 : memref<!tpu.dma_semaphore, #tpu.memory_space<semaphore_mem>>) src(%arg10 : memref<8192xf32, #tpu.memory_space<vmem>>) dst(%dma_wait3A_73 : memref<8192xf32, #tpu.memory_space<hbm>>)
      } else {
      }
      %parallel_loop3A = arith.constant 0 : i32
      %parallel_loop3A_41 = arith.constant 128 : i32
      %parallel_loop3A_42 = arith.constant 1 : i32
      scf.for %parallel_loop3A_71 = %parallel_loop3A to %parallel_loop3A_41 step %parallel_loop3A_42  : i32 {
        %parallel_loop3A_72 = arith.constant 64 : i32
        %parallel_loop3A_73 = arith.muli %parallel_loop3A_71, %parallel_loop3A_72 : i32
        %parallel_loop3A_74 = vector.broadcast %parallel_loop3A_73 : i32 to vector<16xi32>
        %parallel_loop3A_75 = arith.addi %parallel_loop3A_74, %mul3A_3 : vector<16xi32>
        %parallel_loop3A_76 = arith.constant 15 : i32
        %parallel_loop3A_77 = arith.andi %parallel_loop3A_71, %parallel_loop3A_76 : i32
        %parallel_loop3A_78 = arith.constant 256 : i32
        %parallel_loop3A_79 = arith.muli %parallel_loop3A_77, %parallel_loop3A_78 : i32
        %parallel_loop3A_80 = vector.broadcast %parallel_loop3A_79 : i32 to vector<16xi32>
        %parallel_loop3A_81 = arith.addi %parallel_loop3A_80, %mul3A_6 : vector<16xi32>
        %parallel_loop3A_82 = tpu.vector_load_idx %arg8[%parallel_loop3A_75] : memref<8192xf32, #tpu.memory_space<vmem>>[vector<16xi32>], vector<16xf32>,
        %parallel_loop3A_83 = arith.constant 1 : i32
        %parallel_loop3A_84 = vector.broadcast %parallel_loop3A_83 : i32 to vector<16xi32>
        %parallel_loop3A_85 = arith.addi %parallel_loop3A_75, %parallel_loop3A_84 : vector<16xi32>
        %parallel_loop3A_86 = tpu.vector_load_idx %arg8[%parallel_loop3A_85] : memref<8192xf32, #tpu.memory_space<vmem>>[vector<16xi32>], vector<16xf32>,
        %parallel_loop3A_87 = arith.constant 2 : i32
        %parallel_loop3A_88 = vector.broadcast %parallel_loop3A_87 : i32 to vector<16xi32>
        %parallel_loop3A_89 = arith.addi %parallel_loop3A_75, %parallel_loop3A_88 : vector<16xi32>
        %parallel_loop3A_90 = tpu.vector_load_idx %arg8[%parallel_loop3A_89] : memref<8192xf32, #tpu.memory_space<vmem>>[vector<16xi32>], vector<16xf32>,
        %parallel_loop3A_91 = arith.constant 3 : i32
        %parallel_loop3A_92 = vector.broadcast %parallel_loop3A_91 : i32 to vector<16xi32>
        %parallel_loop3A_93 = arith.addi %parallel_loop3A_75, %parallel_loop3A_92 : vector<16xi32>
        %parallel_loop3A_94 = tpu.vector_load_idx %arg8[%parallel_loop3A_93] : memref<8192xf32, #tpu.memory_space<vmem>>[vector<16xi32>], vector<16xf32>,
        %parallel_loop3A_95 = tpu.bitcast %parallel_loop3A_82 : vector<16xf32> -> vector<16xi32>
        %parallel_loop3A_96 = vector.broadcast %scan3A_10 : i32 to vector<16xi32>
        %parallel_loop3A_97 = arith.andi %parallel_loop3A_95, %parallel_loop3A_96 : vector<16xi32>
        %parallel_loop3A_98 = arith.constant 1 : i32
        %parallel_loop3A_99 = vector.broadcast %parallel_loop3A_98 : i32 to vector<16xi32>
        %parallel_loop3A_100 = arith.ori %parallel_loop3A_97, %parallel_loop3A_99 : vector<16xi32>
        %parallel_loop3A_101 = tpu.bitcast %parallel_loop3A_100 : vector<16xi32> -> vector<16xf32>
        %parallel_loop3A_102 = tpu.bitcast %parallel_loop3A_86 : vector<16xf32> -> vector<16xi32>
        %parallel_loop3A_103 = vector.broadcast %scan3A_10 : i32 to vector<16xi32>
        %parallel_loop3A_104 = arith.andi %parallel_loop3A_102, %parallel_loop3A_103 : vector<16xi32>
        %parallel_loop3A_105 = arith.constant 2 : i32
        %parallel_loop3A_106 = vector.broadcast %parallel_loop3A_105 : i32 to vector<16xi32>
        %parallel_loop3A_107 = arith.ori %parallel_loop3A_104, %parallel_loop3A_106 : vector<16xi32>
        %parallel_loop3A_108 = tpu.bitcast %parallel_loop3A_107 : vector<16xi32> -> vector<16xf32>
        %parallel_loop3A_109 = tpu.bitcast %parallel_loop3A_90 : vector<16xf32> -> vector<16xi32>
        %parallel_loop3A_110 = vector.broadcast %scan3A_10 : i32 to vector<16xi32>
        %parallel_loop3A_111 = arith.andi %parallel_loop3A_109, %parallel_loop3A_110 : vector<16xi32>
        %parallel_loop3A_112 = arith.constant 4 : i32
        %parallel_loop3A_113 = vector.broadcast %parallel_loop3A_112 : i32 to vector<16xi32>
        %parallel_loop3A_114 = arith.ori %parallel_loop3A_111, %parallel_loop3A_113 : vector<16xi32>
        %parallel_loop3A_115 = tpu.bitcast %parallel_loop3A_114 : vector<16xi32> -> vector<16xf32>
        %parallel_loop3A_116 = tpu.bitcast %parallel_loop3A_94 : vector<16xf32> -> vector<16xi32>
        %parallel_loop3A_117 = vector.broadcast %scan3A_10 : i32 to vector<16xi32>
        %parallel_loop3A_118 = arith.andi %parallel_loop3A_116, %parallel_loop3A_117 : vector<16xi32>
        %parallel_loop3A_119 = arith.constant 8 : i32
        %parallel_loop3A_120 = vector.broadcast %parallel_loop3A_119 : i32 to vector<16xi32>
        %parallel_loop3A_121 = arith.ori %parallel_loop3A_118, %parallel_loop3A_120 : vector<16xi32>
        %parallel_loop3A_122 = tpu.bitcast %parallel_loop3A_121 : vector<16xi32> -> vector<16xf32>
        %parallel_loop3A_123 = arith.minimumf %parallel_loop3A_101, %parallel_loop3A_108 : vector<16xf32>
        %parallel_loop3A_124 = arith.maximumf %parallel_loop3A_101, %parallel_loop3A_108 : vector<16xf32>
        %parallel_loop3A_125 = arith.minimumf %parallel_loop3A_115, %parallel_loop3A_122 : vector<16xf32>
        %parallel_loop3A_126 = arith.maximumf %parallel_loop3A_115, %parallel_loop3A_122 : vector<16xf32>
        %parallel_loop3A_127 = arith.minimumf %parallel_loop3A_123, %parallel_loop3A_125 : vector<16xf32>
        %parallel_loop3A_128 = arith.maximumf %parallel_loop3A_123, %parallel_loop3A_125 : vector<16xf32>
        %parallel_loop3A_129 = arith.minimumf %parallel_loop3A_124, %parallel_loop3A_126 : vector<16xf32>
        %parallel_loop3A_130 = arith.maximumf %parallel_loop3A_124, %parallel_loop3A_126 : vector<16xf32>
        %parallel_loop3A_131 = arith.minimumf %parallel_loop3A_129, %parallel_loop3A_128 : vector<16xf32>
        %parallel_loop3A_132 = arith.maximumf %parallel_loop3A_129, %parallel_loop3A_128 : vector<16xf32>
        %parallel_loop3A_133 = tpu.bitcast %parallel_loop3A_131 : vector<16xf32> -> vector<16xi32>
        %parallel_loop3A_134 = tpu.bitcast %parallel_loop3A_132 : vector<16xf32> -> vector<16xi32>
        %parallel_loop3A_135 = tpu.bitcast %parallel_loop3A_130 : vector<16xf32> -> vector<16xi32>
        %parallel_loop3A_136 = arith.constant 15 : i32
        %parallel_loop3A_137 = vector.broadcast %parallel_loop3A_136 : i32 to vector<16xi32>
        %parallel_loop3A_138 = arith.andi %parallel_loop3A_135, %parallel_loop3A_137 : vector<16xi32>
        %parallel_loop3A_139 = arith.constant 15 : i32
        %parallel_loop3A_140 = vector.broadcast %parallel_loop3A_139 : i32 to vector<16xi32>
        %parallel_loop3A_141 = arith.andi %parallel_loop3A_134, %parallel_loop3A_140 : vector<16xi32>
        %parallel_loop3A_142 = arith.addi %parallel_loop3A_138, %parallel_loop3A_141 : vector<16xi32>
        %parallel_loop3A_143 = arith.constant 15 : i32
        %parallel_loop3A_144 = vector.broadcast %parallel_loop3A_143 : i32 to vector<16xi32>
        %parallel_loop3A_145 = arith.andi %parallel_loop3A_133, %parallel_loop3A_144 : vector<16xi32>
        %parallel_loop3A_146 = arith.addi %parallel_loop3A_142, %parallel_loop3A_145 : vector<16xi32>
        %parallel_loop3A_147 = arith.addi %parallel_loop3A_146, %iota3A : vector<16xi32>
        %parallel_loop3A_148 = arith.constant 15 : i32
        %parallel_loop3A_149 = vector.broadcast %parallel_loop3A_148 : i32 to vector<16xi32>
        %parallel_loop3A_150 = arith.andi %parallel_loop3A_147, %parallel_loop3A_149 : vector<16xi32>
        %parallel_loop3A_151 = arith.addi %parallel_loop3A_81, %parallel_loop3A_150 : vector<16xi32>
        %parallel_loop3A_152 = arith.addi %parallel_loop3A_142, %iota3A : vector<16xi32>
        %parallel_loop3A_153 = arith.constant 15 : i32
        %parallel_loop3A_154 = vector.broadcast %parallel_loop3A_153 : i32 to vector<16xi32>
        %parallel_loop3A_155 = arith.andi %parallel_loop3A_152, %parallel_loop3A_154 : vector<16xi32>
        %parallel_loop3A_156 = arith.addi %parallel_loop3A_81, %parallel_loop3A_155 : vector<16xi32>
        %parallel_loop3A_157 = arith.addi %parallel_loop3A_138, %iota3A : vector<16xi32>
        %parallel_loop3A_158 = arith.constant 15 : i32
        %parallel_loop3A_159 = vector.broadcast %parallel_loop3A_158 : i32 to vector<16xi32>
        %parallel_loop3A_160 = arith.andi %parallel_loop3A_157, %parallel_loop3A_159 : vector<16xi32>
        %parallel_loop3A_161 = arith.addi %parallel_loop3A_81, %parallel_loop3A_160 : vector<16xi32>
        %parallel_loop3A_162 = arith.subf %parallel_loop3A_131, %parallel_loop3A_127 : vector<16xf32>
        %parallel_loop3A_163 = arith.subf %parallel_loop3A_132, %parallel_loop3A_131 : vector<16xf32>
        %parallel_loop3A_164 = arith.subf %parallel_loop3A_130, %parallel_loop3A_132 : vector<16xf32>
        %parallel_loop3A_165 = arith.constant 16 : i32
        %parallel_loop3A_166 = arith.muli %parallel_loop3A_77, %parallel_loop3A_165 : i32
        %parallel_loop3A_167 = arith.constant 0 : i32
        %parallel_loop3A_168 = arith.addi %parallel_loop3A_167, %parallel_loop3A_166 : i32
        %parallel_loop3A_169 = arith.index_cast %parallel_loop3A_168 : i32 to index
        %parallel_loop3A_170 = tpu.vector_load %arg7[%parallel_loop3A_169] {strides = array<i32>} : memref<1024xf32, #tpu.memory_space<vmem>>, vector<16xf32>,
        %parallel_loop3A_171 = arith.mulf %parallel_loop3A_127, %parallel_loop3A_170 : vector<16xf32>
        %parallel_loop3A_172 = arith.constant 0 : i32
        %parallel_loop3A_173 = vector.broadcast %parallel_loop3A_172 : i32 to vector<16xi32>
        %parallel_loop3A_174 = arith.ori %parallel_loop3A_151, %parallel_loop3A_173 : vector<16xi32>
        %parallel_loop3A_175 = tpu.vector_load_idx %arg6[%parallel_loop3A_174] : memref<16384xf32, #tpu.memory_space<vmem>>[vector<16xi32>], vector<16xf32>,
        %parallel_loop3A_176 = arith.mulf %parallel_loop3A_162, %parallel_loop3A_175 : vector<16xf32>
        %parallel_loop3A_177 = arith.addf %parallel_loop3A_171, %parallel_loop3A_176 : vector<16xf32>
        %parallel_loop3A_178 = arith.constant 0 : i32
        %parallel_loop3A_179 = vector.broadcast %parallel_loop3A_178 : i32 to vector<16xi32>
        %parallel_loop3A_180 = arith.ori %parallel_loop3A_156, %parallel_loop3A_179 : vector<16xi32>
        %parallel_loop3A_181 = tpu.vector_load_idx %arg6[%parallel_loop3A_180] : memref<16384xf32, #tpu.memory_space<vmem>>[vector<16xi32>], vector<16xf32>,
        %parallel_loop3A_182 = arith.mulf %parallel_loop3A_163, %parallel_loop3A_181 : vector<16xf32>
        %parallel_loop3A_183 = arith.constant 0 : i32
        %parallel_loop3A_184 = vector.broadcast %parallel_loop3A_183 : i32 to vector<16xi32>
        %parallel_loop3A_185 = arith.ori %parallel_loop3A_161, %parallel_loop3A_184 : vector<16xi32>
        %parallel_loop3A_186 = tpu.vector_load_idx %arg6[%parallel_loop3A_185] : memref<16384xf32, #tpu.memory_space<vmem>>[vector<16xi32>], vector<16xf32>,
        %parallel_loop3A_187 = arith.mulf %parallel_loop3A_164, %parallel_loop3A_186 : vector<16xf32>
        %parallel_loop3A_188 = arith.addf %parallel_loop3A_182, %parallel_loop3A_187 : vector<16xf32>
        %parallel_loop3A_189 = arith.constant 0 : i32
        %parallel_loop3A_190 = vector.broadcast %parallel_loop3A_189 : i32 to vector<16xi32>
        %parallel_loop3A_191 = arith.addi %parallel_loop3A_75, %parallel_loop3A_190 : vector<16xi32>
        %parallel_loop3A_192 = arith.addf %parallel_loop3A_177, %parallel_loop3A_188 : vector<16xf32>
        tpu.vector_store_idx %arg10[%parallel_loop3A_191], %parallel_loop3A_192 : memref<8192xf32, #tpu.memory_space<vmem>>[vector<16xi32>], vector<16xf32>,
        %parallel_loop3A_193 = arith.constant 16 : i32
        %parallel_loop3A_194 = arith.muli %parallel_loop3A_77, %parallel_loop3A_193 : i32
        %parallel_loop3A_195 = arith.constant 256 : i32
        %parallel_loop3A_196 = arith.addi %parallel_loop3A_195, %parallel_loop3A_194 : i32
        %parallel_loop3A_197 = arith.index_cast %parallel_loop3A_196 : i32 to index
        %parallel_loop3A_198 = tpu.vector_load %arg7[%parallel_loop3A_197] {strides = array<i32>} : memref<1024xf32, #tpu.memory_space<vmem>>, vector<16xf32>,
        %parallel_loop3A_199 = arith.mulf %parallel_loop3A_127, %parallel_loop3A_198 : vector<16xf32>
        %parallel_loop3A_200 = arith.constant 4096 : i32
        %parallel_loop3A_201 = vector.broadcast %parallel_loop3A_200 : i32 to vector<16xi32>
        %parallel_loop3A_202 = arith.ori %parallel_loop3A_151, %parallel_loop3A_201 : vector<16xi32>
        %parallel_loop3A_203 = tpu.vector_load_idx %arg6[%parallel_loop3A_202] : memref<16384xf32, #tpu.memory_space<vmem>>[vector<16xi32>], vector<16xf32>,
        %parallel_loop3A_204 = arith.mulf %parallel_loop3A_162, %parallel_loop3A_203 : vector<16xf32>
        %parallel_loop3A_205 = arith.addf %parallel_loop3A_199, %parallel_loop3A_204 : vector<16xf32>
        %parallel_loop3A_206 = arith.constant 4096 : i32
        %parallel_loop3A_207 = vector.broadcast %parallel_loop3A_206 : i32 to vector<16xi32>
        %parallel_loop3A_208 = arith.ori %parallel_loop3A_156, %parallel_loop3A_207 : vector<16xi32>
        %parallel_loop3A_209 = tpu.vector_load_idx %arg6[%parallel_loop3A_208] : memref<16384xf32, #tpu.memory_space<vmem>>[vector<16xi32>], vector<16xf32>,
        %parallel_loop3A_210 = arith.mulf %parallel_loop3A_163, %parallel_loop3A_209 : vector<16xf32>
        %parallel_loop3A_211 = arith.constant 4096 : i32
        %parallel_loop3A_212 = vector.broadcast %parallel_loop3A_211 : i32 to vector<16xi32>
        %parallel_loop3A_213 = arith.ori %parallel_loop3A_161, %parallel_loop3A_212 : vector<16xi32>
        %parallel_loop3A_214 = tpu.vector_load_idx %arg6[%parallel_loop3A_213] : memref<16384xf32, #tpu.memory_space<vmem>>[vector<16xi32>], vector<16xf32>,
        %parallel_loop3A_215 = arith.mulf %parallel_loop3A_164, %parallel_loop3A_214 : vector<16xf32>
        %parallel_loop3A_216 = arith.addf %parallel_loop3A_210, %parallel_loop3A_215 : vector<16xf32>
        %parallel_loop3A_217 = arith.constant 1 : i32
        %parallel_loop3A_218 = vector.broadcast %parallel_loop3A_217 : i32 to vector<16xi32>
        %parallel_loop3A_219 = arith.addi %parallel_loop3A_75, %parallel_loop3A_218 : vector<16xi32>
        %parallel_loop3A_220 = arith.addf %parallel_loop3A_205, %parallel_loop3A_216 : vector<16xf32>
        tpu.vector_store_idx %arg10[%parallel_loop3A_219], %parallel_loop3A_220 : memref<8192xf32, #tpu.memory_space<vmem>>[vector<16xi32>], vector<16xf32>,
        %parallel_loop3A_221 = arith.constant 16 : i32
        %parallel_loop3A_222 = arith.muli %parallel_loop3A_77, %parallel_loop3A_221 : i32
        %parallel_loop3A_223 = arith.constant 512 : i32
        %parallel_loop3A_224 = arith.addi %parallel_loop3A_223, %parallel_loop3A_222 : i32
        %parallel_loop3A_225 = arith.index_cast %parallel_loop3A_224 : i32 to index
        %parallel_loop3A_226 = tpu.vector_load %arg7[%parallel_loop3A_225] {strides = array<i32>} : memref<1024xf32, #tpu.memory_space<vmem>>, vector<16xf32>,
        %parallel_loop3A_227 = arith.mulf %parallel_loop3A_127, %parallel_loop3A_226 : vector<16xf32>
        %parallel_loop3A_228 = arith.constant 8192 : i32
        %parallel_loop3A_229 = vector.broadcast %parallel_loop3A_228 : i32 to vector<16xi32>
        %parallel_loop3A_230 = arith.ori %parallel_loop3A_151, %parallel_loop3A_229 : vector<16xi32>
        %parallel_loop3A_231 = tpu.vector_load_idx %arg6[%parallel_loop3A_230] : memref<16384xf32, #tpu.memory_space<vmem>>[vector<16xi32>], vector<16xf32>,
        %parallel_loop3A_232 = arith.mulf %parallel_loop3A_162, %parallel_loop3A_231 : vector<16xf32>
        %parallel_loop3A_233 = arith.addf %parallel_loop3A_227, %parallel_loop3A_232 : vector<16xf32>
        %parallel_loop3A_234 = arith.constant 8192 : i32
        %parallel_loop3A_235 = vector.broadcast %parallel_loop3A_234 : i32 to vector<16xi32>
        %parallel_loop3A_236 = arith.ori %parallel_loop3A_156, %parallel_loop3A_235 : vector<16xi32>
        %parallel_loop3A_237 = tpu.vector_load_idx %arg6[%parallel_loop3A_236] : memref<16384xf32, #tpu.memory_space<vmem>>[vector<16xi32>], vector<16xf32>,
        %parallel_loop3A_238 = arith.mulf %parallel_loop3A_163, %parallel_loop3A_237 : vector<16xf32>
        %parallel_loop3A_239 = arith.constant 8192 : i32
        %parallel_loop3A_240 = vector.broadcast %parallel_loop3A_239 : i32 to vector<16xi32>
        %parallel_loop3A_241 = arith.ori %parallel_loop3A_161, %parallel_loop3A_240 : vector<16xi32>
        %parallel_loop3A_242 = tpu.vector_load_idx %arg6[%parallel_loop3A_241] : memref<16384xf32, #tpu.memory_space<vmem>>[vector<16xi32>], vector<16xf32>,
        %parallel_loop3A_243 = arith.mulf %parallel_loop3A_164, %parallel_loop3A_242 : vector<16xf32>
        %parallel_loop3A_244 = arith.addf %parallel_loop3A_238, %parallel_loop3A_243 : vector<16xf32>
        %parallel_loop3A_245 = arith.constant 2 : i32
        %parallel_loop3A_246 = vector.broadcast %parallel_loop3A_245 : i32 to vector<16xi32>
        %parallel_loop3A_247 = arith.addi %parallel_loop3A_75, %parallel_loop3A_246 : vector<16xi32>
        %parallel_loop3A_248 = arith.addf %parallel_loop3A_233, %parallel_loop3A_244 : vector<16xf32>
        tpu.vector_store_idx %arg10[%parallel_loop3A_247], %parallel_loop3A_248 : memref<8192xf32, #tpu.memory_space<vmem>>[vector<16xi32>], vector<16xf32>,
        %parallel_loop3A_249 = arith.constant 16 : i32
        %parallel_loop3A_250 = arith.muli %parallel_loop3A_77, %parallel_loop3A_249 : i32
        %parallel_loop3A_251 = arith.constant 768 : i32
        %parallel_loop3A_252 = arith.addi %parallel_loop3A_251, %parallel_loop3A_250 : i32
        %parallel_loop3A_253 = arith.index_cast %parallel_loop3A_252 : i32 to index
        %parallel_loop3A_254 = tpu.vector_load %arg7[%parallel_loop3A_253] {strides = array<i32>} : memref<1024xf32, #tpu.memory_space<vmem>>, vector<16xf32>,
        %parallel_loop3A_255 = arith.mulf %parallel_loop3A_127, %parallel_loop3A_254 : vector<16xf32>
        %parallel_loop3A_256 = arith.constant 12288 : i32
        %parallel_loop3A_257 = vector.broadcast %parallel_loop3A_256 : i32 to vector<16xi32>
        %parallel_loop3A_258 = arith.ori %parallel_loop3A_151, %parallel_loop3A_257 : vector<16xi32>
        %parallel_loop3A_259 = tpu.vector_load_idx %arg6[%parallel_loop3A_258] : memref<16384xf32, #tpu.memory_space<vmem>>[vector<16xi32>], vector<16xf32>,
        %parallel_loop3A_260 = arith.mulf %parallel_loop3A_162, %parallel_loop3A_259 : vector<16xf32>
        %parallel_loop3A_261 = arith.addf %parallel_loop3A_255, %parallel_loop3A_260 : vector<16xf32>
        %parallel_loop3A_262 = arith.constant 12288 : i32
        %parallel_loop3A_263 = vector.broadcast %parallel_loop3A_262 : i32 to vector<16xi32>
        %parallel_loop3A_264 = arith.ori %parallel_loop3A_156, %parallel_loop3A_263 : vector<16xi32>
        %parallel_loop3A_265 = tpu.vector_load_idx %arg6[%parallel_loop3A_264] : memref<16384xf32, #tpu.memory_space<vmem>>[vector<16xi32>], vector<16xf32>,
        %parallel_loop3A_266 = arith.mulf %parallel_loop3A_163, %parallel_loop3A_265 : vector<16xf32>
        %parallel_loop3A_267 = arith.constant 12288 : i32
        %parallel_loop3A_268 = vector.broadcast %parallel_loop3A_267 : i32 to vector<16xi32>
        %parallel_loop3A_269 = arith.ori %parallel_loop3A_161, %parallel_loop3A_268 : vector<16xi32>
        %parallel_loop3A_270 = tpu.vector_load_idx %arg6[%parallel_loop3A_269] : memref<16384xf32, #tpu.memory_space<vmem>>[vector<16xi32>], vector<16xf32>,
        %parallel_loop3A_271 = arith.mulf %parallel_loop3A_164, %parallel_loop3A_270 : vector<16xf32>
        %parallel_loop3A_272 = arith.addf %parallel_loop3A_266, %parallel_loop3A_271 : vector<16xf32>
        %parallel_loop3A_273 = arith.constant 3 : i32
        %parallel_loop3A_274 = vector.broadcast %parallel_loop3A_273 : i32 to vector<16xi32>
        %parallel_loop3A_275 = arith.addi %parallel_loop3A_75, %parallel_loop3A_274 : vector<16xi32>
        %parallel_loop3A_276 = arith.addf %parallel_loop3A_261, %parallel_loop3A_272 : vector<16xf32>
        tpu.vector_store_idx %arg10[%parallel_loop3A_275], %parallel_loop3A_276 : memref<8192xf32, #tpu.memory_space<vmem>>[vector<16xi32>], vector<16xf32>,
      } {sc.loop_unroll_factor = 4 : i64, sc.parallel_access}
      %dma_start3A_43 = tpu.memref_slice %arg5[%add3A_30] : memref<16777216xf32, #tpu.memory_space<hbm>> -> memref<8192xf32, #tpu.memory_space<hbm>>
      %dma_start3A_44 = tpu.memref_slice %arg5[%add3A_30] : memref<16777216xf32, #tpu.memory_space<hbm>> -> memref<8192xf32, #tpu.memory_space<hbm>>
      tpu.enqueue_dma source(%arg10 : memref<8192xf32, #tpu.memory_space<vmem>>) target(%dma_start3A_44 : memref<8192xf32, #tpu.memory_space<hbm>>) target_semaphore(%arg14 : memref<!tpu.dma_semaphore, #tpu.memory_space<semaphore_mem>>)
      %mul3A_45 = arith.constant 2 : i32
      %mul3A_46 = arith.muli %scan3A_23, %mul3A_45 : i32
      %add3A_47 = arith.constant 1 : i32
      %add3A_48 = arith.addi %mul3A_46, %add3A_47 : i32
      %mul3A_49 = arith.constant 8192 : i32
      %mul3A_50 = arith.muli %add3A_48, %mul3A_49 : i32
      %add3A_51 = arith.addi %mul3A_8, %mul3A_50 : i32
      %add3A_52 = arith.constant 1 : i32
      %add3A_53 = arith.addi %add3A_48, %add3A_52 : i32
      %lt3A_54 = arith.constant 64 : i32
      %lt3A_55 = arith.cmpi slt, %add3A_53, %lt3A_54 : i32
      %convert_element_type3A_56 = arith.extui %lt3A_55 : i1 to i32
      %cond3A_57 = arith.constant 0 : i32
      %cond3A_58 = arith.cmpi ne, %convert_element_type3A_56, %cond3A_57 : i32
      scf.if %cond3A_58 {
        %add3A_71 = arith.constant 8192 : i32
        %add3A_72 = arith.addi %add3A_51, %add3A_71 : i32
        %dma_start3A_73 = tpu.memref_slice %arg2[%add3A_72] : memref<16777216xf32, #tpu.memory_space<hbm>> -> memref<8192xf32, #tpu.memory_space<hbm>>
        %dma_start3A_74 = tpu.memref_slice %arg2[%add3A_72] : memref<16777216xf32, #tpu.memory_space<hbm>> -> memref<8192xf32, #tpu.memory_space<hbm>>
        tpu.enqueue_dma source(%dma_start3A_74 : memref<8192xf32, #tpu.memory_space<hbm>>) target(%arg8 : memref<8192xf32, #tpu.memory_space<vmem>>) target_semaphore(%arg12 : memref<!tpu.dma_semaphore, #tpu.memory_space<semaphore_mem>>)
      } else {
      }
      %dma_wait3A_59 = tpu.memref_slice %arg2[%add3A_51] : memref<16777216xf32, #tpu.memory_space<hbm>> -> memref<8192xf32, #tpu.memory_space<hbm>>
      %dma_wait3A_60 = tpu.memref_slice %arg2[%add3A_51] : memref<16777216xf32, #tpu.memory_space<hbm>> -> memref<8192xf32, #tpu.memory_space<hbm>>
      tpu.wait_dma2 semaphore(%arg13 : memref<!tpu.dma_semaphore, #tpu.memory_space<semaphore_mem>>) src(%dma_wait3A_60 : memref<8192xf32, #tpu.memory_space<hbm>>) dst(%arg9 : memref<8192xf32, #tpu.memory_space<vmem>>)
      %ge3A_61 = arith.constant 2 : i32
      %ge3A_62 = arith.cmpi sge, %add3A_48, %ge3A_61 : i32
      %convert_element_type3A_63 = arith.extui %ge3A_62 : i1 to i32
      %cond3A_64 = arith.constant 0 : i32
      %cond3A_65 = arith.cmpi ne, %convert_element_type3A_63, %cond3A_64 : i32
      scf.if %cond3A_65 {
        %sub3A = arith.constant 16384 : i32
        %sub3A_71 = arith.subi %add3A_51, %sub3A : i32
        %dma_wait3A_72 = tpu.memref_slice %arg5[%sub3A_71] : memref<16777216xf32, #tpu.memory_space<hbm>> -> memref<8192xf32, #tpu.memory_space<hbm>>
        %dma_wait3A_73 = tpu.memref_slice %arg5[%sub3A_71] : memref<16777216xf32, #tpu.memory_space<hbm>> -> memref<8192xf32, #tpu.memory_space<hbm>>
        tpu.wait_dma2 semaphore(%arg15 : memref<!tpu.dma_semaphore, #tpu.memory_space<semaphore_mem>>) src(%arg11 : memref<8192xf32, #tpu.memory_space<vmem>>) dst(%dma_wait3A_73 : memref<8192xf32, #tpu.memory_space<hbm>>)
      } else {
      }
      %parallel_loop3A_66 = arith.constant 0 : i32
      %parallel_loop3A_67 = arith.constant 128 : i32
      %parallel_loop3A_68 = arith.constant 1 : i32
      scf.for %parallel_loop3A_71 = %parallel_loop3A_66 to %parallel_loop3A_67 step %parallel_loop3A_68  : i32 {
        %parallel_loop3A_72 = arith.constant 64 : i32
        %parallel_loop3A_73 = arith.muli %parallel_loop3A_71, %parallel_loop3A_72 : i32
        %parallel_loop3A_74 = vector.broadcast %parallel_loop3A_73 : i32 to vector<16xi32>
        %parallel_loop3A_75 = arith.addi %parallel_loop3A_74, %mul3A_3 : vector<16xi32>
        %parallel_loop3A_76 = arith.constant 15 : i32
        %parallel_loop3A_77 = arith.andi %parallel_loop3A_71, %parallel_loop3A_76 : i32
        %parallel_loop3A_78 = arith.constant 256 : i32
        %parallel_loop3A_79 = arith.muli %parallel_loop3A_77, %parallel_loop3A_78 : i32
        %parallel_loop3A_80 = vector.broadcast %parallel_loop3A_79 : i32 to vector<16xi32>
        %parallel_loop3A_81 = arith.addi %parallel_loop3A_80, %mul3A_6 : vector<16xi32>
        %parallel_loop3A_82 = tpu.vector_load_idx %arg9[%parallel_loop3A_75] : memref<8192xf32, #tpu.memory_space<vmem>>[vector<16xi32>], vector<16xf32>,
        %parallel_loop3A_83 = arith.constant 1 : i32
        %parallel_loop3A_84 = vector.broadcast %parallel_loop3A_83 : i32 to vector<16xi32>
        %parallel_loop3A_85 = arith.addi %parallel_loop3A_75, %parallel_loop3A_84 : vector<16xi32>
        %parallel_loop3A_86 = tpu.vector_load_idx %arg9[%parallel_loop3A_85] : memref<8192xf32, #tpu.memory_space<vmem>>[vector<16xi32>], vector<16xf32>,
        %parallel_loop3A_87 = arith.constant 2 : i32
        %parallel_loop3A_88 = vector.broadcast %parallel_loop3A_87 : i32 to vector<16xi32>
        %parallel_loop3A_89 = arith.addi %parallel_loop3A_75, %parallel_loop3A_88 : vector<16xi32>
        %parallel_loop3A_90 = tpu.vector_load_idx %arg9[%parallel_loop3A_89] : memref<8192xf32, #tpu.memory_space<vmem>>[vector<16xi32>], vector<16xf32>,
        %parallel_loop3A_91 = arith.constant 3 : i32
        %parallel_loop3A_92 = vector.broadcast %parallel_loop3A_91 : i32 to vector<16xi32>
        %parallel_loop3A_93 = arith.addi %parallel_loop3A_75, %parallel_loop3A_92 : vector<16xi32>
        %parallel_loop3A_94 = tpu.vector_load_idx %arg9[%parallel_loop3A_93] : memref<8192xf32, #tpu.memory_space<vmem>>[vector<16xi32>], vector<16xf32>,
        %parallel_loop3A_95 = tpu.bitcast %parallel_loop3A_82 : vector<16xf32> -> vector<16xi32>
        %parallel_loop3A_96 = vector.broadcast %scan3A_10 : i32 to vector<16xi32>
        %parallel_loop3A_97 = arith.andi %parallel_loop3A_95, %parallel_loop3A_96 : vector<16xi32>
        %parallel_loop3A_98 = arith.constant 1 : i32
        %parallel_loop3A_99 = vector.broadcast %parallel_loop3A_98 : i32 to vector<16xi32>
        %parallel_loop3A_100 = arith.ori %parallel_loop3A_97, %parallel_loop3A_99 : vector<16xi32>
        %parallel_loop3A_101 = tpu.bitcast %parallel_loop3A_100 : vector<16xi32> -> vector<16xf32>
        %parallel_loop3A_102 = tpu.bitcast %parallel_loop3A_86 : vector<16xf32> -> vector<16xi32>
        %parallel_loop3A_103 = vector.broadcast %scan3A_10 : i32 to vector<16xi32>
        %parallel_loop3A_104 = arith.andi %parallel_loop3A_102, %parallel_loop3A_103 : vector<16xi32>
        %parallel_loop3A_105 = arith.constant 2 : i32
        %parallel_loop3A_106 = vector.broadcast %parallel_loop3A_105 : i32 to vector<16xi32>
        %parallel_loop3A_107 = arith.ori %parallel_loop3A_104, %parallel_loop3A_106 : vector<16xi32>
        %parallel_loop3A_108 = tpu.bitcast %parallel_loop3A_107 : vector<16xi32> -> vector<16xf32>
        %parallel_loop3A_109 = tpu.bitcast %parallel_loop3A_90 : vector<16xf32> -> vector<16xi32>
        %parallel_loop3A_110 = vector.broadcast %scan3A_10 : i32 to vector<16xi32>
        %parallel_loop3A_111 = arith.andi %parallel_loop3A_109, %parallel_loop3A_110 : vector<16xi32>
        %parallel_loop3A_112 = arith.constant 4 : i32
        %parallel_loop3A_113 = vector.broadcast %parallel_loop3A_112 : i32 to vector<16xi32>
        %parallel_loop3A_114 = arith.ori %parallel_loop3A_111, %parallel_loop3A_113 : vector<16xi32>
        %parallel_loop3A_115 = tpu.bitcast %parallel_loop3A_114 : vector<16xi32> -> vector<16xf32>
        %parallel_loop3A_116 = tpu.bitcast %parallel_loop3A_94 : vector<16xf32> -> vector<16xi32>
        %parallel_loop3A_117 = vector.broadcast %scan3A_10 : i32 to vector<16xi32>
        %parallel_loop3A_118 = arith.andi %parallel_loop3A_116, %parallel_loop3A_117 : vector<16xi32>
        %parallel_loop3A_119 = arith.constant 8 : i32
        %parallel_loop3A_120 = vector.broadcast %parallel_loop3A_119 : i32 to vector<16xi32>
        %parallel_loop3A_121 = arith.ori %parallel_loop3A_118, %parallel_loop3A_120 : vector<16xi32>
        %parallel_loop3A_122 = tpu.bitcast %parallel_loop3A_121 : vector<16xi32> -> vector<16xf32>
        %parallel_loop3A_123 = arith.minimumf %parallel_loop3A_101, %parallel_loop3A_108 : vector<16xf32>
        %parallel_loop3A_124 = arith.maximumf %parallel_loop3A_101, %parallel_loop3A_108 : vector<16xf32>
        %parallel_loop3A_125 = arith.minimumf %parallel_loop3A_115, %parallel_loop3A_122 : vector<16xf32>
        %parallel_loop3A_126 = arith.maximumf %parallel_loop3A_115, %parallel_loop3A_122 : vector<16xf32>
        %parallel_loop3A_127 = arith.minimumf %parallel_loop3A_123, %parallel_loop3A_125 : vector<16xf32>
        %parallel_loop3A_128 = arith.maximumf %parallel_loop3A_123, %parallel_loop3A_125 : vector<16xf32>
        %parallel_loop3A_129 = arith.minimumf %parallel_loop3A_124, %parallel_loop3A_126 : vector<16xf32>
        %parallel_loop3A_130 = arith.maximumf %parallel_loop3A_124, %parallel_loop3A_126 : vector<16xf32>
        %parallel_loop3A_131 = arith.minimumf %parallel_loop3A_129, %parallel_loop3A_128 : vector<16xf32>
        %parallel_loop3A_132 = arith.maximumf %parallel_loop3A_129, %parallel_loop3A_128 : vector<16xf32>
        %parallel_loop3A_133 = tpu.bitcast %parallel_loop3A_131 : vector<16xf32> -> vector<16xi32>
        %parallel_loop3A_134 = tpu.bitcast %parallel_loop3A_132 : vector<16xf32> -> vector<16xi32>
        %parallel_loop3A_135 = tpu.bitcast %parallel_loop3A_130 : vector<16xf32> -> vector<16xi32>
        %parallel_loop3A_136 = arith.constant 15 : i32
        %parallel_loop3A_137 = vector.broadcast %parallel_loop3A_136 : i32 to vector<16xi32>
        %parallel_loop3A_138 = arith.andi %parallel_loop3A_135, %parallel_loop3A_137 : vector<16xi32>
        %parallel_loop3A_139 = arith.constant 15 : i32
        %parallel_loop3A_140 = vector.broadcast %parallel_loop3A_139 : i32 to vector<16xi32>
        %parallel_loop3A_141 = arith.andi %parallel_loop3A_134, %parallel_loop3A_140 : vector<16xi32>
        %parallel_loop3A_142 = arith.addi %parallel_loop3A_138, %parallel_loop3A_141 : vector<16xi32>
        %parallel_loop3A_143 = arith.constant 15 : i32
        %parallel_loop3A_144 = vector.broadcast %parallel_loop3A_143 : i32 to vector<16xi32>
        %parallel_loop3A_145 = arith.andi %parallel_loop3A_133, %parallel_loop3A_144 : vector<16xi32>
        %parallel_loop3A_146 = arith.addi %parallel_loop3A_142, %parallel_loop3A_145 : vector<16xi32>
        %parallel_loop3A_147 = arith.addi %parallel_loop3A_146, %iota3A : vector<16xi32>
        %parallel_loop3A_148 = arith.constant 15 : i32
        %parallel_loop3A_149 = vector.broadcast %parallel_loop3A_148 : i32 to vector<16xi32>
        %parallel_loop3A_150 = arith.andi %parallel_loop3A_147, %parallel_loop3A_149 : vector<16xi32>
        %parallel_loop3A_151 = arith.addi %parallel_loop3A_81, %parallel_loop3A_150 : vector<16xi32>
        %parallel_loop3A_152 = arith.addi %parallel_loop3A_142, %iota3A : vector<16xi32>
        %parallel_loop3A_153 = arith.constant 15 : i32
        %parallel_loop3A_154 = vector.broadcast %parallel_loop3A_153 : i32 to vector<16xi32>
        %parallel_loop3A_155 = arith.andi %parallel_loop3A_152, %parallel_loop3A_154 : vector<16xi32>
        %parallel_loop3A_156 = arith.addi %parallel_loop3A_81, %parallel_loop3A_155 : vector<16xi32>
        %parallel_loop3A_157 = arith.addi %parallel_loop3A_138, %iota3A : vector<16xi32>
        %parallel_loop3A_158 = arith.constant 15 : i32
        %parallel_loop3A_159 = vector.broadcast %parallel_loop3A_158 : i32 to vector<16xi32>
        %parallel_loop3A_160 = arith.andi %parallel_loop3A_157, %parallel_loop3A_159 : vector<16xi32>
        %parallel_loop3A_161 = arith.addi %parallel_loop3A_81, %parallel_loop3A_160 : vector<16xi32>
        %parallel_loop3A_162 = arith.subf %parallel_loop3A_131, %parallel_loop3A_127 : vector<16xf32>
        %parallel_loop3A_163 = arith.subf %parallel_loop3A_132, %parallel_loop3A_131 : vector<16xf32>
        %parallel_loop3A_164 = arith.subf %parallel_loop3A_130, %parallel_loop3A_132 : vector<16xf32>
        %parallel_loop3A_165 = arith.constant 16 : i32
        %parallel_loop3A_166 = arith.muli %parallel_loop3A_77, %parallel_loop3A_165 : i32
        %parallel_loop3A_167 = arith.constant 0 : i32
        %parallel_loop3A_168 = arith.addi %parallel_loop3A_167, %parallel_loop3A_166 : i32
        %parallel_loop3A_169 = arith.index_cast %parallel_loop3A_168 : i32 to index
        %parallel_loop3A_170 = tpu.vector_load %arg7[%parallel_loop3A_169] {strides = array<i32>} : memref<1024xf32, #tpu.memory_space<vmem>>, vector<16xf32>,
        %parallel_loop3A_171 = arith.mulf %parallel_loop3A_127, %parallel_loop3A_170 : vector<16xf32>
        %parallel_loop3A_172 = arith.constant 0 : i32
        %parallel_loop3A_173 = vector.broadcast %parallel_loop3A_172 : i32 to vector<16xi32>
        %parallel_loop3A_174 = arith.ori %parallel_loop3A_151, %parallel_loop3A_173 : vector<16xi32>
        %parallel_loop3A_175 = tpu.vector_load_idx %arg6[%parallel_loop3A_174] : memref<16384xf32, #tpu.memory_space<vmem>>[vector<16xi32>], vector<16xf32>,
        %parallel_loop3A_176 = arith.mulf %parallel_loop3A_162, %parallel_loop3A_175 : vector<16xf32>
        %parallel_loop3A_177 = arith.addf %parallel_loop3A_171, %parallel_loop3A_176 : vector<16xf32>
        %parallel_loop3A_178 = arith.constant 0 : i32
        %parallel_loop3A_179 = vector.broadcast %parallel_loop3A_178 : i32 to vector<16xi32>
        %parallel_loop3A_180 = arith.ori %parallel_loop3A_156, %parallel_loop3A_179 : vector<16xi32>
        %parallel_loop3A_181 = tpu.vector_load_idx %arg6[%parallel_loop3A_180] : memref<16384xf32, #tpu.memory_space<vmem>>[vector<16xi32>], vector<16xf32>,
        %parallel_loop3A_182 = arith.mulf %parallel_loop3A_163, %parallel_loop3A_181 : vector<16xf32>
        %parallel_loop3A_183 = arith.constant 0 : i32
        %parallel_loop3A_184 = vector.broadcast %parallel_loop3A_183 : i32 to vector<16xi32>
        %parallel_loop3A_185 = arith.ori %parallel_loop3A_161, %parallel_loop3A_184 : vector<16xi32>
        %parallel_loop3A_186 = tpu.vector_load_idx %arg6[%parallel_loop3A_185] : memref<16384xf32, #tpu.memory_space<vmem>>[vector<16xi32>], vector<16xf32>,
        %parallel_loop3A_187 = arith.mulf %parallel_loop3A_164, %parallel_loop3A_186 : vector<16xf32>
        %parallel_loop3A_188 = arith.addf %parallel_loop3A_182, %parallel_loop3A_187 : vector<16xf32>
        %parallel_loop3A_189 = arith.constant 0 : i32
        %parallel_loop3A_190 = vector.broadcast %parallel_loop3A_189 : i32 to vector<16xi32>
        %parallel_loop3A_191 = arith.addi %parallel_loop3A_75, %parallel_loop3A_190 : vector<16xi32>
        %parallel_loop3A_192 = arith.addf %parallel_loop3A_177, %parallel_loop3A_188 : vector<16xf32>
        tpu.vector_store_idx %arg11[%parallel_loop3A_191], %parallel_loop3A_192 : memref<8192xf32, #tpu.memory_space<vmem>>[vector<16xi32>], vector<16xf32>,
        %parallel_loop3A_193 = arith.constant 16 : i32
        %parallel_loop3A_194 = arith.muli %parallel_loop3A_77, %parallel_loop3A_193 : i32
        %parallel_loop3A_195 = arith.constant 256 : i32
        %parallel_loop3A_196 = arith.addi %parallel_loop3A_195, %parallel_loop3A_194 : i32
        %parallel_loop3A_197 = arith.index_cast %parallel_loop3A_196 : i32 to index
        %parallel_loop3A_198 = tpu.vector_load %arg7[%parallel_loop3A_197] {strides = array<i32>} : memref<1024xf32, #tpu.memory_space<vmem>>, vector<16xf32>,
        %parallel_loop3A_199 = arith.mulf %parallel_loop3A_127, %parallel_loop3A_198 : vector<16xf32>
        %parallel_loop3A_200 = arith.constant 4096 : i32
        %parallel_loop3A_201 = vector.broadcast %parallel_loop3A_200 : i32 to vector<16xi32>
        %parallel_loop3A_202 = arith.ori %parallel_loop3A_151, %parallel_loop3A_201 : vector<16xi32>
        %parallel_loop3A_203 = tpu.vector_load_idx %arg6[%parallel_loop3A_202] : memref<16384xf32, #tpu.memory_space<vmem>>[vector<16xi32>], vector<16xf32>,
        %parallel_loop3A_204 = arith.mulf %parallel_loop3A_162, %parallel_loop3A_203 : vector<16xf32>
        %parallel_loop3A_205 = arith.addf %parallel_loop3A_199, %parallel_loop3A_204 : vector<16xf32>
        %parallel_loop3A_206 = arith.constant 4096 : i32
        %parallel_loop3A_207 = vector.broadcast %parallel_loop3A_206 : i32 to vector<16xi32>
        %parallel_loop3A_208 = arith.ori %parallel_loop3A_156, %parallel_loop3A_207 : vector<16xi32>
        %parallel_loop3A_209 = tpu.vector_load_idx %arg6[%parallel_loop3A_208] : memref<16384xf32, #tpu.memory_space<vmem>>[vector<16xi32>], vector<16xf32>,
        %parallel_loop3A_210 = arith.mulf %parallel_loop3A_163, %parallel_loop3A_209 : vector<16xf32>
        %parallel_loop3A_211 = arith.constant 4096 : i32
        %parallel_loop3A_212 = vector.broadcast %parallel_loop3A_211 : i32 to vector<16xi32>
        %parallel_loop3A_213 = arith.ori %parallel_loop3A_161, %parallel_loop3A_212 : vector<16xi32>
        %parallel_loop3A_214 = tpu.vector_load_idx %arg6[%parallel_loop3A_213] : memref<16384xf32, #tpu.memory_space<vmem>>[vector<16xi32>], vector<16xf32>,
        %parallel_loop3A_215 = arith.mulf %parallel_loop3A_164, %parallel_loop3A_214 : vector<16xf32>
        %parallel_loop3A_216 = arith.addf %parallel_loop3A_210, %parallel_loop3A_215 : vector<16xf32>
        %parallel_loop3A_217 = arith.constant 1 : i32
        %parallel_loop3A_218 = vector.broadcast %parallel_loop3A_217 : i32 to vector<16xi32>
        %parallel_loop3A_219 = arith.addi %parallel_loop3A_75, %parallel_loop3A_218 : vector<16xi32>
        %parallel_loop3A_220 = arith.addf %parallel_loop3A_205, %parallel_loop3A_216 : vector<16xf32>
        tpu.vector_store_idx %arg11[%parallel_loop3A_219], %parallel_loop3A_220 : memref<8192xf32, #tpu.memory_space<vmem>>[vector<16xi32>], vector<16xf32>,
        %parallel_loop3A_221 = arith.constant 16 : i32
        %parallel_loop3A_222 = arith.muli %parallel_loop3A_77, %parallel_loop3A_221 : i32
        %parallel_loop3A_223 = arith.constant 512 : i32
        %parallel_loop3A_224 = arith.addi %parallel_loop3A_223, %parallel_loop3A_222 : i32
        %parallel_loop3A_225 = arith.index_cast %parallel_loop3A_224 : i32 to index
        %parallel_loop3A_226 = tpu.vector_load %arg7[%parallel_loop3A_225] {strides = array<i32>} : memref<1024xf32, #tpu.memory_space<vmem>>, vector<16xf32>,
        %parallel_loop3A_227 = arith.mulf %parallel_loop3A_127, %parallel_loop3A_226 : vector<16xf32>
        %parallel_loop3A_228 = arith.constant 8192 : i32
        %parallel_loop3A_229 = vector.broadcast %parallel_loop3A_228 : i32 to vector<16xi32>
        %parallel_loop3A_230 = arith.ori %parallel_loop3A_151, %parallel_loop3A_229 : vector<16xi32>
        %parallel_loop3A_231 = tpu.vector_load_idx %arg6[%parallel_loop3A_230] : memref<16384xf32, #tpu.memory_space<vmem>>[vector<16xi32>], vector<16xf32>,
        %parallel_loop3A_232 = arith.mulf %parallel_loop3A_162, %parallel_loop3A_231 : vector<16xf32>
        %parallel_loop3A_233 = arith.addf %parallel_loop3A_227, %parallel_loop3A_232 : vector<16xf32>
        %parallel_loop3A_234 = arith.constant 8192 : i32
        %parallel_loop3A_235 = vector.broadcast %parallel_loop3A_234 : i32 to vector<16xi32>
        %parallel_loop3A_236 = arith.ori %parallel_loop3A_156, %parallel_loop3A_235 : vector<16xi32>
        %parallel_loop3A_237 = tpu.vector_load_idx %arg6[%parallel_loop3A_236] : memref<16384xf32, #tpu.memory_space<vmem>>[vector<16xi32>], vector<16xf32>,
        %parallel_loop3A_238 = arith.mulf %parallel_loop3A_163, %parallel_loop3A_237 : vector<16xf32>
        %parallel_loop3A_239 = arith.constant 8192 : i32
        %parallel_loop3A_240 = vector.broadcast %parallel_loop3A_239 : i32 to vector<16xi32>
        %parallel_loop3A_241 = arith.ori %parallel_loop3A_161, %parallel_loop3A_240 : vector<16xi32>
        %parallel_loop3A_242 = tpu.vector_load_idx %arg6[%parallel_loop3A_241] : memref<16384xf32, #tpu.memory_space<vmem>>[vector<16xi32>], vector<16xf32>,
        %parallel_loop3A_243 = arith.mulf %parallel_loop3A_164, %parallel_loop3A_242 : vector<16xf32>
        %parallel_loop3A_244 = arith.addf %parallel_loop3A_238, %parallel_loop3A_243 : vector<16xf32>
        %parallel_loop3A_245 = arith.constant 2 : i32
        %parallel_loop3A_246 = vector.broadcast %parallel_loop3A_245 : i32 to vector<16xi32>
        %parallel_loop3A_247 = arith.addi %parallel_loop3A_75, %parallel_loop3A_246 : vector<16xi32>
        %parallel_loop3A_248 = arith.addf %parallel_loop3A_233, %parallel_loop3A_244 : vector<16xf32>
        tpu.vector_store_idx %arg11[%parallel_loop3A_247], %parallel_loop3A_248 : memref<8192xf32, #tpu.memory_space<vmem>>[vector<16xi32>], vector<16xf32>,
        %parallel_loop3A_249 = arith.constant 16 : i32
        %parallel_loop3A_250 = arith.muli %parallel_loop3A_77, %parallel_loop3A_249 : i32
        %parallel_loop3A_251 = arith.constant 768 : i32
        %parallel_loop3A_252 = arith.addi %parallel_loop3A_251, %parallel_loop3A_250 : i32
        %parallel_loop3A_253 = arith.index_cast %parallel_loop3A_252 : i32 to index
        %parallel_loop3A_254 = tpu.vector_load %arg7[%parallel_loop3A_253] {strides = array<i32>} : memref<1024xf32, #tpu.memory_space<vmem>>, vector<16xf32>,
        %parallel_loop3A_255 = arith.mulf %parallel_loop3A_127, %parallel_loop3A_254 : vector<16xf32>
        %parallel_loop3A_256 = arith.constant 12288 : i32
        %parallel_loop3A_257 = vector.broadcast %parallel_loop3A_256 : i32 to vector<16xi32>
        %parallel_loop3A_258 = arith.ori %parallel_loop3A_151, %parallel_loop3A_257 : vector<16xi32>
        %parallel_loop3A_259 = tpu.vector_load_idx %arg6[%parallel_loop3A_258] : memref<16384xf32, #tpu.memory_space<vmem>>[vector<16xi32>], vector<16xf32>,
        %parallel_loop3A_260 = arith.mulf %parallel_loop3A_162, %parallel_loop3A_259 : vector<16xf32>
        %parallel_loop3A_261 = arith.addf %parallel_loop3A_255, %parallel_loop3A_260 : vector<16xf32>
        %parallel_loop3A_262 = arith.constant 12288 : i32
        %parallel_loop3A_263 = vector.broadcast %parallel_loop3A_262 : i32 to vector<16xi32>
        %parallel_loop3A_264 = arith.ori %parallel_loop3A_156, %parallel_loop3A_263 : vector<16xi32>
        %parallel_loop3A_265 = tpu.vector_load_idx %arg6[%parallel_loop3A_264] : memref<16384xf32, #tpu.memory_space<vmem>>[vector<16xi32>], vector<16xf32>,
        %parallel_loop3A_266 = arith.mulf %parallel_loop3A_163, %parallel_loop3A_265 : vector<16xf32>
        %parallel_loop3A_267 = arith.constant 12288 : i32
        %parallel_loop3A_268 = vector.broadcast %parallel_loop3A_267 : i32 to vector<16xi32>
        %parallel_loop3A_269 = arith.ori %parallel_loop3A_161, %parallel_loop3A_268 : vector<16xi32>
        %parallel_loop3A_270 = tpu.vector_load_idx %arg6[%parallel_loop3A_269] : memref<16384xf32, #tpu.memory_space<vmem>>[vector<16xi32>], vector<16xf32>,
        %parallel_loop3A_271 = arith.mulf %parallel_loop3A_164, %parallel_loop3A_270 : vector<16xf32>
        %parallel_loop3A_272 = arith.addf %parallel_loop3A_266, %parallel_loop3A_271 : vector<16xf32>
        %parallel_loop3A_273 = arith.constant 3 : i32
        %parallel_loop3A_274 = vector.broadcast %parallel_loop3A_273 : i32 to vector<16xi32>
        %parallel_loop3A_275 = arith.addi %parallel_loop3A_75, %parallel_loop3A_274 : vector<16xi32>
        %parallel_loop3A_276 = arith.addf %parallel_loop3A_261, %parallel_loop3A_272 : vector<16xf32>
        tpu.vector_store_idx %arg11[%parallel_loop3A_275], %parallel_loop3A_276 : memref<8192xf32, #tpu.memory_space<vmem>>[vector<16xi32>], vector<16xf32>,
      } {sc.loop_unroll_factor = 4 : i64, sc.parallel_access}
      %dma_start3A_69 = tpu.memref_slice %arg5[%add3A_51] : memref<16777216xf32, #tpu.memory_space<hbm>> -> memref<8192xf32, #tpu.memory_space<hbm>>
      %dma_start3A_70 = tpu.memref_slice %arg5[%add3A_51] : memref<16777216xf32, #tpu.memory_space<hbm>> -> memref<8192xf32, #tpu.memory_space<hbm>>
      tpu.enqueue_dma source(%arg11 : memref<8192xf32, #tpu.memory_space<vmem>>) target(%dma_start3A_70 : memref<8192xf32, #tpu.memory_space<hbm>>) target_semaphore(%arg15 : memref<!tpu.dma_semaphore, #tpu.memory_space<semaphore_mem>>)
    }
    %scan3A_15 = arith.constant 32 : i32
    %add3A_16 = arith.constant 507904 : i32
    %add3A_17 = arith.addi %mul3A_8, %add3A_16 : i32
    %dma_wait3A = tpu.memref_slice %arg5[%add3A_17] : memref<16777216xf32, #tpu.memory_space<hbm>> -> memref<8192xf32, #tpu.memory_space<hbm>>
    %dma_wait3A_18 = tpu.memref_slice %arg5[%add3A_17] : memref<16777216xf32, #tpu.memory_space<hbm>> -> memref<8192xf32, #tpu.memory_space<hbm>>
    tpu.wait_dma2 semaphore(%arg14 : memref<!tpu.dma_semaphore, #tpu.memory_space<semaphore_mem>>) src(%arg10 : memref<8192xf32, #tpu.memory_space<vmem>>) dst(%dma_wait3A_18 : memref<8192xf32, #tpu.memory_space<hbm>>)
    %add3A_19 = arith.constant 516096 : i32
    %add3A_20 = arith.addi %mul3A_8, %add3A_19 : i32
    %dma_wait3A_21 = tpu.memref_slice %arg5[%add3A_20] : memref<16777216xf32, #tpu.memory_space<hbm>> -> memref<8192xf32, #tpu.memory_space<hbm>>
    %dma_wait3A_22 = tpu.memref_slice %arg5[%add3A_20] : memref<16777216xf32, #tpu.memory_space<hbm>> -> memref<8192xf32, #tpu.memory_space<hbm>>
    tpu.wait_dma2 semaphore(%arg15 : memref<!tpu.dma_semaphore, #tpu.memory_space<semaphore_mem>>) src(%arg11 : memref<8192xf32, #tpu.memory_space<vmem>>) dst(%dma_wait3A_22 : memref<8192xf32, #tpu.memory_space<hbm>>)
    return
  }
}

</mosaic_0001>

<sc_bundles>
// kernel: gather_offload_async_start
scs
__scs_entry_jumppad:
0x0: {  	(pc) =	sbr.rel $0x88, $3  }
0x1: {  	(tag) =	ssettag $0x0;
	lr =	simm.s32 $0x1  }
0x2: {  	[smem:$0x3F9F] =	sst lr;
	_ =	strace $0xD0000000  }
0x3: {  	_ = 	snop  }
0x4: {  	_ = 	snop  }
0x5: {  	_ = 	snop  }
0x6: {  	_ = 	snop  }
0x7: {  	_ = 	snop  }
__scs_overlays_trampoline_lowered:
0x8: {  	[smem:$0x3FAE] =	sst s0  }
0x9: {  	[smem:$0x3FAF] =	sst s1  }
0xa: {  	[smem:$0x3FB0] =	sst s2  }
0xb: {  	[smem:$0x3FB1] =	sst s3  }
0xc: {  	[smem:$0x3FB2] =	sst s4  }
0xd: {  	[smem:$0x3FB3] =	sst s5  }
0xe: {  	[smem:$0x3FB4] =	sst s6  }
0xf: {  	[smem:$0x3FB5] =	sst s7  }
0x10: {  	[smem:$0x3FB6] =	sst s8  }
0x11: {  	[smem:$0x3FB7] =	sst s9;
	s0 =	simm.s32 @!p0 $0x0  }
0x12: {  	s1 =	sld [smem:$0x3F9D];
	s0 =	simm.s32 @p0 $0x1  }
0x13: {  	[smem:$0x3FB8] =	sst s0;
	s0 =	simm.s32 @!p1 $0x0  }
0x14: {  	s2 =	sld [smem:$0x3F9C];
	s0 =	simm.s32 @p1 $0x1  }
0x15: {  	[smem:$0x3FB9] =	sst s0;
	s0 =	simm.s32 @!p2 $0x0  }
0x16: {  	s3 =	sld [smem:$0x3FDB];
	s0 =	simm.s32 @p2 $0x1  }
0x17: {  	s4 =	simm.s32 $0x1BF5;
	[smem:$0x3FBB] =	sst s0  }
0x18: {  	s0 =	sld [smem:$0x3F9E];
	_ =	swait.ge [sflag:s4], $0x0  }
0x19: {  	s7 =	sld [smem:$0x3F9F]  }
0x1a: {  	s8 =	sadd.s32 $0xFFFFE003, lr  }
0x1b: {  	s9 =	sadd.s32 $0xFFFFFEF7, lr;
	s5 =	simm.s32 $0xFFFFFFFF;
	p2 =	slt.u32 s8, $0xFFFFF086  }
0x1c: {  	p1 =	slt.u32 s9, $0xF7A;
	s5 =	simm.s32 @!p2 $0x0  }
0x1d: {  	s5 =	simm.s32 @p1 $0x1;
	p0 =	seq.s32 s7, s2  }
0x1e: {  	s7 =	smul.u32 @!p0 $0xF7A, s2;
	p2 =	seq.s32 @!p0 s5, $0x0  }
0x1f: {  	s9 =	smul.u32 $0xF7A, s1;
	s8 =	simm.s32 @!p0 $0x1BF5;
	p2 =	por !p2, p0  }
0x20: {  	[sflag:s8] =	ssyncset.s32 @!p0 $0xFFFFF086;
	s6 =	sadd.s32 @!p0 s3, s7;
	s7 =	simm.s32 @!p0 $0x108  }
0x21: {  	s3 =	sadd.s32 s3, s9;
	s6 =	sadd.s32 @!p0 $0x88, s6;
	s7 =	simm.s32 @p2 $0x1082  }
0x22: {  	[simem:s7], [sflag:s8] =	dma.local @!p0 [hbm:s6], $0xF7A  }
0x23: {  	s9 =	sor.u32 $0xD0000000, s2;
	s6 =	simm.s32 $0x108;
	_ =	swait.ge @!p0 [sflag:s8], $0x0  }
0x24: {  	s3 =	sadd.s32 $0x88, s3;
	s6 =	simm.s32 @!p1 $0x1082;
	[sflag:s4] =	ssyncset.s32 $0xFFFFF086  }
0x25: {  	[simem:s6], [sflag:s4] =	dma.local [hbm:s3], $0xF7A  }
0x26: {  	[smem:$0x3F9F] =	sst s1;
	(tag) =	ssettag s2;
	_ =	strace s9  }
0x27: {  	s1 =	sld [smem:$0x3FAF]  }
0x28: {  	s2 =	sld [smem:$0x3FB0]  }
0x29: {  	s4 =	sld [smem:$0x3FB2]  }
0x2a: {  	p0 =	seq.s32 s5, $0x0;
	s5 =	sld [smem:$0x3FB3]  }
0x2b: {  	s6 =	sld [smem:$0x3FB4]  }
0x2c: {  	s7 =	sld [smem:$0x3FB5]  }
0x2d: {  	s3 =	simm.s32 $0x108;
	s8 =	sld [smem:$0x3FB6]  }
0x2e: {  	s3 =	simm.s32 @!p0 $0x1082;
	s9 =	sld [smem:$0x3FB7]  }
0x2f: {  	lr =	sadd.s32 s0, s3;
	s0 =	sld [smem:$0x3FAE]  }
0x30: {  	s3 =	sld [smem:$0x3FB1]  }
0x31: {  	[smem:$0x3FBA] =	sst s10  }
0x32: {  	s10 =	sld [smem:$0x3FB8];
	_ =	sdelay $0x3  }
0x33: {  	p0 =	seq.s32 s10, $0x1;
	s10 =	sld [smem:$0x3FBA];
	_ =	sdelay $0x3  }
0x34: {  	[smem:$0x3FBA] =	sst s10  }
0x35: {  	s10 =	sld [smem:$0x3FB9];
	_ =	sdelay $0x3  }
0x36: {  	p1 =	seq.s32 s10, $0x1;
	s10 =	sld [smem:$0x3FBA];
	_ =	sdelay $0x3  }
0x37: {  	[smem:$0x3FBA] =	sst s10  }
0x38: {  	s10 =	sld [smem:$0x3FBB]  }
0x39: {  	_ = 	snop;
	(pc) =	sbr.ind lr, $3  }
0x3a: {  	_ = 	snop  }
0x3b: {  	_ = 	snop  }
0x3c: {  	p2 =	seq.s32 s10, $0x1;
	s10 =	sld [smem:$0x3FBA]  }
0x3d: {  	_ =	shalt  }
0x3e: {  	_ =	shalt  }
0x3f: {  	_ =	shalt  }
0x40: {  	_ =	shalt  }
0x41: {  	_ =	shalt  }
0x42: {  	_ =	shalt  }
0x43: {  	_ =	shalt  }
0x44: {  	_ =	shalt  }
0x45: {  	_ =	shalt  }
0x46: {  	_ =	shalt  }
0x47: {  	_ =	shalt  }
0x48: {  	_ =	shalt  }
0x49: {  	_ =	shalt  }
0x4a: {  	_ =	shalt  }
0x4b: {  	_ =	shalt  }
0x4c: {  	_ =	shalt  }
0x4d: {  	_ =	shalt  }
0x4e: {  	_ =	shalt  }
0x4f: {  	_ =	shalt  }
0x50: {  	_ =	shalt  }
0x51: {  	_ =	shalt  }
0x52: {  	_ =	shalt  }
0x53: {  	_ =	shalt  }
0x54: {  	_ =	shalt  }
0x55: {  	_ =	shalt  }
0x56: {  	_ =	shalt  }
0x57: {  	_ =	shalt  }
0x58: {  	_ =	shalt  }
0x59: {  	_ =	shalt  }
0x5a: {  	_ =	shalt  }
0x5b: {  	_ =	shalt  }
0x5c: {  	_ =	shalt  }
0x5d: {  	_ =	shalt  }
0x5e: {  	_ =	shalt  }
0x5f: {  	_ =	shalt  }
0x60: {  	_ =	shalt  }
0x61: {  	_ =	shalt  }
0x62: {  	_ =	shalt  }
0x63: {  	_ =	shalt  }
0x64: {  	_ =	shalt  }
0x65: {  	_ =	shalt  }
0x66: {  	_ =	shalt  }
0x67: {  	_ =	shalt  }
0x68: {  	_ =	shalt  }
0x69: {  	_ =	shalt  }
0x6a: {  	_ =	shalt  }
0x6b: {  	_ =	shalt  }
0x6c: {  	_ =	shalt  }
0x6d: {  	_ =	shalt  }
0x6e: {  	_ =	shalt  }
0x6f: {  	_ =	shalt  }
0x70: {  	_ =	shalt  }
0x71: {  	_ =	shalt  }
0x72: {  	_ =	shalt  }
0x73: {  	_ =	shalt  }
0x74: {  	_ =	shalt  }
0x75: {  	_ =	shalt  }
0x76: {  	_ =	shalt  }
0x77: {  	_ =	shalt  }
0x78: {  	_ =	shalt  }
0x79: {  	_ =	shalt  }
0x7a: {  	_ =	shalt  }
0x7b: {  	_ =	shalt  }
0x7c: {  	_ =	shalt  }
0x7d: {  	_ =	shalt  }
0x7e: {  	_ =	shalt  }
0x7f: {  	_ =	shalt  }
0x80: {  	_ =	shalt  }
0x81: {  	_ =	shalt  }
0x82: {  	_ =	shalt  }
0x83: {  	_ =	shalt  }
0x84: {  	_ =	shalt  }
0x85: {  	_ =	shalt  }
0x86: {  	_ =	shalt  }
0x87: {  	_ =	shalt  }
.Lfunc_end0:
.L_simem_size_0:
called_computation.1_lowered:
.L_overlay_start_0:
0x88: {  	s2 =	sld [smem:$0x3FD9]  }
0x89: {  	s3 =	sld [smem:$0x3FFE];
	_ =	sdelay $0x1  }
0x8a: {  	s1 =	srdreg.scid  }
0x8b: {  	s0 =	sand.u32 $0x1, s1  }
0x8c: {  	s16 =	sshll.u32 s0, $0xA;
	s2 =	sadd.s32 s3, s2  }
0x8d: {  	s2 =	sadd.s32 s2, s16  }
0x8e: {  	[smem:$0x3FC6] =	sst s2  }
0x8f: {  	_ = 	snop  }
0x90: {  	(tm) =	ssettm $0x1  }
0x91: {  	s17 =	sld [smem:$0x3FFB];
	_ =	sdelay $0x3  }
0x92: {  	_ =	strace s17  }
0x93: {  	s2 =	sld [smem:$0x3FFC];
	_ =	sdelay $0x3  }
0x94: {  	_ =	strace s2  }
0x95: {  	s2 =	sld [smem:$0x3FFD];
	_ =	sdelay $0x3  }
0x96: {  	_ =	strace s2  }
0x97: {  	_ =	strace $0x8FFFFFFF  }
0x98: {  	s18 =	sld [smem:$0x3FDB];
	_ =	sdelay $0x1  }
0x99: {  	s19 =	simm.s32 $_scs_section_size  }
0x9a: {  	s4 =	simm.s32 $_size__tile_overlayer_lowered;
	s5 =	simm.s32 $_tile_overlayer_lowered  }
0x9b: {  	s22 =	simm.s32 $0x1BFF;
	s21 =	sshll.u32 s5, $0x1;
	s2 =	sadd.s32 s19, s18  }
0x9c: {  	s6 =	simm.s32 $0x0;
	s20 =	sshll.u32 s4, $0x1;
	s4 =	sadd.s32 s21, s2  }
0x9d: {  	[timem:s6], [sflag:s22] =	dma.local [hbm:s4], s20  }
0x9e: {  	_ =	swait.ge [sflag:s22], s20  }
0x9f: {  	s3 =	ssub.s32 $0x0, s20;
	[sflag:s22] =	ssyncset.done $0x0  }
0xa0: {  	[sflag:s22] =	ssyncadd.s32 s3;
	_ =	sdelay $0x1  }
0xa1: {  	s23 =	simm.s32 $0x1B8B  }
0xa2: {  	_ =	swait.ge [sflag:s23], $0x1  }
0xa3: {  	[sflag:s23] =	ssyncset.done $0x0  }
0xa4: {  	s25 =	simm.s32 $0x1B8E;
	s24 =	sld [smem:$0x3FFE];
	[sflag:s23] =	ssyncadd.s32 $0xFFFFFFFF  }
0xa5: {  	s26 =	simm.s32 $execute0_lowered;
	[smem:$0x3FD2] =	sst s25  }
0xa6: {  	s4 =	sshll.u32 s26, $0x1;
	_ =	strace $0x80000046;
	[dreg:$0x1] =	wrdreg $0xFFFFFFFF  }
0xa7: {  	s28 =	simm.s32 $_size_execute0_lowered;
	s2 =	sadd.s32 s2, s4;
	[dreg:$0x0] =	wrdreg $0x0  }
0xa8: {  	s4 =	sshll.u32 s28, $0x1;
	[dreg:$0x2] =	wrdreg s2  }
0xa9: {  	[dreg:$0x3] =	wrdreg s4  }
0xaa: {  	[dreg:$0x4] =	wrdreg $0xC0  }
0xab: {  	_ =	task [dreg:s6], $0x5FFFF  }
0xac: {  	[dreg:$0x1] =	wrdreg $0xFFFFFFFF  }
0xad: {  	[dreg:$0x0] =	wrdreg $0x60  }
0xae: {  	[dreg:$0x2] =	wrdreg s24  }
0xaf: {  	[dreg:$0x3] =	wrdreg $0xA  }
0xb0: {  	_ =	task.clear_ibuf [dreg:s6], $0x4FFFF;
	_ =	strace $0x90000046  }
0xb1: {  	s29 =	simm.s32 $0xA;
	_ =	strace $0x80000048  }
0xb2: {  	_ =	swait.ge [sflag:s29], $0x1  }
0xb3: {  	[sflag:s29] =	ssyncadd.s32 $0xFFFFFFFF  }
0xb4: {  	_ =	strace $0x90000048  }
0xb5: {  	_ =	sfence  }
0xb6: {  	s30 =	sld [smem:$0x0];
	_ =	sdelay $0x2  }
0xb7: {  	s31 =	sshll.u32 s1, $0xD;
	s1 =	sshrl.u32 s1, $0x2  }
0xb8: {  	s3 =	sand.u32 $0x4000, s31;
	s1 =	sadd.s32 s1, s30  }
0xb9: {  	s0 =	sor.u32 s3, s0;
	s1 =	sshll.u32 s1, $0x11  }
0xba: {  	s0 =	sor.u32 s1, s0  }
0xbb: {  	s0 =	sadd.s32 $0x8F2B, s0  }
0xbc: {  	[sflag:s0] =	ssyncadd.remote.s32 $0x1  }
0xbd: {  	_ =	sfence.sel $0xFFFF  }
0xbe: {  	[dreg:$0x0] =	wrdreg $0xFFFFFFFF;
	(pc) =	sbr.abs _section_cstart, $3  }
0xbf: {  	[dreg:$0x1] =	wrdreg $0xFFFFFFFF  }
0xc0: {  	_ =	task.clear_ibuf [dreg:s6], $0x2FFFF;
	_ =	strace $0x9FFFFFFF  }
0xc1: {  	(tm) =	ssettm $0x7FFFFFFF  }
tec
execute0_lowered:
.L_overlay_start_1:
0x0: {  	(tag) =	ssettag $0x1  }
0x1: {  	s7 =	rddreg [dreg:$0x0]  }
0x2: {  	s0 =	rddreg [dreg:$0x1];
	_ =	strace $0x80000047  }
0x3: {  	s1 =	srdreg.scid;
	s4 =	simm.s32 $0x1;
	s9 =	simm.s32 $0x3  }
0x4: {  	s12 =	simm.s32 $0x0;
	s10 =	simm.s32 $0x0;
	s5 =	sshll.u32 s1, $0x4  }
.Ltmp0:
0x5: {  	s1 =	stileid.u32;
	s5 =	sand.u32 $0x10, s5;
	(pc) =	sbr.rel .LBB2_1-.Ltmp0, $4  }
0x6: {  	s2 =	sadd.s32 $0xE00, s7;
	s3 =	sadd.s32 $0xC00, s7;
	s6 =	sor.u32 s1, s5  }
0x7: {  	[sflag:s4] =	ssyncpa.u1 $0x0;
	s5 =	simm.s32 $0x2;
	s6 =	sshll.u32 s6, $0x7  }
0x8: {  	s7 =	sadd.s32 $0x10E00, s7;
	[sflag:s5] =	ssyncpa.u1 $0x0;
	s8 =	sadd.s32 $0x80, s6  }
0x9: {  	vm0 =	vmmov $0xff;
	vm1 =	vcmask $0x3F20;
	[sflag:s9] =	ssyncpa.u1 $0x0;
	s9 =	simm.s32 $0x80;
	s11 =	smov.u32 s6  }
.LBB2_9:
0xa: {  	p0 =	seq.s32 s10, $0x2  }
.Ltmp1:
0xb: {  	_ = 	snop;
	(pc) =	sbr.rel @p0 .LBB2_11-.Ltmp1, $1  }
0xc: {  	_ =	sdelay $0x3  }
.LBB2_10:
0xd: {  	s12 =	sadd.s32 $0x80, s11  }
0xe: {  	s13 =	smov.u32 s6;
	p0 =	slt.s32 s12, s8  }
0xf: {  	s13 =	smov.u32 @p0 s12  }
0x10: {  	s10 =	sadd.s32 $0x1, s10;
	s12 =	smov.u32 s11;
	s11 =	smov.u32 s13  }
.LBB2_1:
0x11: {  	p0 =	sne.s32 s10, $0x0  }
.Ltmp2:
0x12: {  	_ = 	snop;
	(pc) =	sbr.rel @!p0 .LBB2_2-.Ltmp2, $1  }
0x13: {  	_ =	sdelay $0x3  }
0x14: {  	s13 =	sand.u32 $0x1, s10  }
0x15: {  	p0 =	seq.s32 s13, $0x0  }
.Ltmp3:
0x16: {  	_ = 	snop;
	(pc) =	sbr.rel @p0 .LBB2_9-.Ltmp3, $1  }
0x17: {  	_ =	sdelay $0x3  }
0x18: {  	_ =	swait.ge [sflag:s5], $0x80  }
0x19: {  	[sflag:s5] =	ssyncset.done $0x0  }
0x1a: {  	s13 =	simm.s32 $0x0;
	[sflag:s5] =	ssyncadd.s32 $0xFFFFFF80  }
0x1b: {  	v0 =	vld.msk [tilespmem:s13+$0x80 ss:$0x1], $0xffff;
	_ =	sdelay $0x4  }
0x1c: {  	v1 =	vshrl.u32 v0, $0x1  }
0x1d: {  	vm2 =	veq.s32 v0, $0x80000000;
	v0 =	vshll.u32 v0, $0xB;
	v1 =	vand.u32 $0x780, v1  }
0x1e: {  	v0 =	vand.u32 $0x7F800, v0;
	v1 =	vsel vm2, $0xFFFFFF80, v1  }
0x1f: {  	v0 =	vsel vm2, $0xFFFFF800, v0;
	v2 =	vand.u32 $0xFFFFFC00, v1  }
0x20: {  	v1 =	vand.u32 $0x380, v1;
	v0 =	vadd.s32 v0, v2  }
0x21: {  	v0 =	vor.u32 v1, v0  }
0x22: {  	v0 =	vshrl.u32 v0, $0x3;
	_ =	sdelay $0x3  }
0x23: {  	s13 =	simm.s32 $0x4100  }
0x24: {  	[tilespmem:s13], [sflag:$0x1] =	stream.indirect_vreg.gather [hbm:s2], $0x80, v0, vm0, $0x38;
	[tilespmem:$0x8100] =	vst v63  }
0x25: {  	s14 =	simm.s32 $0x4500;
	s31 =	simm.s32 $0x10  }
0x26: {  	[tilespmem:s14], [sflag:$0x1] =	stream.indirect_vreg.gather [hbm:s2], $0x80, v0, vm1, $0x38;
	[tilespmem:$0x8100] =	vst v63  }
0x27: {  	s14 =	simm.s32 $0x80;
	v0 =	vld.msk [tilespmem:s31+$0x80 ss:$0x1], $0xffff  }
.LBB2_5:
0x28: {  	p0 =	sne.s32 s14, $0x1C0;
	_ =	sdelay $0x4  }
0x29: {  	v1 =	vshrl.u32 v0, $0x1  }
0x2a: {  	vm2 =	veq.s32 v0, $0x80000000;
	v0 =	vshll.u32 v0, $0xB;
	v1 =	vand.u32 $0x780, v1  }
0x2b: {  	v0 =	vand.u32 $0x7F800, v0;
	v1 =	vsel vm2, $0xFFFFFF80, v1  }
0x2c: {  	v0 =	vsel vm2, $0xFFFFF800, v0;
	v2 =	vand.u32 $0xFFFFFC00, v1  }
0x2d: {  	v1 =	vand.u32 $0x380, v1;
	v0 =	vadd.s32 v0, v2  }
0x2e: {  	v0 =	vor.u32 v1, v0  }
0x2f: {  	v0 =	vshrl.u32 v0, $0x3;
	_ =	sdelay $0x3  }
.Ltmp4:
0x30: {  	s13 =	sadd.s32 $0x800, s13;
	(pc) =	sbr.rel @p0 .LBB2_5-.Ltmp4, $4  }
0x31: {  	[tilespmem:s13], [sflag:$0x1] =	stream.indirect_vreg.gather [hbm:s2], $0x80, v0, vm0, $0x38;
	[tilespmem:$0x8100] =	vst v63  }
0x32: {  	s15 =	sshra.s32 s14, $0x2;
	s16 =	sadd.s32 $0x400, s13  }
0x33: {  	[tilespmem:s16], [sflag:$0x1] =	stream.indirect_vreg.gather [hbm:s2], $0x80, v0, vm1, $0x38;
	[tilespmem:$0x8100] =	vst v63  }
0x34: {  	s14 =	sadd.s32 $0x40, s14;
	v0 =	vld.msk [tilespmem:s15+$0x80 ss:$0x1], $0xffff  }
0x35: {  	_ =	sdelay $0x3  }
0x36: {  	v1 =	vshrl.u32 v0, $0x1  }
0x37: {  	vm2 =	veq.s32 v0, $0x80000000;
	v63 =	vshll.u32 v0, $0xB;
	v1 =	vand.u32 $0x780, v1  }
0x38: {  	v0 =	vand.u32 $0x7F800, v63;
	v1 =	vsel vm2, $0xFFFFFF80, v1  }
0x39: {  	v0 =	vsel vm2, $0xFFFFF800, v0;
	v2 =	vand.u32 $0xFFFFFC00, v1  }
0x3a: {  	v1 =	vand.u32 $0x380, v1;
	v0 =	vadd.s32 v0, v2  }
0x3b: {  	v0 =	vor.u32 v1, v0  }
0x3c: {  	v0 =	vshrl.u32 v0, $0x3;
	_ =	sdelay $0x3  }
0x3d: {  	s13 =	sadd.s32 $0x800, s13  }
0x3e: {  	[tilespmem:s13], [sflag:$0x1] =	stream.indirect_vreg.gather [hbm:s2], $0x80, v0, vm0, $0x38;
	[tilespmem:$0x8100] =	vst v63  }
0x3f: {  	s13 =	sadd.s32 $0x400, s13  }
0x40: {  	[tilespmem:s13], [sflag:$0x1] =	stream.indirect_vreg.gather [hbm:s2], $0x80, v0, vm1, $0x38;
	[tilespmem:$0x8100] =	vst v63  }
0x41: {  	s12 =	sshll.u32 s12, $0x4;
	s14 =	simm.s32 $0x80;
	_ =	swait.ge [sflag:s4], $0x4000  }
0x42: {  	s15 =	simm.s32 $0x4500;
	s12 =	sadd.s32 s12, s7;
	[sflag:s4] =	ssyncset.done $0x0  }
0x43: {  	s16 =	sadd.s32 $0x0, s12;
	s13 =	simm.s32 $0x4100;
	[sflag:s4] =	ssyncadd.s32 $0xFFFFC000  }
.LBB2_7:
0x44: {  	[hbm:s16] =	stream.linear.scatter [tilespmem:s13], [sflag:$0x3], $0x400, $0x38;
	[tilespmem:$0x8100] =	vst v63  }
0x45: {  	s16 =	smov.u32 s14;
	s13 =	smov.u32 s15;
	p0 =	sne.s32 s14, $0x780  }
.Ltmp5:
0x46: {  	s14 =	sadd.s32 $0x80, s14;
	(pc) =	sbr.rel @p0 .LBB2_7-.Ltmp5, $2  }
0x47: {  	_ =	sdelay $0x2  }
0x48: {  	s15 =	sadd.s32 $0x400, s15;
	s16 =	sadd.s32 s16, s12  }
.Ltmp6:
0x49: {  	(pc) =	sbr.rel .LBB2_9-.Ltmp6, $2  }
0x4a: {  	_ =	sdelay $0x2  }
0x4b: {  	[hbm:s16] =	stream.linear.scatter [tilespmem:s13], [sflag:$0x3], $0x400, $0x38;
	[tilespmem:$0x8100] =	vst v63  }
.LBB2_2:
.Ltmp7:
0x4c: {  	(pc) =	sbr.rel .LBB2_10-.Ltmp7, $4  }
0x4d: {  	_ = 	snop  }
0x4e: {  	s12 =	sshrl.u32 s11, $0x3  }
0x4f: {  	s13 =	sand.u32 $0x7, s11;
	s12 =	sadd.s32 s3, s12  }
0x50: {  	[tilespmem:s9], [sflag:$0x2] =	stream.linear.gather [hbm4b:s12+s13], $0x80, $0x38;
	[tilespmem:$0x8100] =	vst v63  }
.LBB2_11:
0x51: {  	s2 =	simm.s32 $0x3  }
0x52: {  	_ =	swait.ge [sflag:s2], $0x4000  }
0x53: {  	[sflag:s2] =	ssyncset.done $0x0  }
0x54: {  	[sflag:s2] =	ssyncadd.s32 $0xFFFFC000  }
0x55: {  	_ =	sfence.sel $0x180000  }
0x56: {  	s3 =	simm.s32 $0x2;
	[bflag:$0x0] =	sbarrier.arrive $0xFFFF  }
0x57: {  	[sflag:s3] =	ssyncpa.u1 $0x1  }
0x58: {  	s31 =	simm.s32 $0x1;
	[sflag:s2] =	ssyncpa.u1 $0x1  }
0x59: {  	[sflag:s31] =	ssyncpa.u1 $0x1  }
0x5a: {  	p0 =	sne.s32 s1, $0x0;
	_ =	strace $0x90000047  }
0x5b: {  	s0 =	sadd.s32 @!p0 $0x100000, s0;
	[bflag:$0x2] =	sbarrier.arrive $0xFFFF  }
0x5c: {  	[sflag:s0] =	ssyncadd.tile.s32 @!p0 $0x1;
	_ =	shalt  }
.Lfunc_end2:
_tile_overlayer_lowered:
.L_overlay_start_2:
0x5d: {  	(tag) =	ssettag $0x2  }
0x5e: {  	s0 =	rddreg [dreg:$0x0];
	s2 =	stileid.u32  }
0x5f: {  	s1 =	rddreg [dreg:$0x1];
	p0 =	sne.s32 s2, $0x0  }
0x60: {  	s3 =	rddreg [dreg:$0x2];
	[bflag:$0x3] =	sbarrier.arrive $0xFFFF;
	s2 =	simm.s32 @!p0 $0x1C01  }
0x61: {  	[timem:s3], [sflag:s2] =	dma.local @!p0 [hbm:s0], s1  }
0x62: {  	s0 =	simm.s32 @!p0 $0x1  }
0x63: {  	_ =	swait.ge @!p0 [sflag:s0], s1  }
0x64: {  	s1 =	ssub.s32 @!p0 $0x0, s1;
	[sflag:s0] =	ssyncset.done @!p0 $0x0  }
0x65: {  	[sflag:s0] =	ssyncadd.s32 @!p0 s1  }
0x66: {  	[bflag:$0x3] =	sbarrier.arrive $0xFFFF  }
0x67: {  	_ =	shalt  }

// kernel: kernel.3.cloned.1.call-start
scs
__scs_entry_jumppad:
0x0: {  	(pc) =	sbr.rel $0x88, $3  }
0x1: {  	(tag) =	ssettag $0x0;
	lr =	simm.s32 $0x1  }
0x2: {  	[smem:$0x3F9F] =	sst lr;
	_ =	strace $0xD0000000  }
0x3: {  	_ = 	snop  }
0x4: {  	_ = 	snop  }
0x5: {  	_ = 	snop  }
0x6: {  	_ = 	snop  }
0x7: {  	_ = 	snop  }
__scs_overlays_trampoline_lowered:
0x8: {  	[smem:$0x3FAE] =	sst s0  }
0x9: {  	[smem:$0x3FAF] =	sst s1  }
0xa: {  	[smem:$0x3FB0] =	sst s2  }
0xb: {  	[smem:$0x3FB1] =	sst s3  }
0xc: {  	[smem:$0x3FB2] =	sst s4  }
0xd: {  	[smem:$0x3FB3] =	sst s5  }
0xe: {  	[smem:$0x3FB4] =	sst s6  }
0xf: {  	[smem:$0x3FB5] =	sst s7  }
0x10: {  	[smem:$0x3FB6] =	sst s8  }
0x11: {  	[smem:$0x3FB7] =	sst s9;
	s0 =	simm.s32 @!p0 $0x0  }
0x12: {  	s1 =	sld [smem:$0x3F9D];
	s0 =	simm.s32 @p0 $0x1  }
0x13: {  	[smem:$0x3FB8] =	sst s0;
	s0 =	simm.s32 @!p1 $0x0  }
0x14: {  	s2 =	sld [smem:$0x3F9C];
	s0 =	simm.s32 @p1 $0x1  }
0x15: {  	[smem:$0x3FB9] =	sst s0;
	s0 =	simm.s32 @!p2 $0x0  }
0x16: {  	s3 =	sld [smem:$0x3FDB];
	s0 =	simm.s32 @p2 $0x1  }
0x17: {  	s4 =	simm.s32 $0x1BF5;
	[smem:$0x3FBB] =	sst s0  }
0x18: {  	s0 =	sld [smem:$0x3F9E];
	_ =	swait.ge [sflag:s4], $0x0  }
0x19: {  	s7 =	sld [smem:$0x3F9F]  }
0x1a: {  	s8 =	sadd.s32 $0xFFFFE003, lr  }
0x1b: {  	s9 =	sadd.s32 $0xFFFFFEF7, lr;
	s5 =	simm.s32 $0xFFFFFFFF;
	p2 =	slt.u32 s8, $0xFFFFF086  }
0x1c: {  	p1 =	slt.u32 s9, $0xF7A;
	s5 =	simm.s32 @!p2 $0x0  }
0x1d: {  	s5 =	simm.s32 @p1 $0x1;
	p0 =	seq.s32 s7, s2  }
0x1e: {  	s7 =	smul.u32 @!p0 $0xF7A, s2;
	p2 =	seq.s32 @!p0 s5, $0x0  }
0x1f: {  	s9 =	smul.u32 $0xF7A, s1;
	s8 =	simm.s32 @!p0 $0x1BF5;
	p2 =	por !p2, p0  }
0x20: {  	[sflag:s8] =	ssyncset.s32 @!p0 $0xFFFFF086;
	s6 =	sadd.s32 @!p0 s3, s7;
	s7 =	simm.s32 @!p0 $0x108  }
0x21: {  	s3 =	sadd.s32 s3, s9;
	s6 =	sadd.s32 @!p0 $0x88, s6;
	s7 =	simm.s32 @p2 $0x1082  }
0x22: {  	[simem:s7], [sflag:s8] =	dma.local @!p0 [hbm:s6], $0xF7A  }
0x23: {  	s9 =	sor.u32 $0xD0000000, s2;
	s6 =	simm.s32 $0x108;
	_ =	swait.ge @!p0 [sflag:s8], $0x0  }
0x24: {  	s3 =	sadd.s32 $0x88, s3;
	s6 =	simm.s32 @!p1 $0x1082;
	[sflag:s4] =	ssyncset.s32 $0xFFFFF086  }
0x25: {  	[simem:s6], [sflag:s4] =	dma.local [hbm:s3], $0xF7A  }
0x26: {  	[smem:$0x3F9F] =	sst s1;
	(tag) =	ssettag s2;
	_ =	strace s9  }
0x27: {  	s1 =	sld [smem:$0x3FAF]  }
0x28: {  	s2 =	sld [smem:$0x3FB0]  }
0x29: {  	s4 =	sld [smem:$0x3FB2]  }
0x2a: {  	p0 =	seq.s32 s5, $0x0;
	s5 =	sld [smem:$0x3FB3]  }
0x2b: {  	s6 =	sld [smem:$0x3FB4]  }
0x2c: {  	s7 =	sld [smem:$0x3FB5]  }
0x2d: {  	s3 =	simm.s32 $0x108;
	s8 =	sld [smem:$0x3FB6]  }
0x2e: {  	s3 =	simm.s32 @!p0 $0x1082;
	s9 =	sld [smem:$0x3FB7]  }
0x2f: {  	lr =	sadd.s32 s0, s3;
	s0 =	sld [smem:$0x3FAE]  }
0x30: {  	s3 =	sld [smem:$0x3FB1]  }
0x31: {  	[smem:$0x3FBA] =	sst s10  }
0x32: {  	s10 =	sld [smem:$0x3FB8];
	_ =	sdelay $0x3  }
0x33: {  	p0 =	seq.s32 s10, $0x1;
	s10 =	sld [smem:$0x3FBA];
	_ =	sdelay $0x3  }
0x34: {  	[smem:$0x3FBA] =	sst s10  }
0x35: {  	s10 =	sld [smem:$0x3FB9];
	_ =	sdelay $0x3  }
0x36: {  	p1 =	seq.s32 s10, $0x1;
	s10 =	sld [smem:$0x3FBA];
	_ =	sdelay $0x3  }
0x37: {  	[smem:$0x3FBA] =	sst s10  }
0x38: {  	s10 =	sld [smem:$0x3FBB]  }
0x39: {  	_ = 	snop;
	(pc) =	sbr.ind lr, $3  }
0x3a: {  	_ = 	snop  }
0x3b: {  	_ = 	snop  }
0x3c: {  	p2 =	seq.s32 s10, $0x1;
	s10 =	sld [smem:$0x3FBA]  }
0x3d: {  	_ =	shalt  }
0x3e: {  	_ =	shalt  }
0x3f: {  	_ =	shalt  }
0x40: {  	_ =	shalt  }
0x41: {  	_ =	shalt  }
0x42: {  	_ =	shalt  }
0x43: {  	_ =	shalt  }
0x44: {  	_ =	shalt  }
0x45: {  	_ =	shalt  }
0x46: {  	_ =	shalt  }
0x47: {  	_ =	shalt  }
0x48: {  	_ =	shalt  }
0x49: {  	_ =	shalt  }
0x4a: {  	_ =	shalt  }
0x4b: {  	_ =	shalt  }
0x4c: {  	_ =	shalt  }
0x4d: {  	_ =	shalt  }
0x4e: {  	_ =	shalt  }
0x4f: {  	_ =	shalt  }
0x50: {  	_ =	shalt  }
0x51: {  	_ =	shalt  }
0x52: {  	_ =	shalt  }
0x53: {  	_ =	shalt  }
0x54: {  	_ =	shalt  }
0x55: {  	_ =	shalt  }
0x56: {  	_ =	shalt  }
0x57: {  	_ =	shalt  }
0x58: {  	_ =	shalt  }
0x59: {  	_ =	shalt  }
0x5a: {  	_ =	shalt  }
0x5b: {  	_ =	shalt  }
0x5c: {  	_ =	shalt  }
0x5d: {  	_ =	shalt  }
0x5e: {  	_ =	shalt  }
0x5f: {  	_ =	shalt  }
0x60: {  	_ =	shalt  }
0x61: {  	_ =	shalt  }
0x62: {  	_ =	shalt  }
0x63: {  	_ =	shalt  }
0x64: {  	_ =	shalt  }
0x65: {  	_ =	shalt  }
0x66: {  	_ =	shalt  }
0x67: {  	_ =	shalt  }
0x68: {  	_ =	shalt  }
0x69: {  	_ =	shalt  }
0x6a: {  	_ =	shalt  }
0x6b: {  	_ =	shalt  }
0x6c: {  	_ =	shalt  }
0x6d: {  	_ =	shalt  }
0x6e: {  	_ =	shalt  }
0x6f: {  	_ =	shalt  }
0x70: {  	_ =	shalt  }
0x71: {  	_ =	shalt  }
0x72: {  	_ =	shalt  }
0x73: {  	_ =	shalt  }
0x74: {  	_ =	shalt  }
0x75: {  	_ =	shalt  }
0x76: {  	_ =	shalt  }
0x77: {  	_ =	shalt  }
0x78: {  	_ =	shalt  }
0x79: {  	_ =	shalt  }
0x7a: {  	_ =	shalt  }
0x7b: {  	_ =	shalt  }
0x7c: {  	_ =	shalt  }
0x7d: {  	_ =	shalt  }
0x7e: {  	_ =	shalt  }
0x7f: {  	_ =	shalt  }
0x80: {  	_ =	shalt  }
0x81: {  	_ =	shalt  }
0x82: {  	_ =	shalt  }
0x83: {  	_ =	shalt  }
0x84: {  	_ =	shalt  }
0x85: {  	_ =	shalt  }
0x86: {  	_ =	shalt  }
0x87: {  	_ =	shalt  }
.Lfunc_end0:
.L_simem_size_0:
called_computation.2_lowered:
.L_overlay_start_0:
0x88: {  	s2 =	sld [smem:$0x3FD9]  }
0x89: {  	s3 =	sld [smem:$0x3FFE];
	_ =	sdelay $0x1  }
0x8a: {  	s1 =	srdreg.scid  }
0x8b: {  	s0 =	sand.u32 $0x1, s1  }
0x8c: {  	s17 =	sshll.u32 s0, $0xA;
	s2 =	sadd.s32 s3, s2  }
0x8d: {  	s2 =	sadd.s32 s2, s17  }
0x8e: {  	[smem:$0x3FC6] =	sst s2  }
0x8f: {  	_ = 	snop  }
0x90: {  	s2 =	sld [smem:$0x3FD0];
	(tm) =	ssettm $0x1  }
0x91: {  	s18 =	sld [smem:$0x3FFB];
	_ =	sdelay $0x3  }
0x92: {  	_ =	strace s18  }
0x93: {  	s3 =	sld [smem:$0x3FFC];
	_ =	sdelay $0x3  }
0x94: {  	_ =	strace s3  }
0x95: {  	s3 =	sld [smem:$0x3FFD];
	_ =	sdelay $0x3  }
0x96: {  	_ =	strace s3  }
0x97: {  	_ =	strace $0x8FFFFFFF  }
0x98: {  	s19 =	sld [smem:$0x3FDB];
	_ =	sdelay $0x1  }
0x99: {  	s4 =	simm.s32 $_scs_section_size  }
0x9a: {  	s5 =	simm.s32 $_size__tile_overlayer_lowered;
	s6 =	simm.s32 $_tile_overlayer_lowered  }
0x9b: {  	s22 =	simm.s32 $0x1BFF;
	s21 =	sshll.u32 s6, $0x1;
	s3 =	sadd.s32 s4, s19  }
0x9c: {  	s7 =	simm.s32 $0x0;
	s20 =	sshll.u32 s5, $0x1;
	s5 =	sadd.s32 s21, s3  }
0x9d: {  	[timem:s7], [sflag:s22] =	dma.local [hbm:s5], s20  }
0x9e: {  	_ =	swait.ge [sflag:s22], s20  }
0x9f: {  	s4 =	ssub.s32 $0x0, s20;
	[sflag:s22] =	ssyncset.done $0x0  }
0xa0: {  	[sflag:s22] =	ssyncadd.s32 s4;
	_ =	sdelay $0x1  }
0xa1: {  	s23 =	simm.s32 $0x1B8B  }
0xa2: {  	_ =	swait.ge [sflag:s23], $0x1  }
0xa3: {  	[sflag:s23] =	ssyncset.done $0x0  }
0xa4: {  	s25 =	simm.s32 $0x1B8E;
	s24 =	sld [smem:$0x3FFE];
	[sflag:s23] =	ssyncadd.s32 $0xFFFFFFFF  }
0xa5: {  	s26 =	simm.s32 $execute0_lowered;
	[smem:$0x3FD2] =	sst s25  }
0xa6: {  	s5 =	sshll.u32 s26, $0x1;
	_ =	strace $0x8000004C;
	[dreg:$0x1] =	wrdreg $0xFFFFFFFF  }
0xa7: {  	s28 =	simm.s32 $_size_execute0_lowered;
	s3 =	sadd.s32 s3, s5;
	[dreg:$0x0] =	wrdreg $0x0  }
0xa8: {  	s5 =	sshll.u32 s28, $0x1;
	[dreg:$0x2] =	wrdreg s3  }
0xa9: {  	[dreg:$0x3] =	wrdreg s5  }
0xaa: {  	[dreg:$0x4] =	wrdreg $0xC0  }
0xab: {  	_ =	task [dreg:s7], $0x5FFFF  }
0xac: {  	[dreg:$0x1] =	wrdreg $0xFFFFFFFF  }
0xad: {  	[dreg:$0x0] =	wrdreg $0x60  }
0xae: {  	[dreg:$0x2] =	wrdreg s2  }
0xaf: {  	[dreg:$0x3] =	wrdreg s24  }
0xb0: {  	[dreg:$0x4] =	wrdreg $0x9  }
0xb1: {  	_ =	task.clear_ibuf [dreg:s7], $0x5FFFF;
	_ =	strace $0x9000004C  }
0xb2: {  	s29 =	simm.s32 $0x9;
	_ =	strace $0x8000004E  }
0xb3: {  	_ =	swait.ge [sflag:s29], $0x1  }
0xb4: {  	[sflag:s29] =	ssyncadd.s32 $0xFFFFFFFF  }
0xb5: {  	_ =	strace $0x9000004E  }
0xb6: {  	_ =	sfence  }
0xb7: {  	s30 =	sld [smem:$0x0];
	_ =	sdelay $0x2  }
0xb8: {  	s31 =	sshll.u32 s1, $0xD;
	s1 =	sshrl.u32 s1, $0x2  }
0xb9: {  	s3 =	sand.u32 $0x4000, s31;
	s1 =	sadd.s32 s1, s30  }
0xba: {  	s0 =	sor.u32 s3, s0;
	s1 =	sshll.u32 s1, $0x11  }
0xbb: {  	s0 =	sor.u32 s1, s0  }
0xbc: {  	s0 =	sadd.s32 $0x8F2B, s0  }
0xbd: {  	[sflag:s0] =	ssyncadd.remote.s32 $0x1  }
0xbe: {  	_ =	sfence.sel $0xFFFF  }
0xbf: {  	[dreg:$0x0] =	wrdreg $0xFFFFFFFF;
	(pc) =	sbr.abs _section_cstart, $3  }
0xc0: {  	[dreg:$0x1] =	wrdreg $0xFFFFFFFF  }
0xc1: {  	_ =	task.clear_ibuf [dreg:s7], $0x2FFFF;
	_ =	strace $0x9FFFFFFF  }
0xc2: {  	(tm) =	ssettm $0x7FFFFFFF  }
0xc3: {  	_ =	shalt  }
tec
execute0_lowered:
.L_overlay_start_1:
0x0: {  	(tag) =	ssettag $0x1  }
0x1: {  	v61 =	vlaneseq.u32  }
0x2: {  	s1 =	rddreg [dreg:$0x0];
	s3 =	simm.s32 $0x0;
	v32 =	vmul.u32 $0x10, v61  }
0x3: {  	[smem:$0x7FF] =	sst s3;
	v27 =	vmul.u32 $0x4, v61  }
0x4: {  	s0 =	rddreg [dreg:$0x1];
	_ =	strace $0x8000004D;
	[tilespmem:$0x1FF50] =	vst v32  }
0x5: {  	s2 =	srdreg.scid;
	v31 =	vor.u32 $0x1, v27;
	[tilespmem:$0x1FFF0] =	vst v27  }
0x6: {  	s4 =	stileid.u32;
	s13 =	simm.s32 $0x4400;
	s14 =	simm.s32 $0x6400;
	v33 =	vor.u32 $0x2, v27;
	[tilespmem:$0x1FF60] =	vst v31  }
0x7: {  	s15 =	simm.s32 $0x1;
	s16 =	simm.s32 $0x8400;
	s17 =	simm.s32 $0x2;
	v34 =	vor.u32 $0x3, v27;
	[tilespmem:$0x1FF70] =	vst v33  }
0x8: {  	s18 =	simm.s32 $0x4;
	s2 =	sand.u32 $0x1, s2;
	s5 =	sadd.s32 $0xC00, s0;
	v0 =	vshrl.u32 v61, $0x3;
	v35 =	vor.u32 $0x41, v27;
	[tilespmem:$0x1FF80] =	vst v34  }
0x9: {  	s4 =	sshll.u32 s4, $0x14;
	s6 =	sadd.s32 $0x20E00, s0;
	s29 =	sshll.u32 s2, $0x13;
	v0 =	vmul.u32 $0x80, v0;
	v11 =	vor.u32 $0x42, v27;
	[tilespmem:$0x1FF90] =	vst v35  }
0xa: {  	[dreg:$0x4] =	wrdreg s6;
	s2 =	ssub.s32 $0x2, s2;
	s6 =	sor.u32 s29, s4;
	v19 =	vor.u32 $0x43, v27;
	[tilespmem:$0x1FFA0] =	vst v11  }
0xb: {  	s7 =	sadd.s32 $0x21000, s0;
	s30 =	sshrl.u32 s2, $0x1;
	s4 =	sshrl.u32 s6, $0x3;
	v54 =	vor.u32 $0x1000, v0;
	[tilespmem:$0x1FFB0] =	vst v19  }
0xc: {  	[dreg:$0x3] =	wrdreg s5;
	s0 =	ssub.s32 s2, s30;
	v56 =	vor.u32 $0x2000, v0;
	s31 =	sadd.s32 s1, s4;
	[tilespmem:$0x1FFC0] =	vst v54  }
0xd: {  	s19 =	simm.s32 $0xA400;
	v15 =	vor.u32 $0x3000, v0;
	s0 =	smax.u32 s0, $0x1;
	[tilespmem:$0x1FFD0] =	vst v56;
	[dreg:$0x5] =	wrdreg s31  }
0xe: {  	s9 =	sadd.s32 $0x400, s1;
	s2 =	simm.s32 $0x0;
	[tilespmem:$0x1FFE0] =	vst v15;
	[dreg:$0x6] =	wrdreg s0  }
.LBB2_1:
0xf: {  	[dreg:$0x7] =	wrdreg s2  }
0x10: {  	s0 =	rddreg [dreg:$0x3];
	s29 =	simm.s32 $0x5  }
0x11: {  	[tilespmem:s3], [sflag:$0x5] =	stream.linear.gather [hbm4b:s0+s3], $0x4000, $0x38;
	[tilespmem:$0xC400] =	vst v63  }
0x12: {  	_ =	swait.ge [sflag:s29], $0x4000  }
0x13: {  	[sflag:s29] =	ssyncset.done $0x0  }
0x14: {  	s4 =	simm.s32 $0x4000;
	s30 =	rddreg [dreg:$0x4];
	[sflag:s29] =	ssyncadd.s32 $0xFFFFC000  }
0x15: {  	[tilespmem:s4], [sflag:$0x5] =	stream.linear.gather [hbm4b:s30+s3], $0x400, $0x38;
	[tilespmem:$0xC400] =	vst v63  }
0x16: {  	_ =	swait.ge [sflag:s29], $0x400  }
0x17: {  	[sflag:s29] =	ssyncset.done $0x0  }
0x18: {  	s22 =	simm.s32 $0x0;
	s31 =	rddreg [dreg:$0x5];
	[sflag:s29] =	ssyncadd.s32 $0xFFFFFC00  }
0x19: {  	[tilespmem:s13], [sflag:$0x1] =	stream.linear.gather [hbm4b:s31+s3], $0x2000, $0x38;
	[tilespmem:$0xC400] =	vst v63  }
.LBB2_2:
0x1a: {  	s0 =	sshll.u32 s22, $0xE  }
0x1b: {  	s0 =	sor.u32 s6, s0  }
0x1c: {  	s23 =	sshrl.u32 s0, $0x3  }
0x1d: {  	s0 =	sadd.s32 s23, s9  }
0x1e: {  	[tilespmem:s14], [sflag:$0x2] =	stream.linear.gather [hbm4b:s0+s3], $0x2000, $0x38;
	[tilespmem:$0xC400] =	vst v63  }
0x1f: {  	s5 =	simm.s32 $0x80;
	_ =	swait.ge [sflag:s15], $0x2000  }
0x20: {  	p0 =	seq.s32 s22, $0x0;
	v7 =	vor.u32 s5, v27;
	[sflag:s15] =	ssyncset.done $0x0  }
0x21: {  	s2 =	simm.s32 @!p0 $0x3;
	v2 =	vor.u32 s5, v31;
	[sflag:s15] =	ssyncadd.s32 $0xFFFFE000  }
0x22: {  	v5 =	vor.u32 s5, v33;
	_ =	swait.ge @!p0 [sflag:s2], $0x2000  }
0x23: {  	s4 =	simm.s32 $0xC0;
	v4 =	vor.u32 s5, v34;
	[sflag:s2] =	ssyncset.done @!p0 $0x0  }
0x24: {  	s8 =	simm.s32 $0x0;
	v18 =	vor.u32 s4, v27;
	[tilespmem:$0x1FDC0] =	vst v4;
	[sflag:s2] =	ssyncadd.s32 @!p0 $0xFFFFE000  }
0x25: {  	v12 =	vor.u32 s8, v33;
	v0 =	vld.idx.msk [tilespmem:v7+s13+$0x0], $0xffff  }
0x26: {  	v3 =	vor.u32 s8, v27;
	v1 =	vld.idx.msk [tilespmem:v2+s13+$0x0], $0xffff;
	[tilespmem:$0x1FD90] =	vst v12  }
0x27: {  	v17 =	vor.u32 s8, v31;
	v6 =	vld.idx.msk [tilespmem:v5+s13+$0x0], $0xffff  }
0x28: {  	v14 =	vor.u32 s4, v35;
	v8 =	vld.idx.msk [tilespmem:v4+s13+$0x0], $0xffff  }
0x29: {  	s10 =	simm.s32 $0x40;
	v13 =	vor.u32 s8, v34;
	v30 =	vor.u32 s4, v11;
	v9 =	vld.idx.msk [tilespmem:v18+s13+$0x0], $0xffff;
	[tilespmem:$0x1FD10] =	vst v14  }
0x2a: {  	v16 =	vor.u32 s10, v35;
	v22 =	vor.u32 s10, v11;
	[tilespmem:$0x1FDF0] =	vst v30  }
0x2b: {  	v4 =	vor.u32 s10, v27;
	v10 =	vld.idx.msk [tilespmem:v3+s13+$0x0], $0xffff;
	[tilespmem:$0x1FDE0] =	vst v22  }
0x2c: {  	v11 =	vld.idx.msk [tilespmem:v17+s13+$0x0], $0xffff  }
0x2d: {  	v24 =	vor.u32 s10, v19;
	v12 =	vld.idx.msk [tilespmem:v12+s13+$0x0], $0xffff;
	[tilespmem:$0x1FCE0] =	vst v13  }
0x2e: {  	v13 =	vld.idx.msk [tilespmem:v13+s13+$0x0], $0xffff;
	v0 =	vand.u32 $0xFFFFFFF0, v0;
	v1 =	vand.u32 $0xFFFFFFF0, v1;
	v6 =	vand.u32 $0xFFFFFFF0, v6  }
0x2f: {  	v21 =	vld.idx.msk [tilespmem:v16+s13+$0x0], $0xffff;
	v0 =	vor.u32 $0x1, v0;
	v1 =	vor.u32 $0x2, v1;
	v8 =	vand.u32 $0xFFFFFFF0, v8  }
0x30: {  	v43 =	vld.idx.msk [tilespmem:v4+s13+$0x0], $0xffff;
	v6 =	vor.u32 $0x4, v6;
	v8 =	vor.u32 $0x8, v8;
	v20 =	vmin.f32 v0, v1  }
0x31: {  	s11 =	simm.s32 $0x200;
	v0 =	vmax.f32 v0, v1;
	v1 =	vmin.f32 v6, v8;
	v6 =	vmax.f32 v6, v8;
	v8 =	vld.idx.msk [tilespmem:v22+s13+$0x0], $0xffff  }
0x32: {  	s5 =	sand.u32 $0xE00, s11;
	[tilespmem:$0x1FCF0] =	vst v24;
	v22 =	vmax.f32 v20, v1;
	v23 =	vmin.f32 v0, v6;
	v0 =	vmax.f32 v0, v6  }
0x33: {  	v6 =	vld.idx.msk [tilespmem:v24+s13+$0x0], $0xffff;
	v24 =	vor.u32 s5, v32;
	v25 =	vmax.f32 v23, v22;
	v26 =	vadd.s32 v61, v0  }
0x34: {  	v22 =	vmin.f32 v23, v22;
	v23 =	vadd.s32 v25, v26;
	v26 =	vand.u32 $0xF, v26  }
0x35: {  	s12 =	simm.s32 $0x0;
	v31 =	vadd.s32 v22, v23;
	v23 =	vand.u32 $0xF, v23;
	v26 =	vor.u32 v24, v26  }
0x36: {  	s21 =	simm.s32 $0x20;
	v28 =	vor.u32 s4, v19;
	s20 =	sand.u32 $0x80, s12;
	v31 =	vand.u32 $0xF, v31;
	v23 =	vor.u32 v24, v23  }
0x37: {  	s4 =	sand.u32 $0x60, s21;
	v50 =	vor.u32 s5, v54;
	s2 =	sor.u32 $0x4000, s20;
	v9 =	vand.u32 $0xFFFFFFF0, v9;
	v29 =	vld.idx.msk [tilespmem:v14+s13+$0x0], $0xffff;
	v24 =	vor.u32 v24, v31  }
0x38: {  	s8 =	sor.u32 s4, s2;
	v45 =	vor.u32 $0x1, v9;
	v9 =	vand.u32 $0xFFFFFFF0, v10;
	v10 =	vand.u32 $0xFFFFFFF0, v11;
	v30 =	vld.idx.msk [tilespmem:v30+s13+$0x0], $0xffff;
	[tilespmem:$0x1FD00] =	vst v28  }
0x39: {  	v11 =	vand.u32 $0xFFFFFFF0, v12;
	v12 =	vand.u32 $0xFFFFFFF0, v13;
	v46 =	vand.u32 $0xFFFFFFF0, v21;
	v21 =	vld [tilespmem:s8+$0x0]  }
0x3a: {  	v48 =	vor.u32 $0x2, v10;
	v11 =	vor.u32 $0x4, v11;
	v10 =	vmin.f32 v20, v1;
	v47 =	vld.idx.msk [tilespmem:v26+s3+$0x0], $0xffff  }
0x3b: {  	v12 =	vor.u32 $0x8, v12;
	v19 =	vor.u32 $0x2, v46;
	v13 =	vand.u32 $0xFFFFFFF0, v43;
	v49 =	vld.idx.msk [tilespmem:v23+s3+$0x0], $0xffff  }
0x3c: {  	v0 =	vsub.f32 v0, v25;
	v1 =	vsub.f32 v22, v10;
	v32 =	vmin.f32 v11, v12;
	v36 =	vld.idx.msk [tilespmem:v24+s3+$0x0], $0xffff  }
0x3d: {  	v44 =	vld.idx.msk [tilespmem:v28+s13+$0x0], $0xffff;
	v12 =	vmax.f32 v11, v12;
	v8 =	vand.u32 $0xFFFFFFF0, v8;
	v6 =	vand.u32 $0xFFFFFFF0, v6  }
0x3e: {  	v31 =	vor.u32 $0x1, v9;
	v9 =	vand.u32 $0xFFFFFFF0, v30;
	v37 =	vor.u32 $0x4, v8  }
0x3f: {  	v38 =	vor.u32 $0x8, v6;
	v20 =	vor.u32 $0x4, v9;
	v9 =	vsub.f32 v25, v22  }
0x40: {  	v22 =	vmin.f32 v31, v48;
	v6 =	vmul.f32 v10, v21;
	v8 =	vmul.f32 v0, v47  }
0x41: {  	v21 =	vmax.f32 v31, v48;
	v31 =	vmul.f32 v9, v49;
	v25 =	vmul.f32 v1, v36  }
0x42: {  	v13 =	vor.u32 $0x1, v13;
	v29 =	vand.u32 $0xFFFFFFF0, v29;
	v30 =	vand.u32 $0xFFFFFFF0, v44  }
0x43: {  	v29 =	vor.u32 $0x2, v29;
	v6 =	vadd.f32 v25, v6;
	v25 =	vadd.f32 v8, v31  }
0x44: {  	v11 =	vand.u32 $0x7F, v24;
	v51 =	vmax.f32 v37, v38;
	v35 =	vmin.f32 v45, v29  }
0x45: {  	v31 =	vor.u32 v50, v11;
	v8 =	vand.u32 $0x7F, v23;
	v23 =	vadd.f32 v25, v6  }
0x46: {  	v24 =	vmin.f32 v13, v19;
	v25 =	vor.u32 v50, v8;
	v6 =	vand.u32 $0x7F, v26  }
0x47: {  	v30 =	vor.u32 $0x8, v30;
	v13 =	vmax.f32 v13, v19;
	v26 =	vor.u32 v50, v6;
	[tilespmem:v7+s16+$0x0] =	vst.idx.msk $0xffff, v23  }
0x48: {  	v19 =	vmin.f32 v37, v38;
	v37 =	vmin.f32 v13, v51;
	v13 =	vmax.f32 v13, v51;
	v28 =	vld [tilespmem:$0x1FF50]  }
0x49: {  	v53 =	vmax.f32 v22, v32;
	v41 =	vadd.s32 v61, v13;
	v7 =	vmax.f32 v45, v29;
	v52 =	vld [tilespmem:s8+$0x100]  }
0x4a: {  	v23 =	vmin.f32 v20, v30;
	v20 =	vmax.f32 v20, v30;
	v30 =	vmin.f32 v21, v12;
	v31 =	vld.idx.msk [tilespmem:v31+s3+$0x0], $0xffff  }
0x4b: {  	v12 =	vmax.f32 v21, v12;
	v21 =	vmax.f32 v24, v19;
	v39 =	vmax.f32 v30, v53;
	v25 =	vld.idx.msk [tilespmem:v25+s3+$0x0], $0xffff  }
0x4c: {  	v57 =	vmin.f32 v7, v20;
	v7 =	vmax.f32 v7, v20;
	v20 =	vadd.s32 v61, v12;
	v26 =	vld.idx.msk [tilespmem:v26+s3+$0x0], $0xffff  }
0x4d: {  	s24 =	simm.s32 $0x0;
	v40 =	vmax.f32 v37, v21;
	v36 =	vmin.f32 v30, v53;
	v42 =	vadd.s32 v39, v20  }
0x4e: {  	s4 =	sand.u32 $0xC00, s24;
	v58 =	vadd.s32 v40, v41;
	v20 =	vand.u32 $0xF, v20;
	v59 =	vadd.s32 v36, v42  }
0x4f: {  	v29 =	vor.u32 s4, v28;
	v30 =	vmul.f32 v52, v10;
	v31 =	vmul.f32 v1, v31  }
0x50: {  	s0 =	sand.u32 $0x40, s12;
	s10 =	simm.s32 $0x10;
	v42 =	vand.u32 $0xF, v42;
	v20 =	vor.u32 v29, v20;
	v25 =	vmul.f32 v25, v9  }
0x51: {  	s31 =	sor.u32 s0, s2;
	s10 =	sand.u32 $0x50, s10;
	v30 =	vadd.f32 v31, v30;
	v31 =	vand.u32 $0xF, v59;
	v26 =	vmul.f32 v26, v0  }
0x52: {  	s11 =	simm.s32 $0x30;
	s0 =	sor.u32 s10, s2;
	v46 =	vld [tilespmem:s31+$0x0];
	v51 =	vor.u32 v29, v31;
	v31 =	vand.u32 $0xF, v41;
	v41 =	vor.u32 v29, v42  }
0x53: {  	s11 =	sand.u32 $0x70, s11;
	v48 =	vld [tilespmem:s0+$0x0];
	v25 =	vadd.f32 v26, v25  }
0x54: {  	s30 =	sor.u32 s11, s2;
	v55 =	vmax.f32 v35, v23;
	v28 =	vld [tilespmem:$0x1FF50]  }
0x55: {  	v49 =	vld [tilespmem:s30+$0x0];
	v43 =	vmax.f32 v57, v55;
	v26 =	vor.u32 s5, v56;
	v25 =	vadd.f32 v25, v30  }
0x56: {  	v45 =	vmin.f32 v57, v55;
	v59 =	vsub.f32 v39, v36;
	v63 =	vor.u32 v26, v11;
	v55 =	vld.idx.msk [tilespmem:v20+s3+$0x0], $0xffff  }
0x57: {  	s12 =	simm.s32 $0x100;
	v39 =	vsub.f32 v12, v39;
	v30 =	vor.u32 v26, v8;
	v12 =	vld.idx.msk [tilespmem:v41+s3+$0x0], $0xffff;
	[tilespmem:v2+s16+$0x0] =	vst.idx.msk $0xffff, v25  }
0x58: {  	s12 =	sand.u32 $0xD00, s12;
	v26 =	vor.u32 v26, v6;
	v33 =	vld [tilespmem:s8+$0x200]  }
0x59: {  	v21 =	vmin.f32 v37, v21;
	v44 =	vadd.s32 v61, v7;
	v50 =	vor.u32 s12, v28;
	v28 =	vld [tilespmem:$0x1FF50]  }
0x5a: {  	v60 =	vadd.s32 v43, v44;
	v62 =	vadd.s32 v21, v58;
	v53 =	vor.u32 v50, v31;
	v31 =	vld [tilespmem:$0x1FF60]  }
0x5b: {  	v47 =	vadd.s32 v45, v60;
	v37 =	vand.u32 $0xF, v62;
	v2 =	vand.u32 $0xF, v58;
	v42 =	vld.idx.msk [tilespmem:v63+s3+$0x0], $0xffff  }
0x5c: {  	v25 =	vand.u32 $0xF, v47;
	v47 =	vor.u32 v50, v37;
	v37 =	vand.u32 $0xF, v44;
	v44 =	vld.idx.msk [tilespmem:v30+s3+$0x0], $0xffff  }
0x5d: {  	s25 =	simm.s32 $0x300;
	v34 =	vand.u32 $0xF, v60;
	v2 =	vor.u32 v50, v2;
	v26 =	vld.idx.msk [tilespmem:v26+s3+$0x0], $0xffff  }
0x5e: {  	s2 =	sand.u32 $0xF00, s25;
	v60 =	vsub.f32 v40, v21;
	v29 =	vmin.f32 v24, v19;
	v63 =	vmin.f32 v22, v32;
	v22 =	vld.idx.msk [tilespmem:v51+s3+$0x0], $0xffff  }
0x5f: {  	v58 =	vsub.f32 v13, v40;
	v32 =	vld [tilespmem:$0x1FF50];
	v30 =	vsub.f32 v21, v29;
	v38 =	vor.u32 s2, v28  }
0x60: {  	v40 =	vld.idx.msk [tilespmem:v53+s3+$0x0], $0xffff;
	v28 =	vsub.f32 v36, v63;
	v36 =	vmin.f32 v35, v23;
	v23 =	vmul.f32 v63, v46  }
0x61: {  	v24 =	vld.idx.msk [tilespmem:v47+s3+$0x0], $0xffff;
	v21 =	vmul.f32 v33, v10;
	v25 =	vor.u32 v38, v25;
	v42 =	vmul.f32 v42, v1  }
0x62: {  	v46 =	vld.idx.msk [tilespmem:v2+s3+$0x0], $0xffff;
	v57 =	vor.u32 v38, v34;
	v13 =	vmul.f32 v44, v9;
	v26 =	vmul.f32 v26, v0  }
0x63: {  	v62 =	vmul.f32 v39, v55;
	v12 =	vmul.f32 v59, v12;
	v35 =	vld [tilespmem:$0x1FF90];
	v19 =	vor.u32 v38, v37  }
0x64: {  	v33 =	vld [tilespmem:$0x1FF70];
	v21 =	vadd.f32 v42, v21;
	v13 =	vadd.f32 v26, v13;
	v26 =	vor.u32 s5, v15  }
0x65: {  	v48 =	vmul.f32 v29, v48;
	v34 =	vld [tilespmem:$0x1FF80];
	v22 =	vmul.f32 v28, v22;
	v11 =	vor.u32 v26, v11  }
0x66: {  	v14 =	vand.u32 $0x7F, v51;
	v12 =	vadd.f32 v62, v12;
	v55 =	vld.idx.msk [tilespmem:v25+s3+$0x0], $0xffff;
	v13 =	vadd.f32 v13, v21  }
0x67: {  	v22 =	vadd.f32 v22, v23;
	v42 =	vmul.f32 v60, v46;
	v8 =	vor.u32 v26, v8;
	v46 =	vld.idx.msk [tilespmem:v57+s3+$0x0], $0xffff  }
0x68: {  	v24 =	vmul.f32 v30, v24;
	v21 =	vmul.f32 v58, v40;
	v23 =	vld.idx.msk [tilespmem:v19+s3+$0x0], $0xffff;
	[tilespmem:v5+s16+$0x0] =	vst.idx.msk $0xffff, v13  }
0x69: {  	v50 =	vand.u32 $0x7F, v41;
	v12 =	vadd.f32 v12, v22;
	v13 =	vld [tilespmem:s8+$0x300];
	[tilespmem:$0x1FD80] =	vst v14  }
0x6a: {  	v24 =	vadd.f32 v24, v48;
	v5 =	vadd.f32 v21, v42;
	v11 =	vld.idx.msk [tilespmem:v11+s3+$0x0], $0xffff;
	[tilespmem:$0x1FDB0] =	vst v50  }
0x6b: {  	v52 =	vor.u32 s4, v54;
	v48 =	vand.u32 $0x7F, v20;
	[tilespmem:v3+s16+$0x0] =	vst.idx.msk $0xffff, v12  }
0x6c: {  	v21 =	vor.u32 v52, v14;
	v5 =	vadd.f32 v5, v24;
	v24 =	vand.u32 $0x7F, v47;
	v8 =	vld.idx.msk [tilespmem:v8+s3+$0x0], $0xffff;
	[tilespmem:$0x1FE10] =	vst v48  }
0x6d: {  	v20 =	vor.u32 v52, v50;
	[tilespmem:$0x1FE20] =	vst v24  }
0x6e: {  	v62 =	vand.u32 $0x7F, v2;
	v22 =	vor.u32 s12, v54;
	v12 =	vor.u32 v52, v48;
	[tilespmem:v4+s16+$0x0] =	vst.idx.msk $0xffff, v5  }
0x6f: {  	v40 =	vsub.f32 v7, v43;
	v2 =	vor.u32 v22, v24;
	v7 =	vld [tilespmem:s31+$0x100];
	[tilespmem:$0x1FE30] =	vst v62  }
0x70: {  	s26 =	simm.s32 $0x180;
	v4 =	vor.u32 v26, v6;
	v5 =	vor.u32 v22, v62;
	v6 =	vld [tilespmem:s0+$0x100]  }
0x71: {  	v42 =	vand.u32 $0x7F, v25;
	v3 =	vor.u32 s26, v27;
	v25 =	vld.idx.msk [tilespmem:v21+s3+$0x0], $0xffff  }
0x72: {  	v38 =	vsub.f32 v45, v36;
	v37 =	vsub.f32 v43, v45;
	v20 =	vld.idx.msk [tilespmem:v20+s3+$0x0], $0xffff  }
0x73: {  	v44 =	vmul.f32 v36, v49;
	v49 =	vmovc v39;
	v39 =	vmovc v58;
	v58 =	vand.u32 $0x7F, v57;
	v57 =	vor.u32 s26, v34;
	v12 =	vld.idx.msk [tilespmem:v12+s3+$0x0], $0xffff  }
0x74: {  	v51 =	vmovc v38;
	v52 =	vmov v24;
	v26 =	vmul.f32 v37, v46;
	v46 =	vor.u32 s26, v31;
	v2 =	vld.idx.msk [tilespmem:v2+s3+$0x0], $0xffff;
	[tilespmem:$0x1FE00] =	vst v57  }
0x75: {  	v23 =	vmul.f32 v40, v23;
	v24 =	vmul.f32 v38, v55;
	v38 =	vand.u32 $0x7F, v53;
	v5 =	vld.idx.msk [tilespmem:v5+s3+$0x0], $0xffff;
	[tilespmem:$0x1FE50] =	vst v42  }
0x76: {  	v10 =	vmul.f32 v13, v10;
	v13 =	vld.idx.msk [tilespmem:v3+s13+$0x0], $0xffff;
	[tilespmem:$0x1FE40] =	vst v38  }
0x77: {  	v47 =	vor.u32 s26, v33;
	v24 =	vadd.f32 v24, v44;
	v44 =	vadd.f32 v23, v26;
	[tilespmem:$0x1FEE0] =	vst v63  }
0x78: {  	v45 =	vand.u32 $0x7F, v19;
	v23 =	vor.u32 s2, v54;
	[tilespmem:$0x1FE90] =	vst v28  }
0x79: {  	v55 =	vmov v42;
	v19 =	vadd.f32 v44, v24;
	v24 =	vor.u32 v23, v42;
	v42 =	vld.idx.msk [tilespmem:v46+s13+$0x0], $0xffff;
	[tilespmem:$0x1FE60] =	vst v58  }
0x7a: {  	[tilespmem:$0x1FEA0] =	vst v59  }
0x7b: {  	v22 =	vor.u32 v22, v38;
	[tilespmem:$0x1FEB0] =	vst v49  }
0x7c: {  	v41 =	vor.u32 s12, v56;
	v1 =	vmul.f32 v11, v1;
	v43 =	vor.u32 v23, v58;
	v44 =	vld.idx.msk [tilespmem:v47+s13+$0x0], $0xffff;
	[tilespmem:$0x1FE70] =	vst v45  }
0x7d: {  	v26 =	vor.u32 s4, v56;
	v8 =	vmul.f32 v8, v9;
	v9 =	vor.u32 v23, v45;
	v11 =	vld.idx.msk [tilespmem:v57+s13+$0x0], $0xffff;
	[tilespmem:$0x1FF00] =	vst v29  }
0x7e: {  	v23 =	vor.u32 v26, v14;
	v7 =	vmul.f32 v7, v63;
	v25 =	vmul.f32 v28, v25;
	[tilespmem:$0x1FEF0] =	vst v30  }
0x7f: {  	v1 =	vadd.f32 v1, v10;
	v20 =	vmul.f32 v20, v59;
	v12 =	vmul.f32 v12, v49;
	[tilespmem:$0x1FEC0] =	vst v60  }
0x80: {  	v6 =	vmul.f32 v6, v29;
	v2 =	vmul.f32 v30, v2;
	v7 =	vadd.f32 v25, v7;
	v4 =	vld.idx.msk [tilespmem:v4+s3+$0x0], $0xffff  }
0x81: {  	v25 =	vor.u32 v26, v48;
	v12 =	vadd.f32 v12, v20;
	[tilespmem:v18+s16+$0x0] =	vst.idx.msk $0xffff, v19;
	v22 =	vld.idx.msk [tilespmem:v22+s3+$0x0], $0xffff  }
0x82: {  	v20 =	vor.u32 v26, v50;
	v5 =	vmul.f32 v5, v60;
	v2 =	vadd.f32 v2, v6;
	v18 =	vld.idx.msk [tilespmem:v24+s3+$0x0], $0xffff  }
0x83: {  	v9 =	vld.idx.msk [tilespmem:v9+s3+$0x0], $0xffff;
	v7 =	vadd.f32 v12, v7;
	v12 =	vand.u32 $0xFFFFFFF0, v13;
	v13 =	vand.u32 $0xFFFFFFF0, v42  }
0x84: {  	v26 =	vand.u32 $0xFFFFFFF0, v44;
	v12 =	vor.u32 $0x1, v12;
	v13 =	vor.u32 $0x2, v13  }
0x85: {  	v53 =	vmovc v59;
	v21 =	vmovc v15;
	v11 =	vand.u32 $0xFFFFFFF0, v11;
	v48 =	vor.u32 $0x4, v26;
	v19 =	vmin.f32 v12, v13  }
0x86: {  	v12 =	vmax.f32 v12, v13;
	[tilespmem:v17+s16+$0x0] =	vst.idx.msk $0xffff, v7;
	v11 =	vor.u32 $0x8, v11;
	v22 =	vmul.f32 v22, v39  }
0x87: {  	s8 =	simm.s32 $0x600;
	v15 =	vmovc v38;
	v0 =	vmul.f32 v4, v0;
	v4 =	vor.u32 v41, v52;
	v13 =	vmin.f32 v48, v11  }
0x88: {  	s5 =	sand.u32 $0xE00, s8;
	v59 =	vmovc v45;
	v45 =	vld [tilespmem:s30+$0x100];
	v11 =	vmax.f32 v48, v11;
	v18 =	vmul.f32 v51, v18;
	v9 =	vmul.f32 v9, v40  }
0x89: {  	v42 =	vor.u32 s5, v32;
	v26 =	vmin.f32 v12, v11;
	v11 =	vmax.f32 v12, v11;
	v12 =	vld.idx.msk [tilespmem:v43+s3+$0x0], $0xffff;
	[tilespmem:$0x1FED0] =	vst v39  }
0x8a: {  	s24 =	simm.s32 $0x40;
	v24 =	vmax.f32 v19, v13;
	v5 =	vadd.f32 v22, v5;
	v22 =	vor.u32 v41, v15;
	v23 =	vld.idx.msk [tilespmem:v23+s3+$0x0], $0xffff  }
0x8b: {  	s11 =	simm.s32 $0x60;
	s10 =	sand.u32 $0x80, s24;
	v43 =	vmax.f32 v26, v24;
	v50 =	vadd.s32 v61, v11;
	v24 =	vmin.f32 v26, v24;
	v17 =	vld.idx.msk [tilespmem:v20+s3+$0x0], $0xffff  }
0x8c: {  	s20 =	sand.u32 $0x60, s11;
	s26 =	sor.u32 $0x4000, s10;
	v6 =	vld.idx.msk [tilespmem:v25+s3+$0x0], $0xffff;
	[tilespmem:$0x1FF10] =	vst v51;
	v26 =	vadd.s32 v43, v50;
	v44 =	vand.u32 $0xF, v50;
	v2 =	vadd.f32 v5, v2  }
0x8d: {  	s8 =	sor.u32 s20, s26;
	v57 =	vmovc v60;
	[tilespmem:$0x1FF20] =	vst v37;
	v7 =	vadd.s32 v24, v26;
	v60 =	vand.u32 $0xF, v26;
	v44 =	vor.u32 v42, v44  }
0x8e: {  	v25 =	vld [tilespmem:s8+$0x0];
	[tilespmem:$0x1FF40] =	vst v36;
	v26 =	vmul.f32 v45, v36;
	v7 =	vand.u32 $0xF, v7;
	v48 =	vor.u32 v42, v60  }
0x8f: {  	[tilespmem:$0x1FF30] =	vst v40;
	v5 =	vor.u32 s2, v56;
	v7 =	vor.u32 v42, v7;
	v12 =	vmul.f32 v12, v37  }
0x90: {  	[tilespmem:v16+s16+$0x0] =	vst.idx.msk $0xffff, v2;
	v16 =	vor.u32 v5, v58;
	v10 =	vadd.f32 v18, v26  }
0x91: {  	v18 =	vor.u32 v5, v59;
	v9 =	vadd.f32 v9, v12;
	v12 =	vor.u32 v5, v55;
	v5 =	vld [tilespmem:$0x1FD10]  }
0x92: {  	v20 =	vor.u32 v41, v62;
	v52 =	vld.idx.msk [tilespmem:v44+s3+$0x0], $0xffff  }
0x93: {  	v0 =	vadd.f32 v0, v8;
	v8 =	vld.idx.msk [tilespmem:v48+s3+$0x0], $0xffff  }
0x94: {  	v2 =	vld.idx.msk [tilespmem:v7+s3+$0x0], $0xffff  }
0x95: {  	v38 =	vmov v28;
	v28 =	vmov v40;
	v15 =	vmov v37;
	v4 =	vld.idx.msk [tilespmem:v4+s3+$0x0], $0xffff  }
0x96: {  	v40 =	vsub.f32 v11, v43;
	v0 =	vadd.f32 v0, v1;
	v37 =	vmin.f32 v19, v13;
	v11 =	vld.idx.msk [tilespmem:v22+s3+$0x0], $0xffff  }
0x97: {  	v59 =	vsub.f32 v43, v24;
	v20 =	vld.idx.msk [tilespmem:v20+s3+$0x0], $0xffff;
	v60 =	vsub.f32 v24, v37  }
0x98: {  	v9 =	vadd.f32 v9, v10;
	[tilespmem:$0x1FDD0] =	vst v0;
	v0 =	vmul.f32 v37, v25;
	v45 =	vmul.f32 v40, v52  }
0x99: {  	s21 =	simm.s32 $0x100;
	v1 =	vld [tilespmem:s31+$0x200];
	v8 =	vmul.f32 v59, v8;
	v2 =	vmul.f32 v60, v2  }
0x9a: {  	v55 =	vor.u32 s21, v27;
	v22 =	vld [tilespmem:s0+$0x200];
	[tilespmem:v5+s16+$0x0] =	vst.idx.msk $0xffff, v9;
	v9 =	vor.u32 s21, v31  }
0x9b: {  	v12 =	vld.idx.msk [tilespmem:v12+s3+$0x0], $0xffff;
	[tilespmem:$0x1FE80] =	vst v9;
	v8 =	vadd.f32 v45, v8;
	v0 =	vadd.f32 v2, v0  }
0x9c: {  	v5 =	vor.u32 s21, v33;
	v16 =	vld.idx.msk [tilespmem:v16+s3+$0x0], $0xffff  }
0x9d: {  	v18 =	vld.idx.msk [tilespmem:v18+s3+$0x0], $0xffff;
	v2 =	vor.u32 s21, v34;
	v0 =	vadd.f32 v8, v0  }
0x9e: {  	v52 =	vld [tilespmem:s30+$0x200]  }
0x9f: {  	v14 =	vmov v29;
	v50 =	vmov v39;
	v13 =	vmul.f32 v23, v38;
	v8 =	vld.idx.msk [tilespmem:v55+s13+$0x0], $0xffff;
	[tilespmem:v3+s16+$0x0] =	vst.idx.msk $0xffff, v0  }
0xa0: {  	v23 =	vmul.f32 v17, v53;
	v6 =	vmul.f32 v6, v49;
	v24 =	vor.u32 s5, v54;
	v42 =	vld.idx.msk [tilespmem:v9+s13+$0x0], $0xffff;
	[tilespmem:$0x1FD20] =	vst v5  }
0xa1: {  	s20 =	simm.s32 $0x140;
	v39 =	vand.u32 $0x7F, v7;
	v7 =	vmul.f32 v4, v30;
	v22 =	vmul.f32 v22, v14;
	v43 =	vld.idx.msk [tilespmem:v5+s13+$0x0], $0xffff;
	[tilespmem:$0x1FD30] =	vst v2  }
0xa2: {  	v62 =	vor.u32 s20, v27;
	v53 =	vor.u32 v24, v39;
	v6 =	vadd.f32 v6, v23;
	v23 =	vld.idx.msk [tilespmem:v2+s13+$0x0], $0xffff  }
0xa3: {  	v48 =	vand.u32 $0x7F, v48;
	v1 =	vmul.f32 v1, v63;
	v0 =	vadd.f32 v7, v22;
	v2 =	vld [tilespmem:$0x1FFA0]  }
0xa4: {  	v58 =	vor.u32 s20, v35;
	v38 =	vand.u32 $0x7F, v44;
	v3 =	vor.u32 v24, v48;
	v5 =	vld [tilespmem:$0x1FFB0]  }
0xa5: {  	s25 =	simm.s32 $0x1C0;
	v11 =	vmul.f32 v11, v50;
	v1 =	vadd.f32 v13, v1;
	v24 =	vor.u32 v24, v38;
	[tilespmem:$0x1FDA0] =	vst v0  }
0xa6: {  	v49 =	vor.u32 s25, v27;
	v12 =	vmul.f32 v12, v51;
	v36 =	vmul.f32 v52, v36;
	v7 =	vld [tilespmem:s8+$0x100]  }
0xa7: {  	v63 =	vmul.f32 v20, v57;
	v50 =	vadd.f32 v6, v1;
	v13 =	vmul.f32 v16, v15;
	v22 =	vld.idx.msk [tilespmem:v53+s3+$0x0], $0xffff  }
0xa8: {  	v18 =	vmul.f32 v18, v28;
	v53 =	vadd.f32 v12, v36;
	v12 =	vld.idx.msk [tilespmem:v62+s13+$0x0], $0xffff;
	v4 =	vor.u32 s20, v2  }
0xa9: {  	v8 =	vand.u32 $0xFFFFFFF0, v8;
	v51 =	vand.u32 $0xFFFFFFF0, v42;
	v44 =	vld.idx.msk [tilespmem:v3+s3+$0x0], $0xffff;
	v0 =	vor.u32 s20, v5  }
0xaa: {  	v57 =	vadd.f32 v18, v13;
	v8 =	vor.u32 $0x1, v8;
	v13 =	vld.idx.msk [tilespmem:v24+s3+$0x0], $0xffff;
	v42 =	vor.u32 $0x2, v51  }
0xab: {  	v52 =	vor.u32 s25, v35;
	v41 =	vld.idx.msk [tilespmem:v58+s13+$0x0], $0xffff;
	v18 =	vmin.f32 v8, v42;
	v8 =	vmax.f32 v8, v42  }
0xac: {  	v24 =	vand.u32 $0xFFFFFFF0, v43;
	v1 =	vor.u32 s25, v5;
	v2 =	vor.u32 s25, v2;
	[tilespmem:$0x1FD40] =	vst v4  }
0xad: {  	v23 =	vand.u32 $0xFFFFFFF0, v23;
	v24 =	vor.u32 $0x4, v24;
	v7 =	vmul.f32 v7, v37;
	v43 =	vld.idx.msk [tilespmem:v4+s13+$0x0], $0xffff;
	[tilespmem:$0x1FD50] =	vst v0  }
0xae: {  	v22 =	vmul.f32 v60, v22;
	v23 =	vor.u32 $0x8, v23;
	v12 =	vand.u32 $0xFFFFFFF0, v12;
	v36 =	vld.idx.msk [tilespmem:v0+s13+$0x0], $0xffff  }
0xaf: {  	v44 =	vmul.f32 v44, v59;
	v13 =	vmul.f32 v13, v40;
	v27 =	vmin.f32 v24, v23;
	v0 =	vld.idx.msk [tilespmem:v49+s13+$0x0], $0xffff  }
0xb0: {  	v23 =	vmax.f32 v24, v23;
	v24 =	vand.u32 $0xFFFFFFF0, v41;
	v12 =	vor.u32 $0x1, v12;
	v51 =	vld.idx.msk [tilespmem:v52+s13+$0x0], $0xffff;
	[tilespmem:$0x1FD60] =	vst v2  }
0xb1: {  	v29 =	vmovc v21;
	v7 =	vadd.f32 v22, v7;
	v24 =	vor.u32 $0x2, v24;
	v13 =	vadd.f32 v13, v44;
	v22 =	vld.idx.msk [tilespmem:v2+s13+$0x0], $0xffff  }
0xb2: {  	v63 =	vadd.f32 v11, v63;
	s20 =	simm.s32 $0x400;
	v21 =	vmin.f32 v8, v23;
	v45 =	vmin.f32 v12, v24;
	[tilespmem:$0x1FD70] =	vst v1  }
0xb3: {  	s20 =	sand.u32 $0xC00, s20;
	v12 =	vmax.f32 v12, v24;
	v7 =	vadd.f32 v13, v7;
	v17 =	vld.idx.msk [tilespmem:v1+s13+$0x0], $0xffff;
	v16 =	vand.u32 $0xFFFFFFF0, v43  }
0xb4: {  	v2 =	vor.u32 s20, v32;
	v19 =	vand.u32 $0xFFFFFFF0, v36;
	v41 =	vor.u32 $0x4, v16  }
0xb5: {  	v0 =	vand.u32 $0xFFFFFFF0, v0;
	v13 =	vand.u32 $0xFFFFFFF0, v51;
	v44 =	vor.u32 $0x8, v19  }
0xb6: {  	v0 =	vor.u32 $0x1, v0;
	v22 =	vand.u32 $0xFFFFFFF0, v22;
	v13 =	vor.u32 $0x2, v13  }
0xb7: {  	v19 =	vmax.f32 v18, v27;
	v24 =	vmin.f32 v41, v44;
	v41 =	vmax.f32 v41, v44  }
0xb8: {  	v36 =	vand.u32 $0xFFFFFFF0, v17;
	v22 =	vor.u32 $0x4, v22;
	v44 =	vmin.f32 v0, v13  }
0xb9: {  	v1 =	vmax.f32 v0, v13;
	v13 =	vmax.f32 v8, v23;
	v42 =	vor.u32 $0x8, v36  }
0xba: {  	[tilespmem:v46+s16+$0x0] =	vst.idx.msk $0xffff, v7;
	v28 =	vmin.f32 v22, v42;
	v7 =	vmax.f32 v22, v42;
	v22 =	vor.u32 s5, v56  }
0xbb: {  	v8 =	vmax.f32 v21, v19;
	v23 =	vmin.f32 v12, v41;
	v51 =	vor.u32 v22, v39  }
0xbc: {  	v15 =	vmax.f32 v12, v41;
	v41 =	vmin.f32 v21, v19;
	v36 =	vor.u32 v22, v48  }
0xbd: {  	v21 =	vmax.f32 v45, v24;
	v5 =	vadd.s32 v61, v13;
	v22 =	vor.u32 v22, v38  }
0xbe: {  	v10 =	vmax.f32 v23, v21;
	v9 =	vmin.f32 v23, v21;
	v21 =	vadd.s32 v61, v15  }
0xbf: {  	v6 =	vld [tilespmem:s8+$0x200];
	v23 =	vadd.s32 v8, v5;
	v5 =	vand.u32 $0xF, v5;
	v3 =	vmin.f32 v1, v7  }
0xc0: {  	v4 =	vadd.s32 v10, v21;
	v0 =	vadd.s32 v41, v23;
	v25 =	vmax.f32 v1, v7;
	v42 =	vld.idx.msk [tilespmem:v51+s3+$0x0], $0xffff  }
0xc1: {  	s21 =	simm.s32 $0x500;
	v1 =	vmax.f32 v44, v28;
	v0 =	vand.u32 $0xF, v0;
	v46 =	vadd.s32 v9, v4;
	v11 =	vld.idx.msk [tilespmem:v36+s3+$0x0], $0xffff  }
0xc2: {  	s10 =	sand.u32 $0xD00, s21;
	v12 =	vmax.f32 v3, v1;
	v7 =	vmin.f32 v3, v1;
	v3 =	vand.u32 $0xF, v23;
	v22 =	vld.idx.msk [tilespmem:v22+s3+$0x0], $0xffff  }
0xc3: {  	v4 =	vand.u32 $0xF, v4;
	v20 =	vor.u32 v2, v0;
	v0 =	vor.u32 s10, v32  }
0xc4: {  	v4 =	vor.u32 v0, v4;
	v36 =	vor.u32 v2, v5;
	v5 =	vand.u32 $0xF, v21  }
0xc5: {  	v43 =	vand.u32 $0xF, v46;
	v16 =	vor.u32 v2, v3;
	v30 =	vor.u32 v0, v5  }
0xc6: {  	v51 =	vadd.s32 v61, v25;
	v5 =	vmul.f32 v6, v37;
	v6 =	vmul.f32 v42, v60  }
0xc7: {  	s25 =	simm.s32 $0x50;
	v21 =	vmin.f32 v45, v24;
	v11 =	vmul.f32 v11, v59;
	v23 =	vmul.f32 v22, v40  }
0xc8: {  	s28 =	simm.s32 $0x700;
	s11 =	sand.u32 $0x50, s25;
	v45 =	vsub.f32 v13, v8;
	v24 =	vadd.s32 v12, v51;
	v2 =	vld.idx.msk [tilespmem:v20+s3+$0x0], $0xffff;
	v42 =	vand.u32 $0xF, v51  }
0xc9: {  	s25 =	sor.u32 s11, s26;
	s11 =	sand.u32 $0xF00, s28;
	v1 =	vld.idx.msk [tilespmem:v4+s3+$0x0], $0xffff;
	v5 =	vadd.f32 v6, v5;
	v6 =	vadd.f32 v23, v11;
	v23 =	vand.u32 $0xF, v24  }
0xca: {  	s29 =	simm.s32 $0x70;
	s24 =	sand.u32 $0x40, s24;
	v51 =	vsub.f32 v8, v41;
	v8 =	vld.idx.msk [tilespmem:v30+s3+$0x0], $0xffff;
	v11 =	vadd.s32 v7, v24;
	v24 =	vor.u32 s11, v32  }
0xcb: {  	s24 =	sor.u32 s24, s26;
	s21 =	sand.u32 $0x70, s29;
	v17 =	vor.u32 v0, v43;
	v0 =	vmin.f32 v18, v27;
	v61 =	vld.idx.msk [tilespmem:v16+s3+$0x0], $0xffff;
	v19 =	vor.u32 v24, v23  }
0xcc: {  	s26 =	sor.u32 s21, s26;
	v43 =	vld [tilespmem:s24+$0x0];
	v26 =	vor.u32 v24, v42;
	v42 =	vsub.f32 v10, v9;
	v5 =	vadd.f32 v6, v5;
	v23 =	vmovc v0  }
0xcd: {  	v22 =	vsub.f32 v41, v23;
	v41 =	vsub.f32 v15, v10;
	v10 =	vld [tilespmem:s26+$0x0]  }
0xce: {  	v44 =	vmin.f32 v44, v28;
	v0 =	vld.idx.msk [tilespmem:v36+s3+$0x0], $0xffff  }
0xcf: {  	v3 =	vld [tilespmem:s25+$0x0];
	v11 =	vand.u32 $0xF, v11;
	v1 =	vmul.f32 v42, v1;
	[tilespmem:v47+s16+$0x0] =	vst.idx.msk $0xffff, v5;
	v5 =	vmul.f32 v41, v8  }
0xd0: {  	v46 =	vsub.f32 v12, v7;
	v14 =	vld.idx.msk [tilespmem:v17+s3+$0x0], $0xffff;
	v11 =	vor.u32 v24, v11;
	v6 =	vmul.f32 v51, v61  }
0xd1: {  	v13 =	vmul.f32 v23, v43;
	v8 =	vor.u32 s5, v29;
	v1 =	vadd.f32 v5, v1  }
0xd2: {  	v5 =	vor.u32 v8, v48;
	v48 =	vsub.f32 v7, v44;
	v7 =	vmul.f32 v44, v10;
	v10 =	vld [tilespmem:$0x1FD90]  }
0xd3: {  	v43 =	vsub.f32 v9, v21;
	v2 =	vmul.f32 v22, v2;
	v0 =	vmul.f32 v45, v0  }
0xd4: {  	v3 =	vmul.f32 v21, v3  }
0xd5: {  	v9 =	vmul.f32 v43, v14;
	v2 =	vadd.f32 v2, v13;
	v0 =	vadd.f32 v0, v6;
	_ =	sdelay $0x1  }
0xd6: {  	v3 =	vadd.f32 v9, v3;
	v0 =	vadd.f32 v0, v2  }
0xd7: {  	v9 =	vld.idx.msk [tilespmem:v11+s3+$0x0], $0xffff  }
0xd8: {  	v1 =	vadd.f32 v1, v3;
	v3 =	vld [tilespmem:$0x1FD80];
	[tilespmem:v55+s16+$0x0] =	vst.idx.msk $0xffff, v0  }
0xd9: {  	v0 =	vand.u32 $0x7F, v16;
	v16 =	vld [tilespmem:s8+$0x300];
	[tilespmem:v10+s16+$0x0] =	vst.idx.msk $0xffff, v50  }
0xda: {  	v47 =	vsub.f32 v25, v12;
	v25 =	vld [tilespmem:$0x1FDA0];
	[tilespmem:v62+s16+$0x0] =	vst.idx.msk $0xffff, v1  }
0xdb: {  	v27 =	vld [tilespmem:$0x1FDC0]  }
0xdc: {  	v10 =	vand.u32 $0x7F, v20;
	v20 =	vand.u32 $0x7F, v4;
	v4 =	vmul.f32 v48, v9;
	_ =	sdelay $0x1  }
0xdd: {  	v1 =	vadd.f32 v4, v7;
	v7 =	vmul.f32 v16, v37;
	v16 =	vand.u32 $0x7F, v30;
	v30 =	vld [tilespmem:$0x1FDD0];
	_ =	sdelay $0x4  }
0xde: {  	v61 =	vadd.f32 v57, v53;
	v53 =	vld [tilespmem:$0x1FDB0];
	[tilespmem:v27+s16+$0x0] =	vst.idx.msk $0xffff, v30  }
0xdf: {  	v27 =	vld [tilespmem:$0x1FDE0];
	_ =	sdelay $0x1  }
0xe0: {  	v6 =	vor.u32 v8, v39  }
0xe1: {  	v8 =	vor.u32 v8, v38  }
0xe2: {  	v15 =	vld.idx.msk [tilespmem:v26+s3+$0x0], $0xffff  }
0xe3: {  	v13 =	vld.idx.msk [tilespmem:v19+s3+$0x0], $0xffff  }
0xe4: {  	v5 =	vld.idx.msk [tilespmem:v5+s3+$0x0], $0xffff;
	v25 =	vadd.f32 v63, v25  }
0xe5: {  	v6 =	vld.idx.msk [tilespmem:v6+s3+$0x0], $0xffff  }
0xe6: {  	v8 =	vld.idx.msk [tilespmem:v8+s3+$0x0], $0xffff;
	[tilespmem:v27+s16+$0x0] =	vst.idx.msk $0xffff, v25  }
0xe7: {  	v25 =	vld [tilespmem:$0x1FDF0]  }
0xe8: {  	v15 =	vmul.f32 v47, v15;
	v13 =	vmul.f32 v46, v13;
	_ =	sdelay $0x1  }
0xe9: {  	v4 =	vadd.f32 v15, v13  }
0xea: {  	v5 =	vmul.f32 v5, v59  }
0xeb: {  	v6 =	vmul.f32 v6, v60;
	v8 =	vmul.f32 v8, v40;
	v1 =	vadd.f32 v4, v1;
	_ =	sdelay $0x1  }
0xec: {  	v6 =	vadd.f32 v6, v7;
	v5 =	vadd.f32 v8, v5;
	[tilespmem:v49+s16+$0x0] =	vst.idx.msk $0xffff, v1  }
0xed: {  	[tilespmem:v25+s16+$0x0] =	vst.idx.msk $0xffff, v61  }
0xee: {  	v5 =	vadd.f32 v5, v6;
	v6 =	vand.u32 $0x7F, v26;
	v26 =	vld [tilespmem:$0x1FE00];
	_ =	sdelay $0x3  }
0xef: {  	v14 =	vor.u32 s20, v54  }
0xf0: {  	v55 =	vor.u32 v14, v10  }
0xf1: {  	v12 =	vand.u32 $0x7F, v17;
	v50 =	vor.u32 s10, v54  }
0xf2: {  	v28 =	vor.u32 s11, v54;
	v54 =	vld [tilespmem:s24+$0x100];
	v9 =	vor.u32 v50, v12  }
0xf3: {  	v24 =	vmov v21;
	v21 =	vor.u32 v14, v0;
	v4 =	vld [tilespmem:s25+$0x100];
	[tilespmem:v26+s16+$0x0] =	vst.idx.msk $0xffff, v5  }
0xf4: {  	v5 =	vld [tilespmem:$0x1FE10]  }
0xf5: {  	v7 =	vor.u32 v50, v16;
	v15 =	vld.idx.msk [tilespmem:v55+s3+$0x0], $0xffff  }
0xf6: {  	v26 =	vld [tilespmem:$0x1FE30]  }
0xf7: {  	v2 =	vor.u32 s4, v29;
	v13 =	vand.u32 $0x7F, v36;
	v63 =	vor.u32 v50, v20;
	v9 =	vld.idx.msk [tilespmem:v9+s3+$0x0], $0xffff  }
0xf8: {  	v11 =	vand.u32 $0x7F, v11;
	v3 =	vor.u32 v2, v3;
	v14 =	vor.u32 v14, v13;
	v50 =	vld.idx.msk [tilespmem:v21+s3+$0x0], $0xffff  }
0xf9: {  	v55 =	vor.u32 v28, v11;
	v18 =	vor.u32 v2, v53;
	v2 =	vor.u32 v2, v5;
	v5 =	vld [tilespmem:$0x1FE20]  }
0xfa: {  	v8 =	vand.u32 $0x7F, v19;
	v7 =	vld.idx.msk [tilespmem:v7+s3+$0x0], $0xffff;
	v25 =	vor.u32 s12, v29  }
0xfb: {  	v27 =	vor.u32 v28, v8;
	v1 =	vor.u32 v28, v6;
	v28 =	vor.u32 v25, v26;
	v26 =	vld [tilespmem:$0x1FE40]  }
0xfc: {  	v21 =	vld.idx.msk [tilespmem:v63+s3+$0x0], $0xffff  }
0xfd: {  	v14 =	vld.idx.msk [tilespmem:v14+s3+$0x0], $0xffff  }
0xfe: {  	v36 =	vld.idx.msk [tilespmem:v55+s3+$0x0], $0xffff;
	v5 =	vor.u32 v25, v5  }
0xff: {  	v57 =	vld [tilespmem:s26+$0x100]  }
0x100: {  	v4 =	vmul.f32 v4, v24;
	v9 =	vmul.f32 v43, v9;
	v25 =	vor.u32 v25, v26;
	v26 =	vld.idx.msk [tilespmem:v27+s3+$0x0], $0xffff  }
0x101: {  	v7 =	vmul.f32 v7, v41;
	v21 =	vmul.f32 v21, v42;
	v1 =	vld.idx.msk [tilespmem:v1+s3+$0x0], $0xffff  }
0x102: {  	v3 =	vld.idx.msk [tilespmem:v3+s3+$0x0], $0xffff;
	v19 =	vmul.f32 v54, v23;
	v15 =	vmul.f32 v22, v15  }
0x103: {  	v4 =	vadd.f32 v9, v4;
	v40 =	vld.idx.msk [tilespmem:v5+s3+$0x0], $0xffff;
	v5 =	vadd.f32 v7, v21  }
0x104: {  	v17 =	vmul.f32 v50, v51;
	v18 =	vld.idx.msk [tilespmem:v18+s3+$0x0], $0xffff;
	v15 =	vadd.f32 v15, v19;
	v14 =	vmul.f32 v14, v45  }
0x105: {  	v36 =	vmul.f32 v48, v36;
	v4 =	vadd.f32 v5, v4;
	v5 =	vmul.f32 v26, v46;
	v26 =	vld [tilespmem:$0x1FE80]  }
0x106: {  	v9 =	vadd.f32 v14, v17;
	v19 =	vmul.f32 v57, v44;
	v1 =	vmul.f32 v1, v47;
	v14 =	vld [tilespmem:$0x1FE50]  }
0x107: {  	v21 =	vld [tilespmem:$0x1FE70]  }
0x108: {  	v19 =	vadd.f32 v36, v19;
	v60 =	vld [tilespmem:$0x1FE60];
	v1 =	vadd.f32 v1, v5  }
0x109: {  	v59 =	vor.u32 s2, v29;
	v9 =	vadd.f32 v9, v15;
	v2 =	vld.idx.msk [tilespmem:v2+s3+$0x0], $0xffff  }
0x10a: {  	v61 =	vor.u32 s10, v56;
	v27 =	vld.idx.msk [tilespmem:v28+s3+$0x0], $0xffff;
	v7 =	vor.u32 s20, v56;
	v1 =	vadd.f32 v1, v19  }
0x10b: {  	v49 =	vor.u32 v61, v12;
	v25 =	vld.idx.msk [tilespmem:v25+s3+$0x0], $0xffff;
	v15 =	vor.u32 v7, v10;
	[tilespmem:v58+s16+$0x0] =	vst.idx.msk $0xffff, v4  }
0x10c: {  	v36 =	vor.u32 v7, v0;
	v4 =	vor.u32 s20, v29;
	v21 =	vor.u32 v59, v21;
	[tilespmem:v52+s16+$0x0] =	vst.idx.msk $0xffff, v1  }
0x10d: {  	v62 =	vor.u32 s10, v29;
	v7 =	vor.u32 v7, v13;
	v10 =	vor.u32 v4, v10;
	[tilespmem:v26+s16+$0x0] =	vst.idx.msk $0xffff, v9;
	v26 =	vld [tilespmem:s31+$0x300]  }
0x10e: {  	v5 =	vor.u32 v4, v0;
	v9 =	vor.u32 v4, v13;
	v4 =	vor.u32 v62, v12;
	v12 =	vld [tilespmem:$0x1FE90]  }
0x10f: {  	v14 =	vor.u32 v59, v14;
	v17 =	vor.u32 v59, v60;
	v59 =	vld [tilespmem:$0x1FEA0]  }
0x110: {  	v60 =	vld [tilespmem:$0x1FEB0]  }
0x111: {  	v63 =	vld.idx.msk [tilespmem:v21+s3+$0x0], $0xffff  }
0x112: {  	v13 =	vor.u32 v61, v20;
	v21 =	vor.u32 v61, v16;
	v61 =	vld [tilespmem:$0x1FEC0]  }
0x113: {  	v54 =	vor.u32 v62, v20;
	v57 =	vor.u32 v62, v16;
	v20 =	vor.u32 s11, v29;
	v62 =	vld.idx.msk [tilespmem:v7+s3+$0x0], $0xffff  }
0x114: {  	v55 =	vor.u32 v20, v6;
	v7 =	vld [tilespmem:$0x1FEE0];
	v3 =	vmul.f32 v3, v12;
	v12 =	vor.u32 s11, v56  }
0x115: {  	v16 =	vmul.f32 v18, v59;
	v2 =	vmul.f32 v2, v60;
	v39 =	vor.u32 v12, v6;
	v6 =	vld [tilespmem:$0x1FED0]  }
0x116: {  	v50 =	vld [tilespmem:s0+$0x300]  }
0x117: {  	v16 =	vadd.f32 v2, v16;
	v2 =	vld [tilespmem:$0x1FF00];
	_ =	sdelay $0x1  }
0x118: {  	v0 =	vld.idx.msk [tilespmem:v17+s3+$0x0], $0xffff;
	v53 =	vor.u32 v20, v11;
	v17 =	vor.u32 v12, v11;
	v11 =	vmul.f32 v26, v7  }
0x119: {  	v14 =	vld.idx.msk [tilespmem:v14+s3+$0x0], $0xffff;
	v18 =	vmul.f32 v27, v61;
	v6 =	vmul.f32 v25, v6  }
0x11a: {  	v3 =	vadd.f32 v3, v11;
	v11 =	vld [tilespmem:$0x1FF20]  }
0x11b: {  	v25 =	vmul.f32 v50, v2;
	v2 =	vadd.f32 v6, v18;
	v6 =	vld [tilespmem:$0x1FF10]  }
0x11c: {  	v1 =	vld [tilespmem:s30+$0x300]  }
0x11d: {  	v15 =	vld.idx.msk [tilespmem:v15+s3+$0x0], $0xffff  }
0x11e: {  	v27 =	vld.idx.msk [tilespmem:v36+s3+$0x0], $0xffff  }
0x11f: {  	v56 =	vor.u32 v20, v8;
	v38 =	vor.u32 v12, v8;
	v8 =	vld [tilespmem:$0x1FEF0]  }
0x120: {  	v6 =	vmul.f32 v14, v6;
	v14 =	vmul.f32 v0, v11;
	v0 =	vld [tilespmem:$0x1FF30]  }
0x121: {  	v7 =	vld.idx.msk [tilespmem:v49+s3+$0x0], $0xffff  }
0x122: {  	v11 =	vld [tilespmem:$0x1FF40]  }
0x123: {  	v12 =	vld.idx.msk [tilespmem:v21+s3+$0x0], $0xffff  }
0x124: {  	v49 =	vld [tilespmem:s24+$0x200];
	v20 =	vmul.f32 v40, v8  }
0x125: {  	v37 =	vmov v22;
	v58 =	vmul.f32 v62, v45;
	v8 =	vld.idx.msk [tilespmem:v13+s3+$0x0], $0xffff;
	v63 =	vmul.f32 v63, v0  }
0x126: {  	v26 =	vmovc v51;
	v52 =	vmul.f32 v27, v51;
	v13 =	vmul.f32 v15, v22;
	v40 =	vld [tilespmem:s25+$0x200];
	v0 =	vadd.f32 v20, v25  }
0x127: {  	s30 =	simm.s32 $0x4;
	s31 =	simm.s32 $0x2C0;
	v51 =	vld.idx.msk [tilespmem:v17+s3+$0x0], $0xffff;
	v1 =	vmul.f32 v1, v11;
	v11 =	vadd.f32 v16, v3;
	v3 =	vadd.f32 v63, v14  }
.LBB2_3:
0x128: {  	v14 =	vmov v45  }
0x129: {  	[tilespmem:$0x1FC30] =	vst v14;
	v14 =	vld [tilespmem:$0x1FCE0];
	_ =	sdelay $0x7  }
0x12a: {  	[tilespmem:v14+s16+$0x0] =	vst.idx.msk $0xffff, v11;
	v14 =	vld [tilespmem:$0x1FD30];
	_ =	sdelay $0x3  }
0x12b: {  	v17 =	vld [tilespmem:$0x1FFF0]  }
0x12c: {  	v11 =	vmov v14;
	v14 =	vld [tilespmem:$0x1FFB0]  }
0x12d: {  	s0 =	sadd.s32 $0xFFFFFF40, s31;
	v15 =	vld [tilespmem:$0x1FFA0]  }
0x12e: {  	s2 =	sadd.s32 $0xFFFFFF80, s31;
	v60 =	vld.idx.msk [tilespmem:v38+s3+$0x0], $0xffff;
	v25 =	vmovc v43;
	v6 =	vadd.f32 v6, v1;
	v19 =	vor.u32 s31, v35;
	v27 =	vor.u32 s0, v31  }
0x12f: {  	v62 =	vld [tilespmem:s26+$0x200];
	v20 =	vmovc v42;
	v16 =	vor.u32 s0, v34;
	v28 =	vor.u32 s2, v35;
	v7 =	vmul.f32 v7, v25  }
0x130: {  	v61 =	vld.idx.msk [tilespmem:v39+s3+$0x0], $0xffff;
	v8 =	vmul.f32 v8, v20;
	v63 =	vmul.f32 v49, v23;
	v38 =	vor.u32 s0, v17  }
0x131: {  	s4 =	sadd.s32 $0xFFFFFFC0, s31;
	v22 =	vmovc v41;
	v21 =	vmovc v46;
	[tilespmem:$0x1FCE0] =	vst v11;
	v11 =	vor.u32 s0, v33;
	v42 =	vor.u32 s2, v14;
	v46 =	vor.u32 s31, v14;
	v14 =	vld [tilespmem:$0x1FD20]  }
0x132: {  	v35 =	vmovc v48;
	v30 =	vor.u32 s4, v34;
	v12 =	vmul.f32 v12, v22;
	v40 =	vmul.f32 v40, v24  }
0x133: {  	v18 =	vmovc v44;
	v59 =	vor.u32 s31, v15;
	v41 =	vor.u32 s2, v15;
	v51 =	vmul.f32 v51, v35  }
0x134: {  	v15 =	vmovc v47;
	v7 =	vadd.f32 v7, v40;
	v8 =	vadd.f32 v12, v8;
	v12 =	vmul.f32 v62, v18  }
0x135: {  	v49 =	vadd.f32 v58, v52;
	v1 =	vadd.f32 v13, v63;
	v34 =	vmul.f32 v61, v15;
	v61 =	vld.idx.msk [tilespmem:v38+s13+$0x0], $0xffff  }
0x136: {  	v7 =	vadd.f32 v8, v7;
	v8 =	vadd.f32 v51, v12;
	v12 =	vld.idx.msk [tilespmem:v11+s13+$0x0], $0xffff  }
0x137: {  	[tilespmem:$0x1FCC0] =	vst v15;
	v15 =	vadd.f32 v2, v0;
	v62 =	vadd.f32 v49, v1;
	v2 =	vmov v11;
	v11 =	vld [tilespmem:$0x1FD40]  }
0x138: {  	v48 =	vld.idx.msk [tilespmem:v27+s13+$0x0], $0xffff  }
0x139: {  	[tilespmem:v14+s16+$0x0] =	vst.idx.msk $0xffff, v62;
	v14 =	vld [tilespmem:$0x1FCF0];
	_ =	sdelay $0x1  }
0x13a: {  	v39 =	vor.u32 s2, v17;
	_ =	sdelay $0x2  }
0x13b: {  	v44 =	vor.u32 s4, v31  }
0x13c: {  	v36 =	vor.u32 s31, v17;
	[tilespmem:v11+s16+$0x0] =	vst.idx.msk $0xffff, v7  }
0x13d: {  	v3 =	vadd.f32 v3, v6;
	v45 =	vor.u32 s4, v17;
	v6 =	vld.idx.msk [tilespmem:v39+s13+$0x0], $0xffff  }
0x13e: {  	v50 =	vor.u32 s4, v33;
	[tilespmem:v14+s16+$0x0] =	vst.idx.msk $0xffff, v15;
	v15 =	vld [tilespmem:$0x1FD60];
	_ =	sdelay $0x1  }
0x13f: {  	v13 =	vmul.f32 v60, v21;
	v52 =	vld.idx.msk [tilespmem:v44+s13+$0x0], $0xffff  }
0x140: {  	v43 =	vld.idx.msk [tilespmem:v36+s13+$0x0], $0xffff  }
0x141: {  	v13 =	vadd.f32 v34, v13;
	v47 =	vld.idx.msk [tilespmem:v45+s13+$0x0], $0xffff  }
0x142: {  	v33 =	vld.idx.msk [tilespmem:v50+s13+$0x0], $0xffff  }
0x143: {  	[tilespmem:$0x1FCA0] =	vst v35;
	v35 =	vld.idx.msk [tilespmem:v30+s13+$0x0], $0xffff;
	v63 =	vadd.f32 v13, v8;
	_ =	sdelay $0x1  }
0x144: {  	[tilespmem:v15+s16+$0x0] =	vst.idx.msk $0xffff, v63;
	v15 =	vld [tilespmem:$0x1FD00]  }
0x145: {  	v1 =	vand.u32 $0xFFFFFFF0, v43;
	v8 =	vand.u32 $0xFFFFFFF0, v47;
	[tilespmem:$0x1FD20] =	vst v2;
	v2 =	vld.idx.msk [tilespmem:v16+s13+$0x0], $0xffff  }
0x146: {  	[tilespmem:$0x1FC90] =	vst v22;
	v0 =	vmovc v41;
	v8 =	vor.u32 $0x1, v8;
	v13 =	vand.u32 $0xFFFFFFF0, v33;
	v11 =	vand.u32 $0xFFFFFFF0, v52;
	v10 =	vld.idx.msk [tilespmem:v10+s3+$0x0], $0xffff  }
0x147: {  	[tilespmem:$0x1FD40] =	vst v0;
	v13 =	vor.u32 $0x4, v13;
	v5 =	vld.idx.msk [tilespmem:v5+s3+$0x0], $0xffff;
	v11 =	vor.u32 $0x2, v11;
	v14 =	vand.u32 $0xFFFFFFF0, v35  }
0x148: {  	v7 =	vmovc v59;
	v9 =	vld.idx.msk [tilespmem:v9+s3+$0x0], $0xffff;
	v43 =	vmin.f32 v8, v11;
	v8 =	vmax.f32 v8, v11;
	v14 =	vor.u32 $0x8, v14  }
0x149: {  	s28 =	sadd.s32 $0x400, s28;
	v22 =	vlaneseq.u32;
	[tilespmem:$0x1FD60] =	vst v7;
	v0 =	vld.idx.msk [tilespmem:v28+s13+$0x0], $0xffff;
	v11 =	vmin.f32 v13, v14;
	v13 =	vmax.f32 v13, v14  }
0x14a: {  	s29 =	sadd.s32 $0x40, s29;
	s12 =	sadd.s32 $0xFFFFFD00, s28;
	s20 =	sadd.s32 $0xFFFFFE00, s28;
	v7 =	vld.idx.msk [tilespmem:v41+s13+$0x0], $0xffff;
	v33 =	vmax.f32 v43, v11;
	v34 =	vmin.f32 v8, v13;
	v8 =	vmax.f32 v8, v13  }
0x14b: {  	s5 =	sadd.s32 $0xFFFFFF00, s28;
	s8 =	sadd.s32 $0xFFFFFFD0, s29;
	s10 =	sadd.s32 $0xFFFFFFE0, s29;
	[tilespmem:$0x1FD30] =	vst v16;
	v4 =	vld.idx.msk [tilespmem:v4+s3+$0x0], $0xffff;
	v58 =	vmax.f32 v34, v33;
	v52 =	vadd.s32 v22, v8  }
0x14c: {  	s5 =	sand.u32 $0xE00, s5;
	s0 =	sand.u32 $0xD00, s20;
	s20 =	sadd.s32 $0xFFFFFFF0, s29;
	v1 =	vor.u32 $0x1, v1;
	v12 =	vand.u32 $0xFFFFFFF0, v12;
	v16 =	vadd.s32 v58, v52;
	[tilespmem:v15+s16+$0x0] =	vst.idx.msk $0xffff, v3;
	v3 =	vld.idx.msk [tilespmem:v42+s13+$0x0], $0xffff  }
0x14d: {  	[tilespmem:$0x1FCD0] =	vst v18;
	s2 =	sand.u32 $0xC00, s12;
	s12 =	sand.u32 $0x40, s8;
	s8 =	sand.u32 $0x80, s8;
	v35 =	vor.u32 s5, v32;
	v60 =	vmin.f32 v34, v33;
	v14 =	vmovc v42;
	v33 =	vand.u32 $0xF, v16;
	v15 =	vld [tilespmem:$0x1FD50]  }
0x14e: {  	s21 =	sor.u32 $0x4000, s8;
	s8 =	sand.u32 $0x50, s10;
	s10 =	sand.u32 $0x60, s20;
	v12 =	vor.u32 $0x4, v12;
	v17 =	vand.u32 $0xF, v52;
	[tilespmem:$0x1FD50] =	vst v14;
	v14 =	vld [tilespmem:$0x1FD70];
	v42 =	vor.u32 v35, v33  }
0x14f: {  	[tilespmem:$0x1FC70] =	vst v19;
	s20 =	sor.u32 s8, s21;
	s8 =	sor.u32 s10, s21;
	v2 =	vand.u32 $0xFFFFFFF0, v2;
	v6 =	vand.u32 $0xFFFFFFF0, v6;
	v63 =	vor.u32 v35, v17;
	v13 =	vld.idx.msk [tilespmem:v19+s13+$0x0], $0xffff  }
0x150: {  	v0 =	vand.u32 $0xFFFFFFF0, v0;
	[tilespmem:$0x1FC60] =	vst v4;
	v4 =	vand.u32 $0xFFFFFFF0, v7;
	v7 =	vld [tilespmem:s8+$0x0];
	v19 =	vadd.s32 v60, v16  }
0x151: {  	[tilespmem:$0x1FC20] =	vst v5;
	v5 =	vmovc v46;
	v51 =	vor.u32 $0x8, v2;
	v0 =	vor.u32 $0x2, v0;
	v59 =	vld.idx.msk [tilespmem:v59+s13+$0x0], $0xffff;
	v34 =	vand.u32 $0xF, v19  }
0x152: {  	[tilespmem:$0x1FD70] =	vst v5;
	v5 =	vand.u32 $0xFFFFFFF0, v48;
	v33 =	vor.u32 $0x1, v6;
	v62 =	vld.idx.msk [tilespmem:v53+s3+$0x0], $0xffff;
	v48 =	vor.u32 v35, v34  }
0x153: {  	[tilespmem:$0x1FC10] =	vst v10;
	v6 =	vmin.f32 v12, v51;
	v5 =	vor.u32 $0x2, v5;
	v53 =	vand.u32 $0x7F, v42;
	v52 =	vld.idx.msk [tilespmem:v42+s3+$0x0], $0xffff  }
0x154: {  	[tilespmem:$0x1FC40] =	vst v9;
	v10 =	vmovc v14;
	v3 =	vand.u32 $0xFFFFFFF0, v3;
	v14 =	vor.u32 $0x4, v4;
	v9 =	vand.u32 $0xFFFFFFF0, v13;
	v13 =	vld.idx.msk [tilespmem:v63+s3+$0x0], $0xffff  }
0x155: {  	v18 =	vld.idx.msk [tilespmem:v46+s13+$0x0], $0xffff;
	v4 =	vsub.f32 v8, v58;
	v8 =	vmax.f32 v12, v51;
	[tilespmem:$0x1FD00] =	vst v10;
	v10 =	vand.u32 $0xFFFFFFF0, v61  }
0x156: {  	v51 =	vld.idx.msk [tilespmem:v55+s3+$0x0], $0xffff;
	v55 =	vor.u32 s2, v32;
	v35 =	vand.u32 $0xFFFFFFF0, v59;
	v10 =	vor.u32 $0x1, v10  }
0x157: {  	v17 =	vor.u32 $0x2, v9;
	v9 =	vsub.f32 v58, v60;
	v34 =	vld.idx.msk [tilespmem:v48+s3+$0x0], $0xffff;
	v2 =	vmin.f32 v10, v5  }
0x158: {  	v19 =	vmax.f32 v10, v5;
	v5 =	vmin.f32 v43, v11;
	v11 =	vmin.f32 v33, v0  }
0x159: {  	v12 =	vmul.f32 v4, v13;
	v13 =	vmax.f32 v33, v0;
	v33 =	vmul.f32 v9, v52;
	v52 =	vmovc v23;
	v23 =	vld [tilespmem:$0x1FFC0]  }
0x15a: {  	v49 =	vand.u32 $0xFFFFFFF0, v18;
	v3 =	vor.u32 $0x8, v3;
	v10 =	vsub.f32 v60, v5  }
0x15b: {  	[tilespmem:$0x1FC80] =	vst v20;
	v35 =	vor.u32 $0x4, v35;
	v20 =	vor.u32 $0x8, v49;
	v58 =	vld.idx.msk [tilespmem:v54+s3+$0x0], $0xffff;
	v54 =	vand.u32 $0x7F, v48  }
0x15c: {  	[tilespmem:$0x1FC50] =	vst v25;
	v49 =	vld.idx.msk [tilespmem:v56+s3+$0x0], $0xffff;
	v56 =	vand.u32 $0x7F, v63;
	v7 =	vmul.f32 v5, v7;
	v0 =	vmul.f32 v10, v34  }
0x15d: {  	[tilespmem:$0x1FCB0] =	vst v21;
	v43 =	vmin.f32 v14, v3;
	v14 =	vmax.f32 v14, v3;
	v16 =	vmin.f32 v1, v17  }
0x15e: {  	[tilespmem:$0x1FBF0] =	vst v27;
	v3 =	vadd.f32 v0, v7;
	v7 =	vadd.f32 v12, v33;
	v34 =	vor.u32 s5, v23  }
0x15f: {  	[tilespmem:$0x1FC00] =	vst v28;
	v1 =	vmax.f32 v1, v17;
	v17 =	vmin.f32 v35, v20;
	v12 =	vor.u32 v34, v54  }
0x160: {  	v59 =	vld.idx.msk [tilespmem:v57+s3+$0x0], $0xffff;
	v57 =	vmax.f32 v2, v6;
	v7 =	vadd.f32 v7, v3;
	v42 =	vor.u32 v34, v53  }
0x161: {  	v15 =	vmovc v15;
	v33 =	vmax.f32 v11, v43;
	v11 =	vmin.f32 v11, v43;
	v48 =	vor.u32 v34, v56  }
0x162: {  	v32 =	vor.u32 s0, v32;
	v34 =	vmin.f32 v13, v14;
	v13 =	vmax.f32 v13, v14;
	[tilespmem:v45+s16+$0x0] =	vst.idx.msk $0xffff, v7  }
0x163: {  	[tilespmem:$0x1FCF0] =	vst v15;
	v14 =	vmax.f32 v16, v17;
	v25 =	vadd.s32 v22, v13;
	v7 =	vmax.f32 v35, v20;
	v20 =	vld [tilespmem:s8+$0x100]  }
0x164: {  	v35 =	vmin.f32 v19, v8;
	v8 =	vmax.f32 v19, v8;
	v19 =	vmin.f32 v34, v33;
	v12 =	vld.idx.msk [tilespmem:v12+s3+$0x0], $0xffff  }
0x165: {  	v15 =	vmax.f32 v35, v57;
	v21 =	vmin.f32 v1, v7;
	v27 =	vmax.f32 v1, v7;
	v42 =	vld.idx.msk [tilespmem:v42+s3+$0x0], $0xffff  }
0x166: {  	v1 =	vadd.s32 v22, v8;
	v7 =	vmax.f32 v34, v33;
	v18 =	vmin.f32 v35, v57;
	v48 =	vld.idx.msk [tilespmem:v48+s3+$0x0], $0xffff  }
0x167: {  	v40 =	vmovc v26;
	v43 =	vsub.f32 v19, v11;
	v26 =	vadd.s32 v15, v1;
	v28 =	vmax.f32 v21, v14  }
0x168: {  	v0 =	vld [tilespmem:$0x1FFD0];
	v29 =	vadd.s32 v22, v27;
	v35 =	vadd.s32 v7, v25;
	v14 =	vmin.f32 v21, v14  }
0x169: {  	v1 =	vand.u32 $0xF, v1;
	v25 =	vand.u32 $0xF, v25;
	v57 =	vadd.s32 v18, v26  }
0x16a: {  	v21 =	vadd.s32 v28, v29;
	v20 =	vmul.f32 v20, v5;
	v12 =	vmul.f32 v10, v12  }
0x16b: {  	[tilespmem:$0x1FBE0] =	vst v30;
	v30 =	vadd.s32 v19, v35;
	v42 =	vmul.f32 v42, v9;
	v48 =	vmul.f32 v48, v4  }
0x16c: {  	v22 =	vld [tilespmem:$0x1FF50];
	v26 =	vand.u32 $0xF, v26;
	v45 =	vand.u32 $0xF, v35;
	v29 =	vand.u32 $0xF, v29  }
0x16d: {  	s12 =	sor.u32 s12, s21;
	v12 =	vadd.f32 v12, v20;
	v20 =	vadd.f32 v48, v42;
	v42 =	vor.u32 s5, v0  }
0x16e: {  	s11 =	sand.u32 $0x70, s29;
	v41 =	vld [tilespmem:s12+$0x0];
	v25 =	vor.u32 v32, v25;
	v57 =	vand.u32 $0xF, v57;
	v48 =	vor.u32 v42, v54  }
0x16f: {  	s21 =	sor.u32 s11, s21;
	v46 =	vld [tilespmem:s20+$0x0];
	v31 =	vadd.s32 v14, v21;
	v12 =	vadd.f32 v20, v12;
	v20 =	vor.u32 v42, v53  }
0x170: {  	s4 =	sand.u32 $0xF00, s28;
	v47 =	vld [tilespmem:s21+$0x0];
	v30 =	vand.u32 $0xF, v30;
	v21 =	vand.u32 $0xF, v21;
	v42 =	vor.u32 v42, v56  }
0x171: {  	v3 =	vmovc v24;
	v24 =	vld [tilespmem:$0x1FFE0];
	v31 =	vand.u32 $0xF, v31;
	v57 =	vor.u32 v55, v57;
	v33 =	vor.u32 s4, v22;
	[tilespmem:v44+s16+$0x0] =	vst.idx.msk $0xffff, v12  }
0x172: {  	v30 =	vor.u32 v32, v30;
	v31 =	vor.u32 v33, v31;
	v21 =	vor.u32 v33, v21;
	v35 =	vld [tilespmem:s8+$0x200]  }
0x173: {  	v12 =	vor.u32 v55, v26;
	v26 =	vor.u32 v32, v45;
	v55 =	vor.u32 v55, v1;
	v32 =	vld.idx.msk [tilespmem:v48+s3+$0x0], $0xffff  }
0x174: {  	v1 =	vmin.f32 v2, v6;
	v6 =	vsub.f32 v15, v18;
	v44 =	vmin.f32 v16, v17;
	v20 =	vld.idx.msk [tilespmem:v20+s3+$0x0], $0xffff  }
0x175: {  	v45 =	vsub.f32 v8, v15;
	v17 =	vmul.f32 v11, v46;
	v2 =	vsub.f32 v18, v1;
	v18 =	vld.idx.msk [tilespmem:v42+s3+$0x0], $0xffff  }
0x176: {  	v16 =	vld.idx.msk [tilespmem:v57+s3+$0x0], $0xffff;
	v46 =	vsub.f32 v28, v14;
	v15 =	vmul.f32 v1, v41;
	v41 =	vsub.f32 v13, v7  }
0x177: {  	v29 =	vor.u32 v33, v29;
	v48 =	vsub.f32 v14, v44;
	v42 =	vsub.f32 v7, v19;
	v19 =	vld.idx.msk [tilespmem:v30+s3+$0x0], $0xffff  }
0x178: {  	v14 =	vmul.f32 v44, v47;
	v47 =	vsub.f32 v27, v28;
	v7 =	vand.u32 $0x7F, v57;
	v33 =	vld.idx.msk [tilespmem:v12+s3+$0x0], $0xffff  }
0x179: {  	v57 =	vand.u32 $0x7F, v30;
	v30 =	vld.idx.msk [tilespmem:v31+s3+$0x0], $0xffff;
	v27 =	vmul.f32 v35, v5;
	v28 =	vmul.f32 v32, v10  }
0x17a: {  	v22 =	vld.idx.msk [tilespmem:v26+s3+$0x0], $0xffff;
	v20 =	vmul.f32 v20, v9;
	v18 =	vmul.f32 v18, v4  }
0x17b: {  	v8 =	vand.u32 $0x7F, v12;
	v12 =	vand.u32 $0x7F, v26;
	v16 =	vmul.f32 v2, v16;
	v32 =	vld.idx.msk [tilespmem:v55+s3+$0x0], $0xffff  }
0x17c: {  	v26 =	vld.idx.msk [tilespmem:v25+s3+$0x0], $0xffff;
	v27 =	vadd.f32 v28, v27;
	v18 =	vadd.f32 v18, v20;
	v20 =	vor.u32 s5, v24  }
0x17d: {  	v13 =	vand.u32 $0x7F, v31;
	v31 =	vmul.f32 v6, v33;
	v33 =	vor.u32 v20, v54  }
0x17e: {  	v15 =	vadd.f32 v16, v15;
	v28 =	vld.idx.msk [tilespmem:v21+s3+$0x0], $0xffff;
	v18 =	vadd.f32 v18, v27;
	v27 =	vor.u32 v20, v53  }
0x17f: {  	v35 =	vld.idx.msk [tilespmem:v29+s3+$0x0], $0xffff;
	v19 =	vmul.f32 v43, v19;
	v22 =	vmul.f32 v42, v22;
	v53 =	vor.u32 v20, v56  }
0x180: {  	v61 =	vld [tilespmem:s25+$0x300];
	v34 =	vor.u32 s2, v23;
	v20 =	vmul.f32 v48, v30;
	v30 =	vmul.f32 v45, v32;
	[tilespmem:v50+s16+$0x0] =	vst.idx.msk $0xffff, v18  }
0x181: {  	v17 =	vadd.f32 v19, v17;
	v19 =	vand.u32 $0x7F, v25;
	v54 =	vmul.f32 v41, v26;
	v25 =	vld [tilespmem:s8+$0x300]  }
0x182: {  	v14 =	vadd.f32 v20, v14;
	v20 =	vand.u32 $0x7F, v21;
	v21 =	vadd.f32 v30, v31;
	v26 =	vld.idx.msk [tilespmem:v33+s3+$0x0], $0xffff  }
0x183: {  	v55 =	vand.u32 $0x7F, v55;
	v28 =	vmul.f32 v46, v28;
	v18 =	vadd.f32 v54, v22;
	v27 =	vld.idx.msk [tilespmem:v27+s3+$0x0], $0xffff  }
0x184: {  	v22 =	vor.u32 s0, v23;
	v30 =	vmul.f32 v47, v35;
	v15 =	vadd.f32 v21, v15;
	v16 =	vld.idx.msk [tilespmem:v53+s3+$0x0], $0xffff  }
0x185: {  	v63 =	vld [tilespmem:s26+$0x300];
	v50 =	vor.u32 s0, v0;
	v21 =	vor.u32 v34, v7;
	v17 =	vadd.f32 v18, v17  }
0x186: {  	v60 =	vld [tilespmem:s24+$0x300];
	v28 =	vadd.f32 v30, v28;
	v30 =	vor.u32 s2, v0;
	[tilespmem:v38+s16+$0x0] =	vst.idx.msk $0xffff, v15;
	v15 =	vor.u32 v34, v8  }
0x187: {  	s24 =	smov.u32 s12;
	v34 =	vor.u32 v34, v55;
	v10 =	vmul.f32 v26, v10;
	v26 =	vor.u32 s4, v0;
	v0 =	vld [tilespmem:$0x1FBE0]  }
0x188: {  	s25 =	smov.u32 s20;
	v56 =	vor.u32 v22, v57;
	[tilespmem:v39+s16+$0x0] =	vst.idx.msk $0xffff, v17;
	v33 =	vld [tilespmem:s24+$0x100];
	v5 =	vmul.f32 v25, v5  }
0x189: {  	v53 =	vld [tilespmem:s25+$0x100];
	v9 =	vmul.f32 v27, v9;
	v4 =	vmul.f32 v16, v4  }
0x18a: {  	v14 =	vadd.f32 v28, v14;
	v21 =	vld.idx.msk [tilespmem:v21+s3+$0x0], $0xffff  }
0x18b: {  	v15 =	vld.idx.msk [tilespmem:v15+s3+$0x0], $0xffff;
	v5 =	vadd.f32 v10, v5;
	v4 =	vadd.f32 v4, v9  }
0x18c: {  	v29 =	vand.u32 $0x7F, v29;
	v31 =	vor.u32 s4, v23;
	v9 =	vld.idx.msk [tilespmem:v34+s3+$0x0], $0xffff  }
0x18d: {  	v32 =	vor.u32 v22, v12;
	[tilespmem:v36+s16+$0x0] =	vst.idx.msk $0xffff, v14;
	v14 =	vld.idx.msk [tilespmem:v56+s3+$0x0], $0xffff;
	v4 =	vadd.f32 v4, v5  }
0x18e: {  	v22 =	vor.u32 v22, v19;
	v54 =	vor.u32 v31, v20;
	v18 =	vor.u32 v30, v7  }
0x18f: {  	v28 =	vor.u32 v31, v13;
	v56 =	vor.u32 v31, v29;
	[tilespmem:v0+s16+$0x0] =	vst.idx.msk $0xffff, v4;
	v0 =	vld [tilespmem:$0x1FBF0]  }
0x190: {  	v38 =	vor.u32 v26, v20;
	v27 =	vmul.f32 v33, v1;
	v5 =	vmul.f32 v2, v21  }
0x191: {  	v39 =	vor.u32 v26, v29;
	v15 =	vmul.f32 v15, v6;
	v9 =	vmul.f32 v9, v45  }
0x192: {  	v10 =	vmul.f32 v53, v11;
	v34 =	vor.u32 v26, v13;
	v14 =	vmul.f32 v43, v14  }
0x193: {  	v31 =	vld.idx.msk [tilespmem:v32+s3+$0x0], $0xffff;
	v26 =	vadd.f32 v5, v27;
	v27 =	vor.u32 s2, v24;
	v9 =	vadd.f32 v9, v15  }
0x194: {  	v22 =	vld.idx.msk [tilespmem:v22+s3+$0x0], $0xffff;
	v14 =	vadd.f32 v14, v10;
	v10 =	vor.u32 v27, v7;
	v7 =	vor.u32 s4, v24  }
0x195: {  	v53 =	vor.u32 v7, v13;
	v13 =	vadd.f32 v9, v26;
	_ =	sdelay $0x1  }
0x196: {  	[tilespmem:v0+s16+$0x0] =	vst.idx.msk $0xffff, v13;
	v0 =	vld [tilespmem:$0x1FC00]  }
0x197: {  	v32 =	vor.u32 v30, v8  }
0x198: {  	v31 =	vmul.f32 v31, v42;
	v5 =	vor.u32 v27, v8;
	v8 =	vmul.f32 v22, v41;
	_ =	sdelay $0x1  }
0x199: {  	v16 =	vld.idx.msk [tilespmem:v56+s3+$0x0], $0xffff;
	v8 =	vadd.f32 v8, v31  }
0x19a: {  	v21 =	vld.idx.msk [tilespmem:v28+s3+$0x0], $0xffff  }
0x19b: {  	v28 =	vld.idx.msk [tilespmem:v54+s3+$0x0], $0xffff;
	v8 =	vadd.f32 v8, v14;
	_ =	sdelay $0x1  }
0x19c: {  	s26 =	smov.u32 s21;
	[tilespmem:v0+s16+$0x0] =	vst.idx.msk $0xffff, v8;
	v0 =	vld [tilespmem:$0x1FC10]  }
0x19d: {  	v36 =	vld [tilespmem:s26+$0x100];
	_ =	sdelay $0x1  }
0x19e: {  	v16 =	vmul.f32 v16, v47;
	v15 =	vmul.f32 v28, v46  }
0x19f: {  	v17 =	vor.u32 v50, v19;
	v25 =	vor.u32 v50, v57;
	v33 =	vor.u32 v50, v12  }
0x1a0: {  	v50 =	vor.u32 s0, v24;
	v13 =	vadd.f32 v16, v15;
	v16 =	vmul.f32 v0, v37;
	v0 =	vld [tilespmem:$0x1FC20]  }
0x1a1: {  	v54 =	vor.u32 v50, v12;
	v12 =	vmul.f32 v48, v21;
	v21 =	vmul.f32 v36, v44;
	_ =	sdelay $0x1  }
0x1a2: {  	v30 =	vor.u32 v30, v55;
	v12 =	vadd.f32 v12, v21  }
0x1a3: {  	v56 =	vor.u32 v7, v20;
	v9 =	vor.u32 v27, v55;
	v55 =	vor.u32 v7, v29;
	v7 =	vld [tilespmem:$0x1FC40]  }
0x1a4: {  	v8 =	vadd.f32 v13, v12;
	v12 =	vmul.f32 v0, v40;
	v0 =	vld [tilespmem:$0x1FC30];
	_ =	sdelay $0x4  }
0x1a5: {  	v13 =	vmul.f32 v7, v0;
	v0 =	vld [tilespmem:$0x1FC50]  }
0x1a6: {  	v7 =	vld [tilespmem:$0x1FC60];
	_ =	sdelay $0x4  }
0x1a7: {  	v4 =	vor.u32 v50, v57;
	v57 =	vor.u32 v50, v19;
	v19 =	vmul.f32 v7, v0;
	v0 =	vld [tilespmem:$0x1FC70];
	_ =	sdelay $0x7  }
0x1a8: {  	[tilespmem:v0+s16+$0x0] =	vst.idx.msk $0xffff, v8;
	v0 =	vld [tilespmem:$0x1FC80];
	_ =	sdelay $0x4  }
0x1a9: {  	v37 =	vmov v2;
	v2 =	vmul.f32 v58, v0;
	v0 =	vld [tilespmem:$0x1FC90];
	_ =	sdelay $0x4  }
0x1aa: {  	v26 =	vmov v6;
	v6 =	vmul.f32 v59, v0;
	v0 =	vld [tilespmem:$0x1FCA0]  }
0x1ab: {  	v35 =	vld [tilespmem:$0x1FF90]  }
0x1ac: {  	v23 =	vmov v1;
	v1 =	vld [tilespmem:$0x1FCD0]  }
0x1ad: {  	v31 =	vld [tilespmem:$0x1FF60]  }
0x1ae: {  	v14 =	vld.idx.msk [tilespmem:v18+s3+$0x0], $0xffff  }
0x1af: {  	v2 =	vadd.f32 v6, v2;
	v6 =	vmul.f32 v62, v0;
	v0 =	vld [tilespmem:$0x1FCB0]  }
0x1b0: {  	v15 =	vld.idx.msk [tilespmem:v32+s3+$0x0], $0xffff  }
0x1b1: {  	v18 =	vld.idx.msk [tilespmem:v30+s3+$0x0], $0xffff  }
0x1b2: {  	v32 =	vld [tilespmem:$0x1FF50]  }
0x1b3: {  	v40 =	vld [tilespmem:s25+$0x200]  }
0x1b4: {  	v62 =	vmul.f32 v49, v0;
	v0 =	vld [tilespmem:$0x1FCC0]  }
0x1b5: {  	s30 =	sadd.s32 $0x4, s30;
	v21 =	vadd.f32 v13, v12;
	v12 =	vld.idx.msk [tilespmem:v17+s3+$0x0], $0xffff  }
0x1b6: {  	p1 =	slt.u32 s30, $0x7C;
	v20 =	vmul.f32 v60, v52;
	v7 =	vld.idx.msk [tilespmem:v25+s3+$0x0], $0xffff  }
.Ltmp0:
0x1b7: {  	v8 =	vld.idx.msk [tilespmem:v33+s3+$0x0], $0xffff;
	(pc) =	sbr.rel @p1 .LBB2_3-.Ltmp0, $4  }
0x1b8: {  	v22 =	vmul.f32 v61, v3;
	v13 =	vmul.f32 v14, v37;
	v14 =	vadd.f32 v16, v20;
	v33 =	vld [tilespmem:$0x1FF70]  }
0x1b9: {  	v1 =	vmul.f32 v63, v1;
	v49 =	vld [tilespmem:s24+$0x200];
	v3 =	vmul.f32 v51, v0  }
0x1ba: {  	v24 =	vmov v11;
	v52 =	vmul.f32 v15, v26;
	v11 =	vadd.f32 v21, v14;
	v51 =	vld.idx.msk [tilespmem:v34+s3+$0x0], $0xffff  }
0x1bb: {  	s31 =	sadd.s32 $0x100, s31;
	v58 =	vmul.f32 v18, v45;
	v0 =	vadd.f32 v19, v22;
	v34 =	vld [tilespmem:$0x1FF80];
	v3 =	vadd.f32 v3, v62  }
0x1bc: {  	_ =	sdelay $0x3  }
0x1bd: {  	v15 =	vld.idx.msk [tilespmem:v38+s3+$0x0], $0xffff  }
0x1be: {  	v38 =	vld [tilespmem:$0x1FD20];
	_ =	sdelay $0x1  }
0x1bf: {  	v61 =	vld [tilespmem:$0x1FFB0];
	v14 =	vmul.f32 v49, v23  }
0x1c0: {  	v21 =	vld [tilespmem:$0x1FFA0]  }
0x1c1: {  	v20 =	vld [tilespmem:$0x1FFE0];
	v17 =	vadd.f32 v58, v52;
	v13 =	vadd.f32 v13, v14  }
0x1c2: {  	v19 =	vld [tilespmem:$0x1FFD0]  }
0x1c3: {  	v28 =	vld [tilespmem:$0x1FFC0];
	v13 =	vadd.f32 v17, v13  }
0x1c4: {  	v27 =	vld [tilespmem:$0x1FFF0]  }
0x1c5: {  	v16 =	vld.idx.msk [tilespmem:v39+s3+$0x0], $0xffff;
	[tilespmem:v38+s16+$0x0] =	vst.idx.msk $0xffff, v13  }
0x1c6: {  	v39 =	vmul.f32 v51, v48;
	v51 =	vld [tilespmem:$0x1FD40]  }
0x1c7: {  	v7 =	vmul.f32 v7, v43;
	v8 =	vmul.f32 v8, v42  }
0x1c8: {  	v12 =	vmul.f32 v12, v41;
	v18 =	vmul.f32 v40, v24;
	_ =	sdelay $0x1  }
0x1c9: {  	v36 =	vld [tilespmem:s26+$0x200];
	v7 =	vadd.f32 v7, v18;
	v8 =	vadd.f32 v12, v8;
	_ =	sdelay $0x1  }
0x1ca: {  	v7 =	vadd.f32 v8, v7;
	_ =	sdelay $0x1  }
0x1cb: {  	[tilespmem:v51+s16+$0x0] =	vst.idx.msk $0xffff, v7  }
0x1cc: {  	v14 =	vmul.f32 v36, v44;
	v36 =	vld [tilespmem:$0x1FD60];
	_ =	sdelay $0x1  }
0x1cd: {  	v40 =	vmul.f32 v15, v46;
	v50 =	vmul.f32 v16, v47;
	_ =	sdelay $0x1  }
0x1ce: {  	v58 =	vadd.f32 v50, v40;
	v59 =	vadd.f32 v39, v14;
	_ =	sdelay $0x1  }
0x1cf: {  	v52 =	vld.idx.msk [tilespmem:v9+s3+$0x0], $0xffff;
	v9 =	vadd.f32 v58, v59;
	_ =	sdelay $0x1  }
0x1d0: {  	[tilespmem:v36+s16+$0x0] =	vst.idx.msk $0xffff, v9  }
0x1d1: {  	v39 =	vld.idx.msk [tilespmem:v56+s3+$0x0], $0xffff  }
0x1d2: {  	v56 =	vld [tilespmem:$0x1FCE0];
	_ =	sdelay $0x7  }
0x1d3: {  	v62 =	vld.idx.msk [tilespmem:v57+s3+$0x0], $0xffff;
	[tilespmem:v56+s16+$0x0] =	vst.idx.msk $0xffff, v11  }
0x1d4: {  	v57 =	vld [tilespmem:$0x1FCF0];
	_ =	sdelay $0x3  }
0x1d5: {  	v60 =	vld.idx.msk [tilespmem:v54+s3+$0x0], $0xffff;
	_ =	sdelay $0x1  }
0x1d6: {  	v0 =	vadd.f32 v2, v0;
	_ =	sdelay $0x1  }
0x1d7: {  	[tilespmem:v57+s16+$0x0] =	vst.idx.msk $0xffff, v0  }
0x1d8: {  	v50 =	vmul.f32 v60, v42;
	v60 =	vld [tilespmem:$0x1FD00];
	_ =	sdelay $0x3  }
0x1d9: {  	v1 =	vadd.f32 v6, v1;
	v63 =	vld [tilespmem:s24+$0x300]  }
0x1da: {  	v49 =	vld.idx.msk [tilespmem:v10+s3+$0x0], $0xffff  }
0x1db: {  	v1 =	vadd.f32 v3, v1;
	v5 =	vld.idx.msk [tilespmem:v5+s3+$0x0], $0xffff;
	_ =	sdelay $0x1  }
0x1dc: {  	[tilespmem:v60+s16+$0x0] =	vst.idx.msk $0xffff, v1  }
0x1dd: {  	v51 =	vmul.f32 v63, v23;
	v63 =	vld [tilespmem:$0x1FD30]  }
0x1de: {  	v8 =	vmul.f32 v49, v37  }
0x1df: {  	v5 =	vmul.f32 v5, v26;
	v49 =	vmul.f32 v52, v45;
	_ =	sdelay $0x1  }
0x1e0: {  	v2 =	vadd.f32 v49, v5;
	v7 =	vadd.f32 v8, v51  }
0x1e1: {  	v4 =	vld.idx.msk [tilespmem:v4+s3+$0x0], $0xffff  }
0x1e2: {  	v38 =	vld [tilespmem:s25+$0x300];
	v2 =	vadd.f32 v2, v7;
	_ =	sdelay $0x1  }
0x1e3: {  	[tilespmem:v63+s16+$0x0] =	vst.idx.msk $0xffff, v2  }
0x1e4: {  	v2 =	vld [tilespmem:$0x1FD50]  }
0x1e5: {  	v4 =	vmul.f32 v4, v43  }
0x1e6: {  	v10 =	vmul.f32 v62, v41;
	v52 =	vmul.f32 v38, v24;
	_ =	sdelay $0x1  }
0x1e7: {  	v3 =	vadd.f32 v10, v50;
	v4 =	vadd.f32 v4, v52;
	v14 =	vld.idx.msk [tilespmem:v53+s3+$0x0], $0xffff  }
0x1e8: {  	v16 =	vld.idx.msk [tilespmem:v55+s3+$0x0], $0xffff  }
0x1e9: {  	v40 =	vld [tilespmem:s26+$0x300];
	v62 =	vadd.f32 v3, v4;
	_ =	sdelay $0x1  }
0x1ea: {  	[tilespmem:v2+s16+$0x0] =	vst.idx.msk $0xffff, v62  }
0x1eb: {  	v1 =	vld [tilespmem:$0x1FD70]  }
0x1ec: {  	v53 =	vmul.f32 v14, v48;
	v54 =	vmul.f32 v39, v46  }
0x1ed: {  	v55 =	vmul.f32 v16, v47;
	v6 =	vmul.f32 v40, v44;
	_ =	sdelay $0x1  }
0x1ee: {  	p1 =	sne.s32 s22, $0x1F;
	v58 =	vadd.f32 v55, v54;
	v59 =	vadd.f32 v53, v6  }
.Ltmp1:
0x1ef: {  	_ = 	snop;
	(pc) =	sbr.rel @p1 .LBB2_6-.Ltmp1, $3  }
0x1f0: {  	v0 =	vadd.f32 v58, v59;
	_ =	sdelay $0x1  }
0x1f1: {  	s0 =	sadd.s32 s7, s23;
	[tilespmem:v1+s16+$0x0] =	vst.idx.msk $0xffff, v0  }
0x1f2: {  	[hbm4b:s0+s3] =	stream.linear.scatter [tilespmem:s16], [sflag:$0x3], $0x2000, $0x38;
	[tilespmem:$0xC400] =	vst v63  }
.Ltmp2:
0x1f3: {  	(pc) =	sbr.rel .LBB2_7-.Ltmp2, $4  }
0x1f4: {  	_ = 	snop  }
0x1f5: {  	_ =	swait.ge [sflag:s17], $0x2000  }
0x1f6: {  	[sflag:s17] =	ssyncset.done $0x0  }
0x1f7: {  	v62 =	vlaneseq.u32;
	v56 =	vmov v19;
	v60 =	vmov v20;
	[sflag:s17] =	ssyncadd.s32 $0xFFFFE000  }
.LBB2_6:
0x1f8: {  	s0 =	sadd.s32 s1, s23  }
.Ltmp3:
0x1f9: {  	s0 =	sadd.s32 $0x800, s0;
	(pc) =	sbr.rel @p0 .LBB2_8-.Ltmp3, $4  }
0x1fa: {  	[tilespmem:s13], [sflag:$0x1] =	stream.linear.gather [hbm4b:s0+s3], $0x2000, $0x38;
	[tilespmem:$0xC400] =	vst v63  }
0x1fb: {  	_ =	swait.ge [sflag:s17], $0x2000  }
0x1fc: {  	[sflag:s17] =	ssyncset.done $0x0  }
0x1fd: {  	v62 =	vlaneseq.u32;
	v56 =	vmov v19;
	v60 =	vmov v20;
	[sflag:s17] =	ssyncadd.s32 $0xFFFFE000  }
.LBB2_7:
0x1fe: {  	_ =	swait.ge [sflag:s18], $0x2000  }
0x1ff: {  	[sflag:s18] =	ssyncset.done $0x0  }
0x200: {  	[sflag:s18] =	ssyncadd.s32 $0xFFFFE000  }
.LBB2_8:
0x201: {  	s0 =	simm.s32 $0x80  }
0x202: {  	v11 =	vor.u32 s0, v27  }
0x203: {  	v2 =	vor.u32 s0, v31  }
0x204: {  	v5 =	vor.u32 s0, v33  }
0x205: {  	s2 =	simm.s32 $0xC0;
	v4 =	vor.u32 s0, v34  }
0x206: {  	s10 =	simm.s32 $0x0;
	v18 =	vor.u32 s2, v27;
	[tilespmem:$0x1FA50] =	vst v4  }
0x207: {  	v12 =	vor.u32 s10, v33;
	v0 =	vld.idx.msk [tilespmem:v11+s14+$0x0], $0xffff  }
0x208: {  	v3 =	vor.u32 s10, v27;
	v1 =	vld.idx.msk [tilespmem:v2+s14+$0x0], $0xffff;
	[tilespmem:$0x1FA20] =	vst v12  }
0x209: {  	v17 =	vor.u32 s10, v31;
	v6 =	vld.idx.msk [tilespmem:v5+s14+$0x0], $0xffff  }
0x20a: {  	v14 =	vor.u32 s2, v35;
	v7 =	vld.idx.msk [tilespmem:v4+s14+$0x0], $0xffff  }
0x20b: {  	s4 =	simm.s32 $0x40;
	v13 =	vor.u32 s10, v34;
	v30 =	vor.u32 s2, v21;
	v8 =	vld.idx.msk [tilespmem:v18+s14+$0x0], $0xffff;
	[tilespmem:$0x1F9B0] =	vst v14  }
0x20c: {  	v16 =	vor.u32 s4, v35;
	v23 =	vor.u32 s4, v21;
	[tilespmem:$0x1FA80] =	vst v30  }
0x20d: {  	v4 =	vor.u32 s4, v27;
	v9 =	vld.idx.msk [tilespmem:v3+s14+$0x0], $0xffff;
	[tilespmem:$0x1FA70] =	vst v23  }
0x20e: {  	v10 =	vld.idx.msk [tilespmem:v17+s14+$0x0], $0xffff  }
0x20f: {  	v24 =	vor.u32 s4, v61;
	v12 =	vld.idx.msk [tilespmem:v12+s14+$0x0], $0xffff;
	[tilespmem:$0x1F980] =	vst v13  }
0x210: {  	v13 =	vld.idx.msk [tilespmem:v13+s14+$0x0], $0xffff;
	v0 =	vand.u32 $0xFFFFFFF0, v0;
	v1 =	vand.u32 $0xFFFFFFF0, v1;
	v6 =	vand.u32 $0xFFFFFFF0, v6  }
0x211: {  	v15 =	vmovc v21;
	v21 =	vld.idx.msk [tilespmem:v16+s14+$0x0], $0xffff;
	v0 =	vor.u32 $0x1, v0;
	v1 =	vor.u32 $0x2, v1;
	v7 =	vand.u32 $0xFFFFFFF0, v7  }
0x212: {  	v19 =	vld.idx.msk [tilespmem:v4+s14+$0x0], $0xffff;
	v6 =	vor.u32 $0x4, v6;
	v7 =	vor.u32 $0x8, v7;
	v20 =	vmin.f32 v0, v1  }
0x213: {  	s11 =	simm.s32 $0x200;
	v0 =	vmax.f32 v0, v1;
	v1 =	vmin.f32 v6, v7;
	v6 =	vmax.f32 v6, v7;
	v7 =	vld.idx.msk [tilespmem:v23+s14+$0x0], $0xffff  }
0x214: {  	s5 =	sand.u32 $0xE00, s11;
	[tilespmem:$0x1F990] =	vst v24;
	v22 =	vmax.f32 v20, v1;
	v23 =	vmin.f32 v0, v6;
	v0 =	vmax.f32 v0, v6  }
0x215: {  	v6 =	vld.idx.msk [tilespmem:v24+s14+$0x0], $0xffff;
	v24 =	vor.u32 s5, v32;
	v25 =	vmax.f32 v23, v22;
	v26 =	vadd.s32 v62, v0  }
0x216: {  	v22 =	vmin.f32 v23, v22;
	v23 =	vadd.s32 v25, v26;
	v26 =	vand.u32 $0xF, v26  }
0x217: {  	s12 =	simm.s32 $0x0;
	v31 =	vadd.s32 v22, v23;
	v23 =	vand.u32 $0xF, v23;
	v26 =	vor.u32 v24, v26  }
0x218: {  	s21 =	simm.s32 $0x20;
	s20 =	sand.u32 $0x80, s12;
	v31 =	vand.u32 $0xF, v31;
	v23 =	vor.u32 v24, v23  }
0x219: {  	v44 =	vor.u32 s2, v61;
	s2 =	sor.u32 $0x4000, s20;
	s4 =	sand.u32 $0x60, s21;
	v29 =	vld.idx.msk [tilespmem:v14+s14+$0x0], $0xffff;
	v24 =	vor.u32 v24, v31  }
0x21a: {  	s8 =	sor.u32 s4, s2;
	v30 =	vld.idx.msk [tilespmem:v30+s14+$0x0], $0xffff;
	[tilespmem:$0x1F9A0] =	vst v44  }
0x21b: {  	v8 =	vand.u32 $0xFFFFFFF0, v8;
	v47 =	vand.u32 $0xFFFFFFF0, v21;
	v21 =	vld [tilespmem:s8+$0x0]  }
0x21c: {  	v46 =	vor.u32 $0x1, v8;
	v8 =	vand.u32 $0xFFFFFFF0, v9;
	v9 =	vand.u32 $0xFFFFFFF0, v10;
	v31 =	vld.idx.msk [tilespmem:v26+s3+$0x0], $0xffff  }
0x21d: {  	v10 =	vand.u32 $0xFFFFFFF0, v12;
	v8 =	vor.u32 $0x1, v8;
	v12 =	vand.u32 $0xFFFFFFF0, v13;
	v49 =	vld.idx.msk [tilespmem:v23+s3+$0x0], $0xffff  }
0x21e: {  	v48 =	vor.u32 $0x2, v9;
	v36 =	vor.u32 $0x4, v10;
	v10 =	vmin.f32 v20, v1;
	v37 =	vld.idx.msk [tilespmem:v24+s3+$0x0], $0xffff  }
0x21f: {  	v12 =	vor.u32 $0x8, v12;
	v13 =	vand.u32 $0xFFFFFFF0, v19;
	v0 =	vsub.f32 v0, v25  }
0x220: {  	v1 =	vsub.f32 v22, v10;
	v9 =	vsub.f32 v25, v22;
	v7 =	vand.u32 $0xFFFFFFF0, v7  }
0x221: {  	v22 =	vmin.f32 v8, v48;
	v6 =	vand.u32 $0xFFFFFFF0, v6;
	v38 =	vor.u32 $0x4, v7  }
0x222: {  	v39 =	vor.u32 $0x8, v6;
	v6 =	vmul.f32 v10, v21;
	v7 =	vmul.f32 v0, v31  }
0x223: {  	v45 =	vld.idx.msk [tilespmem:v44+s14+$0x0], $0xffff;
	v21 =	vmax.f32 v8, v48;
	v25 =	vmul.f32 v9, v49;
	v8 =	vmul.f32 v1, v37  }
0x224: {  	v19 =	vor.u32 $0x2, v47;
	v13 =	vor.u32 $0x1, v13;
	v31 =	vor.u32 s5, v28  }
0x225: {  	v25 =	vadd.f32 v7, v25;
	v6 =	vadd.f32 v8, v6;
	v8 =	vand.u32 $0x7F, v24  }
0x226: {  	v29 =	vand.u32 $0xFFFFFFF0, v29;
	v7 =	vand.u32 $0x7F, v23;
	v50 =	vor.u32 v31, v8  }
0x227: {  	v23 =	vadd.f32 v25, v6;
	v25 =	vor.u32 v31, v7;
	v6 =	vand.u32 $0x7F, v26  }
0x228: {  	v30 =	vand.u32 $0xFFFFFFF0, v30;
	v32 =	vand.u32 $0xFFFFFFF0, v45;
	v26 =	vor.u32 v31, v6  }
0x229: {  	v29 =	vor.u32 $0x2, v29;
	v20 =	vor.u32 $0x4, v30;
	v30 =	vmin.f32 v36, v12;
	[tilespmem:v11+s19+$0x0] =	vst.idx.msk $0xffff, v23  }
0x22a: {  	v12 =	vmax.f32 v36, v12;
	v51 =	vmax.f32 v38, v39;
	v35 =	vmin.f32 v46, v29;
	v52 =	vld [tilespmem:s8+$0x100]  }
0x22b: {  	v53 =	vmax.f32 v22, v30;
	v24 =	vmin.f32 v13, v19;
	v13 =	vmax.f32 v13, v19;
	v34 =	vld.idx.msk [tilespmem:v50+s3+$0x0], $0xffff  }
0x22c: {  	v19 =	vmin.f32 v38, v39;
	v55 =	vmin.f32 v13, v51;
	v13 =	vmax.f32 v13, v51;
	v25 =	vld.idx.msk [tilespmem:v25+s3+$0x0], $0xffff  }
0x22d: {  	v41 =	vadd.s32 v62, v13;
	v31 =	vor.u32 $0x8, v32;
	v11 =	vmax.f32 v46, v29;
	v26 =	vld.idx.msk [tilespmem:v26+s3+$0x0], $0xffff  }
0x22e: {  	v23 =	vmin.f32 v20, v31;
	v20 =	vmax.f32 v20, v31;
	v31 =	vmin.f32 v21, v12  }
0x22f: {  	v12 =	vmax.f32 v21, v12;
	v21 =	vmax.f32 v24, v19;
	v57 =	vmax.f32 v35, v23  }
0x230: {  	v54 =	vmovc v28;
	v28 =	vld [tilespmem:$0x1FF50];
	v39 =	vmax.f32 v31, v53;
	v58 =	vmin.f32 v11, v20;
	v11 =	vmax.f32 v11, v20  }
0x231: {  	v36 =	vmin.f32 v31, v53;
	v31 =	vmul.f32 v52, v10;
	v59 =	vmul.f32 v1, v34  }
0x232: {  	v20 =	vadd.s32 v62, v12;
	v25 =	vmul.f32 v25, v9;
	v26 =	vmul.f32 v26, v0  }
0x233: {  	s24 =	simm.s32 $0x0;
	s10 =	simm.s32 $0x10;
	s0 =	sand.u32 $0x40, s12;
	v40 =	vmax.f32 v55, v21;
	v21 =	vmin.f32 v55, v21;
	v42 =	vadd.s32 v39, v20  }
0x234: {  	s11 =	simm.s32 $0x30;
	s10 =	sand.u32 $0x50, s10;
	s4 =	sand.u32 $0xC00, s24;
	v43 =	vmax.f32 v58, v57;
	v31 =	vadd.f32 v59, v31;
	v25 =	vadd.f32 v26, v25  }
0x235: {  	s11 =	sand.u32 $0x70, s11;
	s31 =	sor.u32 s0, s2;
	s0 =	sor.u32 s10, s2;
	v44 =	vadd.s32 v62, v11;
	v53 =	vadd.s32 v36, v42;
	v29 =	vor.u32 s4, v28;
	v28 =	vld [tilespmem:$0x1FF50]  }
0x236: {  	s30 =	sor.u32 s11, s2;
	v48 =	vld [tilespmem:s0+$0x0];
	v45 =	vmin.f32 v58, v57;
	v57 =	vand.u32 $0xF, v53;
	v25 =	vadd.f32 v25, v31  }
0x237: {  	v49 =	vld [tilespmem:s30+$0x0];
	v63 =	vadd.s32 v40, v41;
	v20 =	vand.u32 $0xF, v20;
	v51 =	vor.u32 v29, v57  }
0x238: {  	s12 =	simm.s32 $0x100;
	v46 =	vld [tilespmem:s31+$0x0];
	v55 =	vadd.s32 v43, v44;
	v20 =	vor.u32 v29, v20;
	v26 =	vor.u32 s5, v56;
	[tilespmem:v2+s19+$0x0] =	vst.idx.msk $0xffff, v25  }
0x239: {  	s12 =	sand.u32 $0xD00, s12;
	v58 =	vadd.s32 v21, v63;
	v42 =	vand.u32 $0xF, v42;
	v59 =	vor.u32 v26, v8;
	v33 =	vld [tilespmem:s8+$0x200]  }
0x23a: {  	v47 =	vadd.s32 v45, v55;
	v50 =	vor.u32 s12, v28;
	v31 =	vor.u32 v26, v7;
	v28 =	vld [tilespmem:$0x1FF50]  }
0x23b: {  	v26 =	vor.u32 v26, v6;
	v2 =	vand.u32 $0xF, v63;
	v63 =	vand.u32 $0xF, v41;
	v34 =	vld [tilespmem:$0x1FF80]  }
0x23c: {  	v37 =	vand.u32 $0xF, v58;
	v53 =	vor.u32 v50, v63;
	v63 =	vmin.f32 v22, v30;
	v22 =	vld.idx.msk [tilespmem:v51+s3+$0x0], $0xffff  }
0x23d: {  	v25 =	vand.u32 $0xF, v47;
	v47 =	vor.u32 v50, v37;
	v2 =	vor.u32 v50, v2;
	v50 =	vld.idx.msk [tilespmem:v20+s3+$0x0], $0xffff  }
0x23e: {  	v41 =	vor.u32 v29, v42;
	v42 =	vld.idx.msk [tilespmem:v59+s3+$0x0], $0xffff  }
0x23f: {  	s25 =	simm.s32 $0x300;
	v37 =	vand.u32 $0xF, v44;
	v29 =	vmin.f32 v24, v19;
	v44 =	vld.idx.msk [tilespmem:v31+s3+$0x0], $0xffff  }
0x240: {  	s2 =	sand.u32 $0xF00, s25;
	v32 =	vand.u32 $0xF, v55;
	v58 =	vsub.f32 v39, v36;
	v30 =	vsub.f32 v21, v29;
	v26 =	vld.idx.msk [tilespmem:v26+s3+$0x0], $0xffff  }
0x241: {  	v48 =	vmul.f32 v29, v48;
	v55 =	vsub.f32 v36, v63;
	v31 =	vld [tilespmem:$0x1FF60];
	v38 =	vor.u32 s2, v28  }
0x242: {  	v24 =	vld.idx.msk [tilespmem:v47+s3+$0x0], $0xffff;
	v28 =	vmin.f32 v35, v23;
	v23 =	vmul.f32 v63, v46;
	v25 =	vor.u32 v38, v25  }
0x243: {  	v57 =	vor.u32 v38, v32;
	v19 =	vor.u32 v38, v37;
	v38 =	vsub.f32 v12, v39;
	v12 =	vld.idx.msk [tilespmem:v41+s3+$0x0], $0xffff  }
0x244: {  	v59 =	vsub.f32 v40, v21;
	v35 =	vld [tilespmem:$0x1FF90];
	v21 =	vmul.f32 v33, v10;
	v42 =	vmul.f32 v42, v1  }
0x245: {  	v46 =	vld.idx.msk [tilespmem:v2+s3+$0x0], $0xffff;
	v39 =	vsub.f32 v13, v40;
	v13 =	vmul.f32 v44, v9;
	v26 =	vmul.f32 v26, v0  }
0x246: {  	v22 =	vmul.f32 v55, v22;
	v40 =	vld.idx.msk [tilespmem:v53+s3+$0x0], $0xffff;
	v44 =	vmul.f32 v28, v49  }
0x247: {  	v33 =	vld [tilespmem:$0x1FF70];
	v21 =	vadd.f32 v42, v21;
	v13 =	vadd.f32 v26, v13;
	v26 =	vor.u32 s5, v60  }
0x248: {  	v32 =	vld [tilespmem:$0x1FF50];
	v50 =	vmul.f32 v38, v50;
	v8 =	vor.u32 v26, v8;
	v12 =	vmul.f32 v58, v12  }
0x249: {  	v49 =	vmovc v55;
	v22 =	vadd.f32 v22, v23;
	v60 =	vmov v58;
	v55 =	vld.idx.msk [tilespmem:v25+s3+$0x0], $0xffff;
	v13 =	vadd.f32 v13, v21  }
0x24a: {  	v24 =	vmul.f32 v30, v24;
	v7 =	vor.u32 v26, v7;
	v58 =	vld.idx.msk [tilespmem:v57+s3+$0x0], $0xffff;
	v12 =	vadd.f32 v50, v12  }
0x24b: {  	v42 =	vmul.f32 v59, v46;
	v21 =	vmul.f32 v39, v40;
	v23 =	vld.idx.msk [tilespmem:v19+s3+$0x0], $0xffff;
	[tilespmem:v5+s19+$0x0] =	vst.idx.msk $0xffff, v13  }
0x24c: {  	v24 =	vadd.f32 v24, v48;
	v48 =	vand.u32 $0x7F, v41;
	v13 =	vld [tilespmem:s8+$0x300];
	v12 =	vadd.f32 v12, v22  }
0x24d: {  	v52 =	vor.u32 s4, v54;
	v36 =	vsub.f32 v43, v45;
	v5 =	vadd.f32 v21, v42;
	v8 =	vld.idx.msk [tilespmem:v8+s3+$0x0], $0xffff;
	[tilespmem:$0x1FA40] =	vst v48  }
0x24e: {  	v37 =	vsub.f32 v45, v28;
	v45 =	vand.u32 $0x7F, v20;
	v46 =	vand.u32 $0x7F, v51;
	[tilespmem:v3+s19+$0x0] =	vst.idx.msk $0xffff, v12  }
0x24f: {  	v51 =	vand.u32 $0x7F, v47;
	v21 =	vor.u32 v52, v46;
	v5 =	vadd.f32 v5, v24;
	v7 =	vld.idx.msk [tilespmem:v7+s3+$0x0], $0xffff;
	[tilespmem:$0x1FAA0] =	vst v45  }
0x250: {  	v20 =	vor.u32 v52, v48;
	[tilespmem:$0x1FAB0] =	vst v51  }
0x251: {  	v22 =	vor.u32 s12, v54;
	v12 =	vor.u32 v52, v45;
	v52 =	vand.u32 $0x7F, v2;
	[tilespmem:v4+s19+$0x0] =	vst.idx.msk $0xffff, v5  }
0x252: {  	v40 =	vsub.f32 v11, v43;
	v2 =	vor.u32 v22, v51;
	v11 =	vld [tilespmem:s31+$0x100];
	[tilespmem:$0x1FAC0] =	vst v52  }
0x253: {  	s26 =	simm.s32 $0x180;
	v4 =	vor.u32 v26, v6;
	v5 =	vor.u32 v22, v52;
	v6 =	vld [tilespmem:s0+$0x100]  }
0x254: {  	v42 =	vand.u32 $0x7F, v25;
	v3 =	vor.u32 s26, v27;
	v25 =	vld.idx.msk [tilespmem:v21+s3+$0x0], $0xffff  }
0x255: {  	v20 =	vld.idx.msk [tilespmem:v20+s3+$0x0], $0xffff  }
0x256: {  	v26 =	vmul.f32 v36, v58;
	v58 =	vand.u32 $0x7F, v57;
	v57 =	vor.u32 s26, v34;
	v12 =	vld.idx.msk [tilespmem:v12+s3+$0x0], $0xffff  }
0x257: {  	v21 =	vor.u32 s26, v31;
	v2 =	vld.idx.msk [tilespmem:v2+s3+$0x0], $0xffff;
	[tilespmem:$0x1FA90] =	vst v57  }
0x258: {  	v14 =	vand.u32 $0x7F, v53;
	v24 =	vmul.f32 v37, v55;
	v23 =	vmul.f32 v40, v23;
	v5 =	vld.idx.msk [tilespmem:v5+s3+$0x0], $0xffff;
	[tilespmem:$0x1FAE0] =	vst v42  }
0x259: {  	v10 =	vmul.f32 v13, v10;
	v13 =	vld.idx.msk [tilespmem:v3+s14+$0x0], $0xffff;
	[tilespmem:$0x1FAD0] =	vst v14  }
0x25a: {  	v47 =	vor.u32 s26, v33;
	v24 =	vadd.f32 v24, v44;
	v44 =	vadd.f32 v23, v26;
	[tilespmem:$0x1FB70] =	vst v63  }
0x25b: {  	v50 =	vmov v36;
	v55 =	vmov v42;
	v23 =	vor.u32 s2, v54;
	[tilespmem:$0x1FB20] =	vst v49  }
0x25c: {  	v36 =	vand.u32 $0x7F, v19;
	v19 =	vadd.f32 v44, v24;
	v24 =	vor.u32 v23, v42;
	v42 =	vld.idx.msk [tilespmem:v21+s14+$0x0], $0xffff;
	[tilespmem:$0x1FAF0] =	vst v58  }
0x25d: {  	[tilespmem:$0x1FB30] =	vst v60  }
0x25e: {  	v22 =	vor.u32 v22, v14;
	v1 =	vmul.f32 v8, v1;
	[tilespmem:$0x1FB40] =	vst v38  }
0x25f: {  	v41 =	vor.u32 s12, v56;
	v7 =	vmul.f32 v7, v9;
	v43 =	vor.u32 v23, v58;
	v44 =	vld.idx.msk [tilespmem:v47+s14+$0x0], $0xffff;
	[tilespmem:$0x1FB00] =	vst v36  }
0x260: {  	v26 =	vor.u32 s4, v56;
	v11 =	vmul.f32 v11, v63;
	v25 =	vmul.f32 v49, v25;
	v9 =	vld.idx.msk [tilespmem:v57+s14+$0x0], $0xffff;
	[tilespmem:$0x1FB90] =	vst v29  }
0x261: {  	v8 =	vor.u32 v23, v36;
	v20 =	vmul.f32 v20, v60;
	v12 =	vmul.f32 v12, v38;
	[tilespmem:$0x1FB80] =	vst v30  }
0x262: {  	v1 =	vadd.f32 v1, v10;
	v23 =	vor.u32 v26, v46;
	v6 =	vmul.f32 v6, v29;
	[tilespmem:$0x1FB50] =	vst v59  }
0x263: {  	v2 =	vmul.f32 v30, v2;
	v11 =	vadd.f32 v25, v11;
	v12 =	vadd.f32 v12, v20;
	v4 =	vld.idx.msk [tilespmem:v4+s3+$0x0], $0xffff  }
0x264: {  	v25 =	vor.u32 v26, v45;
	v20 =	vor.u32 v26, v48;
	[tilespmem:v18+s19+$0x0] =	vst.idx.msk $0xffff, v19;
	v22 =	vld.idx.msk [tilespmem:v22+s3+$0x0], $0xffff  }
0x265: {  	v5 =	vmul.f32 v5, v59;
	v2 =	vadd.f32 v2, v6;
	v18 =	vld.idx.msk [tilespmem:v24+s3+$0x0], $0xffff;
	v11 =	vadd.f32 v12, v11  }
0x266: {  	v8 =	vld.idx.msk [tilespmem:v8+s3+$0x0], $0xffff;
	v12 =	vand.u32 $0xFFFFFFF0, v13;
	v13 =	vand.u32 $0xFFFFFFF0, v42;
	v26 =	vand.u32 $0xFFFFFFF0, v44  }
0x267: {  	v12 =	vor.u32 $0x1, v12;
	v13 =	vor.u32 $0x2, v13;
	v9 =	vand.u32 $0xFFFFFFF0, v9  }
0x268: {  	v45 =	vor.u32 $0x4, v26;
	v19 =	vmin.f32 v12, v13;
	v12 =	vmax.f32 v12, v13  }
0x269: {  	[tilespmem:v17+s19+$0x0] =	vst.idx.msk $0xffff, v11;
	v9 =	vor.u32 $0x8, v9;
	v22 =	vmul.f32 v22, v39;
	v0 =	vmul.f32 v4, v0  }
0x26a: {  	s8 =	simm.s32 $0x600;
	v4 =	vor.u32 v41, v51;
	v13 =	vmin.f32 v45, v9;
	v9 =	vmax.f32 v45, v9  }
0x26b: {  	s5 =	sand.u32 $0xE00, s8;
	v57 =	vmovc v59;
	v59 =	vld [tilespmem:s30+$0x100];
	v18 =	vmul.f32 v37, v18;
	v8 =	vmul.f32 v8, v40;
	v24 =	vmax.f32 v19, v13  }
0x26c: {  	v42 =	vor.u32 s5, v32;
	v26 =	vmin.f32 v12, v9;
	v9 =	vmax.f32 v12, v9;
	v12 =	vld.idx.msk [tilespmem:v43+s3+$0x0], $0xffff;
	[tilespmem:$0x1FB60] =	vst v39  }
0x26d: {  	s24 =	simm.s32 $0x40;
	v5 =	vadd.f32 v22, v5;
	v22 =	vor.u32 v41, v14;
	v43 =	vmax.f32 v26, v24;
	v23 =	vld.idx.msk [tilespmem:v23+s3+$0x0], $0xffff  }
0x26e: {  	s11 =	simm.s32 $0x60;
	s10 =	sand.u32 $0x80, s24;
	v48 =	vadd.s32 v62, v9;
	v24 =	vmin.f32 v26, v24;
	v17 =	vld.idx.msk [tilespmem:v20+s3+$0x0], $0xffff;
	v20 =	vor.u32 v41, v52  }
0x26f: {  	s20 =	sand.u32 $0x60, s11;
	s26 =	sor.u32 $0x4000, s10;
	v6 =	vld.idx.msk [tilespmem:v25+s3+$0x0], $0xffff;
	[tilespmem:$0x1FBA0] =	vst v37;
	v26 =	vadd.s32 v43, v48;
	v44 =	vand.u32 $0xF, v48;
	v2 =	vadd.f32 v5, v2  }
0x270: {  	s8 =	sor.u32 s20, s26;
	[tilespmem:$0x1FBB0] =	vst v50;
	v11 =	vadd.s32 v24, v26;
	v48 =	vand.u32 $0xF, v26;
	v44 =	vor.u32 v42, v44  }
0x271: {  	v25 =	vld [tilespmem:s8+$0x0];
	[tilespmem:$0x1FBD0] =	vst v28;
	v26 =	vmul.f32 v59, v28;
	v11 =	vand.u32 $0xF, v11;
	v48 =	vor.u32 v42, v48  }
0x272: {  	v53 =	vmovc v60;
	[tilespmem:$0x1FBC0] =	vst v40;
	v5 =	vor.u32 s2, v56;
	v11 =	vor.u32 v42, v11;
	v12 =	vmul.f32 v12, v50  }
0x273: {  	v60 =	vmov v36;
	v52 =	vor.u32 v5, v58;
	[tilespmem:v16+s19+$0x0] =	vst.idx.msk $0xffff, v2;
	v10 =	vadd.f32 v18, v26  }
0x274: {  	v18 =	vor.u32 v5, v60;
	v8 =	vadd.f32 v8, v12;
	v12 =	vor.u32 v5, v55;
	v5 =	vld [tilespmem:$0x1F9B0]  }
0x275: {  	v14 =	vmov v50;
	v50 =	vld.idx.msk [tilespmem:v44+s3+$0x0], $0xffff  }
0x276: {  	v0 =	vadd.f32 v0, v7;
	v7 =	vld.idx.msk [tilespmem:v48+s3+$0x0], $0xffff  }
0x277: {  	v51 =	vmov v37;
	v45 =	vmov v40;
	v2 =	vld.idx.msk [tilespmem:v11+s3+$0x0], $0xffff  }
0x278: {  	v37 =	vmin.f32 v19, v13;
	v40 =	vsub.f32 v9, v43;
	v0 =	vadd.f32 v0, v1;
	v4 =	vld.idx.msk [tilespmem:v4+s3+$0x0], $0xffff  }
0x279: {  	v59 =	vsub.f32 v43, v24;
	v13 =	vld.idx.msk [tilespmem:v22+s3+$0x0], $0xffff;
	v60 =	vsub.f32 v24, v37  }
0x27a: {  	s21 =	simm.s32 $0x100;
	v20 =	vld.idx.msk [tilespmem:v20+s3+$0x0], $0xffff;
	v19 =	vmul.f32 v23, v49;
	v8 =	vadd.f32 v8, v10;
	[tilespmem:$0x1FA60] =	vst v0  }
0x27b: {  	v49 =	vor.u32 s21, v27;
	v0 =	vmul.f32 v37, v25;
	v1 =	vld [tilespmem:s31+$0x200];
	v9 =	vmul.f32 v40, v50  }
0x27c: {  	v10 =	vor.u32 s21, v31;
	v7 =	vmul.f32 v59, v7;
	[tilespmem:v5+s19+$0x0] =	vst.idx.msk $0xffff, v8;
	v8 =	vld [tilespmem:s0+$0x200];
	v2 =	vmul.f32 v60, v2  }
0x27d: {  	v12 =	vld.idx.msk [tilespmem:v12+s3+$0x0], $0xffff;
	[tilespmem:$0x1FB10] =	vst v10  }
0x27e: {  	v7 =	vadd.f32 v9, v7;
	v16 =	vld.idx.msk [tilespmem:v52+s3+$0x0], $0xffff;
	v0 =	vadd.f32 v2, v0  }
0x27f: {  	v24 =	vor.u32 s5, v54;
	v22 =	vmul.f32 v17, v53;
	v5 =	vor.u32 s21, v33;
	v18 =	vld.idx.msk [tilespmem:v18+s3+$0x0], $0xffff  }
0x280: {  	v6 =	vmul.f32 v6, v38;
	v2 =	vor.u32 s21, v34;
	v23 =	vld [tilespmem:s30+$0x200];
	v0 =	vadd.f32 v7, v0  }
0x281: {  	v36 =	vmovc v39;
	v39 =	vand.u32 $0x7F, v11;
	v41 =	vld.idx.msk [tilespmem:v49+s14+$0x0], $0xffff;
	v7 =	vmul.f32 v4, v30;
	v8 =	vmul.f32 v8, v29  }
0x282: {  	s20 =	simm.s32 $0x140;
	v55 =	vor.u32 v24, v39;
	v6 =	vadd.f32 v6, v22;
	v48 =	vand.u32 $0x7F, v48;
	v30 =	vld [tilespmem:$0x1FFE0];
	[tilespmem:v3+s19+$0x0] =	vst.idx.msk $0xffff, v0  }
0x283: {  	v13 =	vmul.f32 v13, v36;
	v50 =	vor.u32 s20, v27;
	v43 =	vld.idx.msk [tilespmem:v10+s14+$0x0], $0xffff;
	[tilespmem:$0x1F9C0] =	vst v5;
	v0 =	vadd.f32 v7, v8  }
0x284: {  	v38 =	vand.u32 $0x7F, v44;
	v11 =	vmul.f32 v20, v57;
	v3 =	vor.u32 v24, v48;
	v44 =	vld.idx.msk [tilespmem:v5+s14+$0x0], $0xffff;
	[tilespmem:$0x1F9D0] =	vst v2  }
0x285: {  	s25 =	simm.s32 $0x1C0;
	v58 =	vor.u32 s20, v35;
	v1 =	vmul.f32 v1, v63;
	v24 =	vor.u32 v24, v38;
	v22 =	vld.idx.msk [tilespmem:v2+s14+$0x0], $0xffff;
	[tilespmem:$0x1FA30] =	vst v0  }
0x286: {  	v53 =	vor.u32 s25, v27;
	v12 =	vmul.f32 v12, v51;
	v23 =	vmul.f32 v23, v28;
	v7 =	vld [tilespmem:s8+$0x100]  }
0x287: {  	v63 =	vadd.f32 v13, v11;
	v1 =	vadd.f32 v19, v1;
	v4 =	vor.u32 s20, v15;
	v13 =	vld.idx.msk [tilespmem:v55+s3+$0x0], $0xffff  }
0x288: {  	v8 =	vmul.f32 v16, v14;
	v18 =	vmul.f32 v18, v45;
	v55 =	vadd.f32 v12, v23;
	v12 =	vld.idx.msk [tilespmem:v50+s14+$0x0], $0xffff  }
0x289: {  	v52 =	vor.u32 s25, v35;
	v51 =	vadd.f32 v6, v1;
	v0 =	vor.u32 s20, v61;
	v42 =	vld.idx.msk [tilespmem:v3+s3+$0x0], $0xffff  }
0x28a: {  	v45 =	vand.u32 $0xFFFFFFF0, v41;
	v57 =	vadd.f32 v18, v8;
	v23 =	vand.u32 $0xFFFFFFF0, v43;
	v8 =	vld.idx.msk [tilespmem:v24+s3+$0x0], $0xffff  }
0x28b: {  	v1 =	vor.u32 s25, v61;
	v18 =	vor.u32 $0x1, v45;
	v17 =	vld.idx.msk [tilespmem:v58+s14+$0x0], $0xffff;
	v23 =	vor.u32 $0x2, v23;
	[tilespmem:$0x1F9E0] =	vst v4  }
0x28c: {  	v2 =	vor.u32 s25, v15;
	v19 =	vld.idx.msk [tilespmem:v4+s14+$0x0], $0xffff;
	v29 =	vmin.f32 v18, v23;
	v24 =	vand.u32 $0xFFFFFFF0, v44  }
0x28d: {  	[tilespmem:$0x1F9F0] =	vst v0;
	v23 =	vmax.f32 v18, v23;
	v22 =	vand.u32 $0xFFFFFFF0, v22;
	v24 =	vor.u32 $0x4, v24  }
0x28e: {  	v36 =	vld.idx.msk [tilespmem:v0+s14+$0x0], $0xffff;
	v7 =	vmul.f32 v7, v37;
	v13 =	vmul.f32 v60, v13;
	v22 =	vor.u32 $0x8, v22  }
0x28f: {  	v0 =	vld.idx.msk [tilespmem:v53+s14+$0x0], $0xffff;
	v12 =	vand.u32 $0xFFFFFFF0, v12;
	v42 =	vmul.f32 v42, v59;
	v8 =	vmul.f32 v8, v40  }
0x290: {  	s20 =	simm.s32 $0x400;
	v27 =	vmin.f32 v24, v22;
	v22 =	vmax.f32 v24, v22;
	v24 =	vand.u32 $0xFFFFFFF0, v17  }
0x291: {  	s20 =	sand.u32 $0xC00, s20;
	v61 =	vld.idx.msk [tilespmem:v52+s14+$0x0], $0xffff;
	[tilespmem:$0x1FA00] =	vst v2;
	v12 =	vor.u32 $0x1, v12;
	v7 =	vadd.f32 v13, v7;
	v16 =	vand.u32 $0xFFFFFFF0, v19  }
0x292: {  	v13 =	vld.idx.msk [tilespmem:v2+s14+$0x0], $0xffff;
	v24 =	vor.u32 $0x2, v24;
	v2 =	vor.u32 s20, v32;
	v8 =	vadd.f32 v8, v42  }
0x293: {  	[tilespmem:$0x1FA10] =	vst v1;
	v41 =	vor.u32 $0x4, v16;
	v45 =	vmin.f32 v12, v24;
	v12 =	vmax.f32 v12, v24  }
0x294: {  	v17 =	vld.idx.msk [tilespmem:v1+s14+$0x0], $0xffff;
	v18 =	vand.u32 $0xFFFFFFF0, v36;
	v0 =	vand.u32 $0xFFFFFFF0, v0;
	v36 =	vmax.f32 v29, v27  }
0x295: {  	v29 =	vmin.f32 v29, v27;
	v44 =	vor.u32 $0x8, v18;
	v7 =	vadd.f32 v8, v7  }
0x296: {  	v0 =	vor.u32 $0x1, v0;
	v8 =	vand.u32 $0xFFFFFFF0, v61;
	v24 =	vmin.f32 v41, v44  }
0x297: {  	v41 =	vmax.f32 v41, v44;
	v8 =	vor.u32 $0x2, v8;
	v13 =	vand.u32 $0xFFFFFFF0, v13  }
0x298: {  	v44 =	vmin.f32 v0, v8;
	v1 =	vmax.f32 v0, v8;
	[tilespmem:v21+s19+$0x0] =	vst.idx.msk $0xffff, v7;
	v21 =	vor.u32 s5, v56  }
0x299: {  	v15 =	vmax.f32 v12, v41;
	v16 =	vmax.f32 v45, v24;
	v42 =	vand.u32 $0xFFFFFFF0, v17  }
0x29a: {  	v13 =	vor.u32 $0x4, v13;
	v19 =	vor.u32 v21, v39;
	v42 =	vor.u32 $0x8, v42  }
0x29b: {  	v61 =	vor.u32 v21, v48;
	v21 =	vor.u32 v21, v38;
	v28 =	vmin.f32 v13, v42  }
0x29c: {  	v7 =	vmax.f32 v13, v42;
	v13 =	vmin.f32 v23, v22;
	v23 =	vmax.f32 v23, v22  }
0x29d: {  	v22 =	vmin.f32 v12, v41;
	v8 =	vmax.f32 v13, v36;
	v13 =	vmin.f32 v13, v36  }
0x29e: {  	v5 =	vadd.s32 v62, v23;
	v10 =	vmax.f32 v22, v16;
	v9 =	vmin.f32 v22, v16  }
0x29f: {  	v22 =	vadd.s32 v62, v15;
	v3 =	vmin.f32 v1, v7;
	v25 =	vmax.f32 v1, v7  }
0x2a0: {  	v6 =	vld [tilespmem:s8+$0x200];
	v1 =	vmax.f32 v44, v28;
	v17 =	vadd.s32 v8, v5;
	v4 =	vadd.s32 v10, v22  }
0x2a1: {  	v12 =	vmax.f32 v3, v1;
	v7 =	vmin.f32 v3, v1;
	v5 =	vand.u32 $0xF, v5;
	v42 =	vld.idx.msk [tilespmem:v19+s3+$0x0], $0xffff  }
0x2a2: {  	s21 =	simm.s32 $0x500;
	v0 =	vadd.s32 v13, v17;
	v11 =	vld.idx.msk [tilespmem:v61+s3+$0x0], $0xffff;
	v3 =	vand.u32 $0xF, v17;
	v36 =	vor.u32 v2, v5  }
0x2a3: {  	s10 =	sand.u32 $0xD00, s21;
	s21 =	sand.u32 $0x40, s24;
	s25 =	simm.s32 $0x50;
	v18 =	vadd.s32 v9, v4;
	v21 =	vld.idx.msk [tilespmem:v21+s3+$0x0], $0xffff;
	v0 =	vand.u32 $0xF, v0;
	v16 =	vor.u32 v2, v3  }
0x2a4: {  	s28 =	simm.s32 $0x700;
	s24 =	sor.u32 s21, s26;
	s11 =	sand.u32 $0x50, s25;
	v43 =	vand.u32 $0xF, v18;
	v20 =	vor.u32 v2, v0;
	v0 =	vor.u32 s10, v32  }
0x2a5: {  	s25 =	sor.u32 s11, s26;
	s11 =	sand.u32 $0xF00, s28;
	v27 =	vmin.f32 v45, v24;
	v41 =	vld [tilespmem:s24+$0x0];
	v4 =	vand.u32 $0xF, v4;
	v17 =	vor.u32 v0, v43  }
0x2a6: {  	v45 =	vor.u32 s11, v32;
	v5 =	vand.u32 $0xF, v22;
	v3 =	vld [tilespmem:s25+$0x0];
	v4 =	vor.u32 v0, v4  }
0x2a7: {  	v22 =	vor.u32 v0, v5;
	v5 =	vmul.f32 v6, v37;
	v6 =	vmul.f32 v42, v60;
	v0 =	vld.idx.msk [tilespmem:v36+s3+$0x0], $0xffff  }
0x2a8: {  	v61 =	vadd.s32 v62, v25;
	v11 =	vmul.f32 v11, v59;
	v19 =	vmul.f32 v21, v40;
	v62 =	vld.idx.msk [tilespmem:v16+s3+$0x0], $0xffff  }
0x2a9: {  	v24 =	vadd.s32 v12, v61;
	v43 =	vand.u32 $0xF, v61;
	v2 =	vld.idx.msk [tilespmem:v20+s3+$0x0], $0xffff;
	v5 =	vadd.f32 v6, v5  }
0x2aa: {  	v6 =	vadd.f32 v19, v11;
	v11 =	vadd.s32 v7, v24;
	v24 =	vand.u32 $0xF, v24;
	v14 =	vld.idx.msk [tilespmem:v17+s3+$0x0], $0xffff  }
0x2ab: {  	v26 =	vor.u32 v45, v43;
	v11 =	vand.u32 $0xF, v11;
	v1 =	vld.idx.msk [tilespmem:v4+s3+$0x0], $0xffff;
	v19 =	vor.u32 v45, v24  }
0x2ac: {  	v11 =	vor.u32 v45, v11;
	v45 =	vsub.f32 v23, v8;
	v23 =	vsub.f32 v8, v13;
	v8 =	vld.idx.msk [tilespmem:v22+s3+$0x0], $0xffff  }
0x2ad: {  	v43 =	vsub.f32 v9, v27;
	v42 =	vsub.f32 v10, v9;
	v3 =	vmul.f32 v27, v3  }
0x2ae: {  	s29 =	simm.s32 $0x70;
	v24 =	vsub.f32 v13, v29;
	v13 =	vmul.f32 v29, v41;
	v41 =	vsub.f32 v15, v10  }
0x2af: {  	s21 =	sand.u32 $0x70, s29;
	v5 =	vadd.f32 v6, v5;
	v6 =	vmul.f32 v23, v62;
	v0 =	vmul.f32 v45, v0  }
0x2b0: {  	s26 =	sor.u32 s21, s26;
	v2 =	vmul.f32 v24, v2;
	v9 =	vmul.f32 v43, v14  }
0x2b1: {  	v10 =	vld [tilespmem:s26+$0x0];
	[tilespmem:v47+s19+$0x0] =	vst.idx.msk $0xffff, v5;
	v1 =	vmul.f32 v42, v1;
	v5 =	vmul.f32 v41, v8  }
0x2b2: {  	v0 =	vadd.f32 v0, v6;
	v2 =	vadd.f32 v2, v13  }
0x2b3: {  	v8 =	vor.u32 s5, v30;
	v3 =	vadd.f32 v9, v3;
	v1 =	vadd.f32 v5, v1  }
0x2b4: {  	v44 =	vmin.f32 v44, v28;
	v5 =	vor.u32 v8, v48;
	v0 =	vadd.f32 v0, v2  }
0x2b5: {  	v2 =	vor.u32 s4, v30;
	v48 =	vsub.f32 v7, v44;
	v1 =	vadd.f32 v1, v3  }
0x2b6: {  	v3 =	vor.u32 v2, v46;
	v46 =	vsub.f32 v12, v7;
	v7 =	vmul.f32 v44, v10;
	v10 =	vld [tilespmem:$0x1FA20]  }
0x2b7: {  	v6 =	vor.u32 v8, v39;
	_ =	sdelay $0x2  }
0x2b8: {  	v9 =	vld.idx.msk [tilespmem:v11+s3+$0x0], $0xffff  }
0x2b9: {  	[tilespmem:v49+s19+$0x0] =	vst.idx.msk $0xffff, v0;
	v49 =	vld [tilespmem:s8+$0x300]  }
0x2ba: {  	v6 =	vld.idx.msk [tilespmem:v6+s3+$0x0], $0xffff;
	_ =	sdelay $0x1  }
0x2bb: {  	v47 =	vsub.f32 v25, v12;
	[tilespmem:v10+s19+$0x0] =	vst.idx.msk $0xffff, v51  }
0x2bc: {  	v10 =	vand.u32 $0x7F, v20;
	v20 =	vand.u32 $0x7F, v4;
	v4 =	vmul.f32 v48, v9;
	v25 =	vld [tilespmem:$0x1FA30]  }
0x2bd: {  	v0 =	vand.u32 $0x7F, v16;
	v16 =	vand.u32 $0x7F, v22;
	[tilespmem:v50+s19+$0x0] =	vst.idx.msk $0xffff, v1  }
0x2be: {  	v22 =	vmovc v27;
	v6 =	vmul.f32 v6, v60;
	v1 =	vadd.f32 v4, v7;
	v7 =	vmul.f32 v49, v37;
	v27 =	vld [tilespmem:$0x1FA50]  }
0x2bf: {  	v12 =	vand.u32 $0x7F, v17;
	v51 =	vor.u32 s10, v54  }
0x2c0: {  	v9 =	vor.u32 v51, v12;
	v6 =	vadd.f32 v6, v7  }
0x2c1: {  	v7 =	vor.u32 v51, v16;
	v25 =	vadd.f32 v63, v25;
	v63 =	vor.u32 v51, v20;
	v51 =	vld [tilespmem:$0x1FA60];
	_ =	sdelay $0x4  }
0x2c2: {  	v50 =	vld [tilespmem:$0x1FA40];
	[tilespmem:v27+s19+$0x0] =	vst.idx.msk $0xffff, v51  }
0x2c3: {  	v27 =	vld [tilespmem:$0x1FA70];
	_ =	sdelay $0x2  }
0x2c4: {  	v8 =	vor.u32 v8, v38  }
0x2c5: {  	v15 =	vld.idx.msk [tilespmem:v26+s3+$0x0], $0xffff  }
0x2c6: {  	v13 =	vld.idx.msk [tilespmem:v19+s3+$0x0], $0xffff;
	_ =	sdelay $0x1  }
0x2c7: {  	v5 =	vld.idx.msk [tilespmem:v5+s3+$0x0], $0xffff  }
0x2c8: {  	v8 =	vld.idx.msk [tilespmem:v8+s3+$0x0], $0xffff;
	[tilespmem:v27+s19+$0x0] =	vst.idx.msk $0xffff, v25  }
0x2c9: {  	v25 =	vld [tilespmem:$0x1FA80]  }
0x2ca: {  	v15 =	vmul.f32 v47, v15;
	v13 =	vmul.f32 v46, v13;
	_ =	sdelay $0x1  }
0x2cb: {  	v4 =	vadd.f32 v15, v13;
	_ =	sdelay $0x1  }
0x2cc: {  	v5 =	vmul.f32 v5, v59;
	v8 =	vmul.f32 v8, v40;
	v1 =	vadd.f32 v4, v1  }
0x2cd: {  	v62 =	vadd.f32 v57, v55  }
0x2ce: {  	v5 =	vadd.f32 v8, v5;
	[tilespmem:v53+s19+$0x0] =	vst.idx.msk $0xffff, v1  }
0x2cf: {  	[tilespmem:v25+s19+$0x0] =	vst.idx.msk $0xffff, v62  }
0x2d0: {  	v5 =	vadd.f32 v5, v6;
	v6 =	vand.u32 $0x7F, v26;
	v26 =	vld [tilespmem:$0x1FA90];
	_ =	sdelay $0x1  }
0x2d1: {  	v14 =	vor.u32 s20, v54  }
0x2d2: {  	v21 =	vor.u32 v14, v0;
	_ =	sdelay $0x3  }
0x2d3: {  	v28 =	vor.u32 s11, v54;
	v54 =	vld [tilespmem:s24+$0x100];
	v61 =	vor.u32 v14, v10  }
0x2d4: {  	v49 =	vld.idx.msk [tilespmem:v21+s3+$0x0], $0xffff;
	[tilespmem:v26+s19+$0x0] =	vst.idx.msk $0xffff, v5  }
0x2d5: {  	v5 =	vld [tilespmem:$0x1FAA0]  }
0x2d6: {  	v4 =	vld [tilespmem:s25+$0x100]  }
0x2d7: {  	v26 =	vld [tilespmem:$0x1FAC0]  }
0x2d8: {  	v13 =	vand.u32 $0x7F, v36;
	v15 =	vld.idx.msk [tilespmem:v61+s3+$0x0], $0xffff  }
0x2d9: {  	v11 =	vand.u32 $0x7F, v11;
	v14 =	vor.u32 v14, v13;
	v9 =	vld.idx.msk [tilespmem:v9+s3+$0x0], $0xffff  }
0x2da: {  	v55 =	vor.u32 v28, v11;
	v18 =	vor.u32 v2, v50;
	v2 =	vor.u32 v2, v5;
	v5 =	vld [tilespmem:$0x1FAB0]  }
0x2db: {  	v8 =	vand.u32 $0x7F, v19;
	v7 =	vld.idx.msk [tilespmem:v7+s3+$0x0], $0xffff;
	v25 =	vor.u32 s12, v30  }
0x2dc: {  	v27 =	vor.u32 v28, v8;
	v1 =	vor.u32 v28, v6;
	v28 =	vor.u32 v25, v26;
	v26 =	vld [tilespmem:$0x1FAD0]  }
0x2dd: {  	v21 =	vld.idx.msk [tilespmem:v63+s3+$0x0], $0xffff  }
0x2de: {  	v14 =	vld.idx.msk [tilespmem:v14+s3+$0x0], $0xffff  }
0x2df: {  	v36 =	vld.idx.msk [tilespmem:v55+s3+$0x0], $0xffff;
	v5 =	vor.u32 v25, v5  }
0x2e0: {  	v57 =	vld [tilespmem:s26+$0x100]  }
0x2e1: {  	v4 =	vmul.f32 v4, v22;
	v9 =	vmul.f32 v43, v9;
	v25 =	vor.u32 v25, v26;
	v26 =	vld.idx.msk [tilespmem:v27+s3+$0x0], $0xffff  }
0x2e2: {  	v7 =	vmul.f32 v7, v41;
	v21 =	vmul.f32 v21, v42;
	v1 =	vld.idx.msk [tilespmem:v1+s3+$0x0], $0xffff  }
0x2e3: {  	v3 =	vld.idx.msk [tilespmem:v3+s3+$0x0], $0xffff;
	v19 =	vmul.f32 v54, v29;
	v15 =	vmul.f32 v24, v15  }
0x2e4: {  	v4 =	vadd.f32 v9, v4;
	v40 =	vld.idx.msk [tilespmem:v5+s3+$0x0], $0xffff;
	v5 =	vadd.f32 v7, v21  }
0x2e5: {  	v17 =	vmul.f32 v49, v23;
	v18 =	vld.idx.msk [tilespmem:v18+s3+$0x0], $0xffff;
	v15 =	vadd.f32 v15, v19;
	v14 =	vmul.f32 v14, v45  }
0x2e6: {  	v36 =	vmul.f32 v48, v36;
	v4 =	vadd.f32 v5, v4;
	v5 =	vmul.f32 v26, v46;
	v26 =	vld [tilespmem:$0x1FB10]  }
0x2e7: {  	v9 =	vadd.f32 v14, v17;
	v19 =	vmul.f32 v57, v44;
	v1 =	vmul.f32 v1, v47;
	v14 =	vld [tilespmem:$0x1FAE0]  }
0x2e8: {  	v21 =	vld [tilespmem:$0x1FB00]  }
0x2e9: {  	v19 =	vadd.f32 v36, v19;
	v60 =	vld [tilespmem:$0x1FAF0];
	v1 =	vadd.f32 v1, v5  }
0x2ea: {  	v59 =	vor.u32 s2, v30;
	v61 =	vor.u32 s10, v56;
	v2 =	vld.idx.msk [tilespmem:v2+s3+$0x0], $0xffff  }
0x2eb: {  	v49 =	vor.u32 v61, v12;
	v27 =	vld.idx.msk [tilespmem:v28+s3+$0x0], $0xffff;
	v7 =	vor.u32 s20, v56;
	v1 =	vadd.f32 v1, v19  }
0x2ec: {  	v9 =	vadd.f32 v9, v15;
	v25 =	vld.idx.msk [tilespmem:v25+s3+$0x0], $0xffff;
	v15 =	vor.u32 v7, v10;
	[tilespmem:v58+s19+$0x0] =	vst.idx.msk $0xffff, v4  }
0x2ed: {  	v36 =	vor.u32 v7, v0;
	v4 =	vor.u32 s20, v30;
	v21 =	vor.u32 v59, v21;
	[tilespmem:v52+s19+$0x0] =	vst.idx.msk $0xffff, v1  }
0x2ee: {  	v62 =	vor.u32 s10, v30;
	v7 =	vor.u32 v7, v13;
	v10 =	vor.u32 v4, v10;
	[tilespmem:v26+s19+$0x0] =	vst.idx.msk $0xffff, v9;
	v26 =	vld [tilespmem:s31+$0x300]  }
0x2ef: {  	v5 =	vor.u32 v4, v0;
	v9 =	vor.u32 v4, v13;
	v4 =	vor.u32 v62, v12;
	v12 =	vld [tilespmem:$0x1FB20]  }
0x2f0: {  	v14 =	vor.u32 v59, v14;
	v17 =	vor.u32 v59, v60;
	v59 =	vld [tilespmem:$0x1FB30]  }
0x2f1: {  	v60 =	vld [tilespmem:$0x1FB40]  }
0x2f2: {  	v63 =	vld.idx.msk [tilespmem:v21+s3+$0x0], $0xffff  }
0x2f3: {  	v13 =	vor.u32 v61, v20;
	v21 =	vor.u32 v61, v16;
	v61 =	vld [tilespmem:$0x1FB50]  }
0x2f4: {  	v54 =	vor.u32 v62, v20;
	v57 =	vor.u32 v62, v16;
	v20 =	vor.u32 s11, v30;
	v62 =	vld.idx.msk [tilespmem:v7+s3+$0x0], $0xffff  }
0x2f5: {  	v55 =	vor.u32 v20, v6;
	v7 =	vld [tilespmem:$0x1FB70];
	v3 =	vmul.f32 v3, v12;
	v12 =	vor.u32 s11, v56  }
0x2f6: {  	v16 =	vmul.f32 v18, v59;
	v2 =	vmul.f32 v2, v60;
	v39 =	vor.u32 v12, v6;
	v6 =	vld [tilespmem:$0x1FB60]  }
0x2f7: {  	v50 =	vld [tilespmem:s0+$0x300]  }
0x2f8: {  	v16 =	vadd.f32 v2, v16;
	v2 =	vld [tilespmem:$0x1FB90];
	_ =	sdelay $0x1  }
0x2f9: {  	v0 =	vld.idx.msk [tilespmem:v17+s3+$0x0], $0xffff;
	v53 =	vor.u32 v20, v11;
	v17 =	vor.u32 v12, v11;
	v11 =	vmul.f32 v26, v7  }
0x2fa: {  	v14 =	vld.idx.msk [tilespmem:v14+s3+$0x0], $0xffff;
	v18 =	vmul.f32 v27, v61;
	v6 =	vmul.f32 v25, v6  }
0x2fb: {  	v3 =	vadd.f32 v3, v11;
	v11 =	vld [tilespmem:$0x1FBB0]  }
0x2fc: {  	v25 =	vmul.f32 v50, v2;
	v2 =	vadd.f32 v6, v18;
	v6 =	vld [tilespmem:$0x1FBA0]  }
0x2fd: {  	v1 =	vld [tilespmem:s30+$0x300]  }
0x2fe: {  	v15 =	vld.idx.msk [tilespmem:v15+s3+$0x0], $0xffff  }
0x2ff: {  	v27 =	vld.idx.msk [tilespmem:v36+s3+$0x0], $0xffff  }
0x300: {  	v56 =	vor.u32 v20, v8;
	v38 =	vor.u32 v12, v8;
	v8 =	vld [tilespmem:$0x1FB80]  }
0x301: {  	v6 =	vmul.f32 v14, v6;
	v14 =	vmul.f32 v0, v11;
	v0 =	vld [tilespmem:$0x1FBC0]  }
0x302: {  	v7 =	vld.idx.msk [tilespmem:v49+s3+$0x0], $0xffff  }
0x303: {  	v11 =	vld [tilespmem:$0x1FBD0]  }
0x304: {  	v12 =	vld.idx.msk [tilespmem:v21+s3+$0x0], $0xffff  }
0x305: {  	v49 =	vld [tilespmem:s24+$0x200];
	v20 =	vmul.f32 v40, v8  }
0x306: {  	v58 =	vmul.f32 v62, v45;
	v8 =	vld.idx.msk [tilespmem:v13+s3+$0x0], $0xffff;
	v63 =	vmul.f32 v63, v0  }
0x307: {  	v52 =	vmul.f32 v27, v23;
	v13 =	vmul.f32 v15, v24;
	v40 =	vld [tilespmem:s25+$0x200];
	v0 =	vadd.f32 v20, v25  }
0x308: {  	s30 =	simm.s32 $0x4;
	s31 =	simm.s32 $0x2C0;
	v51 =	vld.idx.msk [tilespmem:v17+s3+$0x0], $0xffff;
	v1 =	vmul.f32 v1, v11;
	v11 =	vadd.f32 v16, v3;
	v3 =	vadd.f32 v63, v14  }
.LBB2_9:
0x309: {  	v15 =	vmov v45  }
0x30a: {  	[tilespmem:$0x1F8D0] =	vst v15;
	v15 =	vld [tilespmem:$0x1F980]  }
0x30b: {  	v14 =	vld [tilespmem:$0x1FFA0];
	_ =	sdelay $0x3  }
0x30c: {  	s2 =	sadd.s32 $0xFFFFFF80, s31  }
0x30d: {  	v25 =	vmov v41;
	v59 =	vor.u32 s31, v14;
	v41 =	vor.u32 s2, v14;
	v14 =	vld [tilespmem:$0x1FFB0]  }
0x30e: {  	v16 =	vld [tilespmem:$0x1FFF0]  }
0x30f: {  	[tilespmem:v15+s19+$0x0] =	vst.idx.msk $0xffff, v11;
	v15 =	vld [tilespmem:$0x1F9D0]  }
0x310: {  	v60 =	vld.idx.msk [tilespmem:v38+s3+$0x0], $0xffff;
	v26 =	vmov v43  }
0x311: {  	s0 =	sadd.s32 $0xFFFFFF40, s31;
	v61 =	vld.idx.msk [tilespmem:v39+s3+$0x0], $0xffff;
	v6 =	vadd.f32 v6, v1;
	v7 =	vmul.f32 v7, v26;
	v18 =	vor.u32 s31, v35  }
0x312: {  	v20 =	vmovc v42;
	v21 =	vmovc v46;
	v27 =	vor.u32 s0, v31;
	v42 =	vor.u32 s2, v14;
	v46 =	vor.u32 s31, v14;
	v14 =	vld [tilespmem:$0x1F9C0]  }
0x313: {  	s4 =	sadd.s32 $0xFFFFFFC0, s31;
	v62 =	vld [tilespmem:s26+$0x200];
	v28 =	vor.u32 s2, v35;
	v8 =	vmul.f32 v8, v20;
	v38 =	vor.u32 s0, v16  }
0x314: {  	v37 =	vmovc v48;
	v50 =	vor.u32 s4, v33;
	v63 =	vmul.f32 v49, v29;
	v12 =	vmul.f32 v12, v25;
	v11 =	vmovc v15  }
0x315: {  	v40 =	vmul.f32 v40, v22;
	v51 =	vmul.f32 v51, v37;
	[tilespmem:$0x1F980] =	vst v11;
	v11 =	vor.u32 s0, v33  }
0x316: {  	v1 =	vadd.f32 v13, v63;
	v15 =	vor.u32 s0, v34;
	v33 =	vadd.f32 v58, v52  }
0x317: {  	v17 =	vmovc v44;
	v19 =	vmovc v47;
	v36 =	vor.u32 s31, v16;
	v7 =	vadd.f32 v7, v40;
	v8 =	vadd.f32 v12, v8  }
0x318: {  	v35 =	vmul.f32 v61, v19;
	v12 =	vmul.f32 v62, v17;
	v61 =	vld.idx.msk [tilespmem:v38+s14+$0x0], $0xffff;
	v62 =	vadd.f32 v33, v1  }
0x319: {  	v45 =	vor.u32 s4, v16;
	v63 =	vadd.f32 v2, v0;
	v7 =	vadd.f32 v8, v7;
	v48 =	vld.idx.msk [tilespmem:v27+s14+$0x0], $0xffff  }
0x31a: {  	v8 =	vadd.f32 v51, v12;
	v2 =	vmov v11;
	v12 =	vld.idx.msk [tilespmem:v11+s14+$0x0], $0xffff;
	[tilespmem:v14+s19+$0x0] =	vst.idx.msk $0xffff, v62  }
0x31b: {  	[tilespmem:$0x1F9C0] =	vst v2;
	v2 =	vld.idx.msk [tilespmem:v15+s14+$0x0], $0xffff  }
0x31c: {  	[tilespmem:$0x1F9D0] =	vst v15;
	v15 =	vld [tilespmem:$0x1FA00]  }
0x31d: {  	v44 =	vor.u32 s4, v31;
	v43 =	vld.idx.msk [tilespmem:v36+s14+$0x0], $0xffff  }
0x31e: {  	v30 =	vor.u32 s4, v34;
	v13 =	vmul.f32 v60, v21;
	v47 =	vld.idx.msk [tilespmem:v45+s14+$0x0], $0xffff  }
0x31f: {  	v11 =	vld [tilespmem:$0x1F9E0]  }
0x320: {  	v13 =	vadd.f32 v35, v13;
	v14 =	vld [tilespmem:$0x1F990]  }
0x321: {  	v34 =	vld.idx.msk [tilespmem:v50+s14+$0x0], $0xffff  }
0x322: {  	[tilespmem:$0x1F970] =	vst v17;
	v52 =	vld.idx.msk [tilespmem:v44+s14+$0x0], $0xffff;
	v33 =	vadd.f32 v13, v8  }
0x323: {  	[tilespmem:$0x1F940] =	vst v37;
	v39 =	vor.u32 s2, v16;
	v37 =	vld.idx.msk [tilespmem:v30+s14+$0x0], $0xffff  }
0x324: {  	[tilespmem:v15+s19+$0x0] =	vst.idx.msk $0xffff, v33;
	v15 =	vld [tilespmem:$0x1F9A0]  }
0x325: {  	v3 =	vadd.f32 v3, v6;
	[tilespmem:$0x1F880] =	vst v30;
	v0 =	vmovc v41;
	v30 =	vlaneseq.u32;
	v1 =	vand.u32 $0xFFFFFFF0, v43;
	v10 =	vld.idx.msk [tilespmem:v10+s3+$0x0], $0xffff  }
0x326: {  	v8 =	vand.u32 $0xFFFFFFF0, v47;
	v1 =	vor.u32 $0x1, v1;
	v13 =	vand.u32 $0xFFFFFFF0, v34;
	[tilespmem:$0x1F9E0] =	vst v0;
	v5 =	vld.idx.msk [tilespmem:v5+s3+$0x0], $0xffff  }
0x327: {  	v8 =	vor.u32 $0x1, v8;
	v13 =	vor.u32 $0x4, v13;
	v9 =	vld.idx.msk [tilespmem:v9+s3+$0x0], $0xffff;
	[tilespmem:v11+s19+$0x0] =	vst.idx.msk $0xffff, v7;
	v11 =	vand.u32 $0xFFFFFFF0, v52  }
0x328: {  	v12 =	vand.u32 $0xFFFFFFF0, v12;
	v7 =	vmovc v59;
	v6 =	vld.idx.msk [tilespmem:v39+s14+$0x0], $0xffff;
	[tilespmem:v14+s19+$0x0] =	vst.idx.msk $0xffff, v63;
	v11 =	vor.u32 $0x2, v11;
	v14 =	vand.u32 $0xFFFFFFF0, v37  }
0x329: {  	v2 =	vand.u32 $0xFFFFFFF0, v2;
	[tilespmem:$0x1FA00] =	vst v7;
	v0 =	vld.idx.msk [tilespmem:v28+s14+$0x0], $0xffff;
	v14 =	vor.u32 $0x8, v14;
	v43 =	vmin.f32 v8, v11  }
0x32a: {  	v7 =	vld.idx.msk [tilespmem:v41+s14+$0x0], $0xffff;
	v8 =	vmax.f32 v8, v11;
	v11 =	vmin.f32 v13, v14;
	v13 =	vmax.f32 v13, v14  }
0x32b: {  	s28 =	sadd.s32 $0x400, s28;
	v4 =	vld.idx.msk [tilespmem:v4+s3+$0x0], $0xffff;
	v34 =	vmax.f32 v43, v11;
	v35 =	vmin.f32 v8, v13;
	v8 =	vmax.f32 v8, v13  }
0x32c: {  	s29 =	sadd.s32 $0x40, s29;
	s12 =	sadd.s32 $0xFFFFFD00, s28;
	s5 =	sadd.s32 $0xFFFFFF00, s28;
	v58 =	vmax.f32 v35, v34;
	v52 =	vadd.s32 v30, v8;
	[tilespmem:v15+s19+$0x0] =	vst.idx.msk $0xffff, v3;
	v3 =	vld.idx.msk [tilespmem:v42+s14+$0x0], $0xffff  }
0x32d: {  	[tilespmem:$0x1F960] =	vst v19;
	s20 =	sadd.s32 $0xFFFFFE00, s28;
	s8 =	sadd.s32 $0xFFFFFFD0, s29;
	s5 =	sand.u32 $0xE00, s5;
	v12 =	vor.u32 $0x4, v12;
	v51 =	vor.u32 $0x8, v2;
	v14 =	vmovc v42;
	v17 =	vadd.s32 v58, v52;
	v15 =	vld [tilespmem:$0x1F9F0]  }
0x32e: {  	s10 =	sadd.s32 $0xFFFFFFE0, s29;
	s2 =	sand.u32 $0xC00, s12;
	s12 =	sand.u32 $0x40, s8;
	v37 =	vor.u32 s5, v32;
	v60 =	vmin.f32 v35, v34;
	v34 =	vand.u32 $0xF, v17;
	[tilespmem:$0x1F9F0] =	vst v14;
	v14 =	vld [tilespmem:$0x1FA10]  }
0x32f: {  	[tilespmem:$0x1F910] =	vst v18;
	s8 =	sand.u32 $0x80, s8;
	s0 =	sand.u32 $0xD00, s20;
	s20 =	sadd.s32 $0xFFFFFFF0, s29;
	v6 =	vand.u32 $0xFFFFFFF0, v6;
	v33 =	vadd.s32 v60, v17;
	v42 =	vor.u32 v37, v34;
	v13 =	vld.idx.msk [tilespmem:v18+s14+$0x0], $0xffff  }
0x330: {  	s21 =	sor.u32 $0x4000, s8;
	s8 =	sand.u32 $0x50, s10;
	s10 =	sand.u32 $0x60, s20;
	v0 =	vand.u32 $0xFFFFFFF0, v0;
	[tilespmem:$0x1F900] =	vst v4;
	v4 =	vand.u32 $0xFFFFFFF0, v7;
	v59 =	vld.idx.msk [tilespmem:v59+s14+$0x0], $0xffff;
	v18 =	vand.u32 $0xF, v52  }
0x331: {  	s20 =	sor.u32 s8, s21;
	s8 =	sor.u32 s10, s21;
	[tilespmem:$0x1F8C0] =	vst v5;
	v5 =	vmovc v46;
	v35 =	vand.u32 $0xF, v33;
	v33 =	vor.u32 $0x1, v6;
	v19 =	vld.idx.msk [tilespmem:v46+s14+$0x0], $0xffff;
	v63 =	vor.u32 v37, v18  }
0x332: {  	v7 =	vld [tilespmem:s8+$0x0];
	v0 =	vor.u32 $0x2, v0;
	[tilespmem:$0x1FA10] =	vst v5;
	v5 =	vand.u32 $0xFFFFFFF0, v48;
	v48 =	vor.u32 v37, v35  }
0x333: {  	v6 =	vmin.f32 v12, v51;
	v5 =	vor.u32 $0x2, v5;
	v62 =	vld.idx.msk [tilespmem:v53+s3+$0x0], $0xffff;
	v53 =	vand.u32 $0x7F, v42  }
0x334: {  	[tilespmem:$0x1F8B0] =	vst v10;
	v10 =	vmovc v14;
	v3 =	vand.u32 $0xFFFFFFF0, v3;
	v52 =	vld.idx.msk [tilespmem:v42+s3+$0x0], $0xffff;
	v14 =	vor.u32 $0x4, v4;
	v4 =	vsub.f32 v8, v58  }
0x335: {  	v8 =	vmax.f32 v12, v51;
	v51 =	vld.idx.msk [tilespmem:v55+s3+$0x0], $0xffff;
	v55 =	vor.u32 s2, v32;
	[tilespmem:$0x1F9A0] =	vst v10;
	v10 =	vand.u32 $0xFFFFFFF0, v61  }
0x336: {  	[tilespmem:$0x1F8E0] =	vst v9;
	v9 =	vand.u32 $0xFFFFFFF0, v13;
	v37 =	vand.u32 $0xFFFFFFF0, v59;
	v49 =	vand.u32 $0xFFFFFFF0, v19;
	v13 =	vld.idx.msk [tilespmem:v63+s3+$0x0], $0xffff  }
0x337: {  	v34 =	vld.idx.msk [tilespmem:v48+s3+$0x0], $0xffff;
	v3 =	vor.u32 $0x8, v3;
	v10 =	vor.u32 $0x1, v10;
	v35 =	vor.u32 $0x2, v9  }
0x338: {  	[tilespmem:$0x1F920] =	vst v20;
	v37 =	vor.u32 $0x4, v37;
	v20 =	vor.u32 $0x8, v49;
	v9 =	vsub.f32 v58, v60  }
0x339: {  	v2 =	vmin.f32 v10, v5;
	v19 =	vmax.f32 v10, v5;
	v5 =	vmin.f32 v43, v11;
	v49 =	vmovc v23;
	v23 =	vld [tilespmem:$0x1FFC0]  }
0x33a: {  	v58 =	vld.idx.msk [tilespmem:v54+s3+$0x0], $0xffff;
	v54 =	vand.u32 $0x7F, v48;
	v11 =	vmin.f32 v33, v0;
	v10 =	vsub.f32 v60, v5  }
0x33b: {  	v43 =	vmin.f32 v14, v3;
	v7 =	vmul.f32 v5, v7;
	v12 =	vmul.f32 v4, v13  }
0x33c: {  	v13 =	vmax.f32 v33, v0;
	v0 =	vmul.f32 v10, v34;
	v33 =	vmul.f32 v9, v52  }
0x33d: {  	[tilespmem:$0x1F8F0] =	vst v26;
	v14 =	vmax.f32 v14, v3;
	v16 =	vmin.f32 v1, v35;
	v1 =	vmax.f32 v1, v35  }
0x33e: {  	[tilespmem:$0x1F930] =	vst v25;
	v34 =	vor.u32 s5, v23;
	v3 =	vadd.f32 v0, v7;
	v7 =	vadd.f32 v12, v33  }
0x33f: {  	[tilespmem:$0x1F950] =	vst v21;
	v17 =	vmin.f32 v37, v20;
	v35 =	vmax.f32 v2, v6;
	v12 =	vor.u32 v34, v54  }
0x340: {  	[tilespmem:$0x1F890] =	vst v27;
	v52 =	vld.idx.msk [tilespmem:v56+s3+$0x0], $0xffff;
	v56 =	vand.u32 $0x7F, v63;
	v42 =	vor.u32 v34, v53;
	v7 =	vadd.f32 v7, v3  }
0x341: {  	v15 =	vmovc v15;
	v33 =	vmax.f32 v11, v43;
	v11 =	vmin.f32 v11, v43;
	v48 =	vor.u32 v34, v56  }
0x342: {  	v32 =	vor.u32 s0, v32;
	v0 =	vld [tilespmem:$0x1FFD0];
	v34 =	vmin.f32 v13, v14;
	v13 =	vmax.f32 v13, v14;
	[tilespmem:v45+s19+$0x0] =	vst.idx.msk $0xffff, v7  }
0x343: {  	[tilespmem:$0x1F990] =	vst v15;
	v14 =	vmax.f32 v16, v17;
	v25 =	vadd.s32 v30, v13;
	v7 =	vmax.f32 v37, v20;
	v20 =	vld [tilespmem:s8+$0x100]  }
0x344: {  	v37 =	vmin.f32 v19, v8;
	v8 =	vmax.f32 v19, v8;
	v19 =	vmin.f32 v34, v33;
	v12 =	vld.idx.msk [tilespmem:v12+s3+$0x0], $0xffff  }
0x345: {  	v15 =	vmax.f32 v37, v35;
	v21 =	vmin.f32 v1, v7;
	v27 =	vmax.f32 v1, v7;
	v42 =	vld.idx.msk [tilespmem:v42+s3+$0x0], $0xffff  }
0x346: {  	v1 =	vadd.s32 v30, v8;
	v7 =	vmax.f32 v34, v33;
	v18 =	vmin.f32 v37, v35;
	v48 =	vld.idx.msk [tilespmem:v48+s3+$0x0], $0xffff  }
0x347: {  	[tilespmem:$0x1F8A0] =	vst v28;
	v37 =	vor.u32 s5, v0;
	v43 =	vsub.f32 v19, v11;
	v26 =	vadd.s32 v15, v1  }
0x348: {  	v40 =	vmovc v29;
	v28 =	vmax.f32 v21, v14;
	v29 =	vadd.s32 v30, v27;
	v35 =	vadd.s32 v7, v25  }
0x349: {  	v14 =	vmin.f32 v21, v14;
	v1 =	vand.u32 $0xF, v1;
	v25 =	vand.u32 $0xF, v25  }
0x34a: {  	v59 =	vld.idx.msk [tilespmem:v57+s3+$0x0], $0xffff;
	v57 =	vadd.s32 v18, v26;
	v20 =	vmul.f32 v20, v5;
	v12 =	vmul.f32 v10, v12  }
0x34b: {  	v21 =	vadd.s32 v28, v29;
	v42 =	vmul.f32 v42, v9;
	v48 =	vmul.f32 v48, v4  }
0x34c: {  	s12 =	sor.u32 s12, s21;
	v30 =	vadd.s32 v19, v35;
	v26 =	vand.u32 $0xF, v26;
	v45 =	vand.u32 $0xF, v35  }
0x34d: {  	s11 =	sand.u32 $0x70, s29;
	v41 =	vld [tilespmem:s12+$0x0];
	v29 =	vand.u32 $0xF, v29;
	v12 =	vadd.f32 v12, v20;
	v20 =	vadd.f32 v48, v42  }
0x34e: {  	s21 =	sor.u32 s11, s21;
	v46 =	vld [tilespmem:s20+$0x0];
	v25 =	vor.u32 v32, v25;
	v57 =	vand.u32 $0xF, v57;
	v48 =	vor.u32 v37, v54  }
0x34f: {  	v47 =	vld [tilespmem:s21+$0x0];
	v31 =	vadd.s32 v14, v21;
	v42 =	vor.u32 v37, v56;
	v12 =	vadd.f32 v20, v12  }
0x350: {  	v3 =	vmovc v24;
	v30 =	vand.u32 $0xF, v30;
	v21 =	vand.u32 $0xF, v21;
	v20 =	vor.u32 v37, v53;
	v37 =	vmovc v22;
	v22 =	vld [tilespmem:$0x1FF50]  }
0x351: {  	v24 =	vld [tilespmem:$0x1FFE0];
	v31 =	vand.u32 $0xF, v31;
	v57 =	vor.u32 v55, v57;
	v30 =	vor.u32 v32, v30;
	[tilespmem:v44+s19+$0x0] =	vst.idx.msk $0xffff, v12  }
0x352: {  	v12 =	vor.u32 v55, v26;
	v26 =	vor.u32 v32, v45;
	v55 =	vor.u32 v55, v1;
	v35 =	vld [tilespmem:s8+$0x200]  }
0x353: {  	v1 =	vmin.f32 v2, v6;
	v6 =	vsub.f32 v15, v18;
	v44 =	vmin.f32 v16, v17;
	v32 =	vld.idx.msk [tilespmem:v48+s3+$0x0], $0xffff  }
0x354: {  	s4 =	sand.u32 $0xF00, s28;
	v45 =	vsub.f32 v8, v15;
	v17 =	vmul.f32 v11, v46;
	v2 =	vsub.f32 v18, v1;
	v18 =	vld.idx.msk [tilespmem:v42+s3+$0x0], $0xffff  }
0x355: {  	v46 =	vsub.f32 v28, v14;
	v15 =	vmul.f32 v1, v41;
	v33 =	vor.u32 s4, v22;
	v20 =	vld.idx.msk [tilespmem:v20+s3+$0x0], $0xffff  }
0x356: {  	v16 =	vld.idx.msk [tilespmem:v57+s3+$0x0], $0xffff;
	v42 =	vsub.f32 v7, v19;
	v41 =	vsub.f32 v13, v7;
	v31 =	vor.u32 v33, v31  }
0x357: {  	v19 =	vld.idx.msk [tilespmem:v30+s3+$0x0], $0xffff;
	v48 =	vsub.f32 v14, v44;
	v14 =	vmul.f32 v44, v47;
	v7 =	vand.u32 $0x7F, v57  }
0x358: {  	v57 =	vand.u32 $0x7F, v30;
	v21 =	vor.u32 v33, v21;
	v29 =	vor.u32 v33, v29;
	v33 =	vld.idx.msk [tilespmem:v12+s3+$0x0], $0xffff  }
0x359: {  	v47 =	vsub.f32 v27, v28;
	v22 =	vld.idx.msk [tilespmem:v26+s3+$0x0], $0xffff;
	v27 =	vmul.f32 v35, v5;
	v28 =	vmul.f32 v32, v10  }
0x35a: {  	v8 =	vand.u32 $0x7F, v12;
	v32 =	vld.idx.msk [tilespmem:v55+s3+$0x0], $0xffff;
	v18 =	vmul.f32 v18, v4;
	v20 =	vmul.f32 v20, v9  }
0x35b: {  	v12 =	vand.u32 $0x7F, v26;
	v16 =	vmul.f32 v2, v16;
	v13 =	vand.u32 $0x7F, v31;
	v30 =	vld.idx.msk [tilespmem:v31+s3+$0x0], $0xffff  }
0x35c: {  	v26 =	vld.idx.msk [tilespmem:v25+s3+$0x0], $0xffff;
	v27 =	vadd.f32 v28, v27;
	v18 =	vadd.f32 v18, v20;
	v20 =	vor.u32 s5, v24  }
0x35d: {  	v19 =	vmul.f32 v43, v19;
	v31 =	vmul.f32 v6, v33;
	v33 =	vor.u32 v20, v54  }
0x35e: {  	v28 =	vld.idx.msk [tilespmem:v21+s3+$0x0], $0xffff;
	v18 =	vadd.f32 v18, v27;
	v27 =	vor.u32 v20, v53  }
0x35f: {  	v15 =	vadd.f32 v16, v15;
	v17 =	vadd.f32 v19, v17;
	v35 =	vld.idx.msk [tilespmem:v29+s3+$0x0], $0xffff;
	v53 =	vor.u32 v20, v56  }
0x360: {  	v61 =	vld [tilespmem:s25+$0x300];
	v34 =	vor.u32 s2, v23;
	v20 =	vmul.f32 v48, v30;
	v30 =	vmul.f32 v45, v32;
	[tilespmem:v50+s19+$0x0] =	vst.idx.msk $0xffff, v18  }
0x361: {  	v19 =	vand.u32 $0x7F, v25;
	v22 =	vmul.f32 v42, v22;
	v54 =	vmul.f32 v41, v26;
	v25 =	vld [tilespmem:s8+$0x300]  }
0x362: {  	v14 =	vadd.f32 v20, v14;
	v20 =	vand.u32 $0x7F, v21;
	v21 =	vadd.f32 v30, v31;
	v26 =	vld.idx.msk [tilespmem:v33+s3+$0x0], $0xffff  }
0x363: {  	v55 =	vand.u32 $0x7F, v55;
	v28 =	vmul.f32 v46, v28;
	v18 =	vadd.f32 v54, v22;
	v27 =	vld.idx.msk [tilespmem:v27+s3+$0x0], $0xffff  }
0x364: {  	v22 =	vor.u32 s0, v23;
	v30 =	vmul.f32 v47, v35;
	v16 =	vld.idx.msk [tilespmem:v53+s3+$0x0], $0xffff;
	v15 =	vadd.f32 v21, v15  }
0x365: {  	v60 =	vld [tilespmem:s24+$0x300];
	v50 =	vor.u32 s0, v0;
	v17 =	vadd.f32 v18, v17;
	v21 =	vor.u32 v34, v7  }
0x366: {  	v63 =	vld [tilespmem:s26+$0x300];
	v28 =	vadd.f32 v30, v28;
	v30 =	vor.u32 s2, v0;
	[tilespmem:v38+s19+$0x0] =	vst.idx.msk $0xffff, v15;
	v15 =	vor.u32 v34, v8  }
0x367: {  	s25 =	smov.u32 s20;
	[tilespmem:v39+s19+$0x0] =	vst.idx.msk $0xffff, v17;
	v34 =	vor.u32 v34, v55;
	v10 =	vmul.f32 v26, v10;
	v26 =	vor.u32 s4, v0;
	v0 =	vld [tilespmem:$0x1F880]  }
0x368: {  	s24 =	smov.u32 s12;
	v56 =	vor.u32 v22, v57;
	v53 =	vld [tilespmem:s25+$0x100];
	v5 =	vmul.f32 v25, v5  }
0x369: {  	v33 =	vld [tilespmem:s24+$0x100];
	v9 =	vmul.f32 v27, v9;
	v4 =	vmul.f32 v16, v4  }
0x36a: {  	v14 =	vadd.f32 v28, v14;
	v21 =	vld.idx.msk [tilespmem:v21+s3+$0x0], $0xffff  }
0x36b: {  	v5 =	vadd.f32 v10, v5;
	v4 =	vadd.f32 v4, v9;
	v15 =	vld.idx.msk [tilespmem:v15+s3+$0x0], $0xffff  }
0x36c: {  	v32 =	vor.u32 v22, v12;
	v9 =	vld.idx.msk [tilespmem:v34+s3+$0x0], $0xffff  }
0x36d: {  	v29 =	vand.u32 $0x7F, v29;
	v31 =	vor.u32 s4, v23;
	[tilespmem:v36+s19+$0x0] =	vst.idx.msk $0xffff, v14;
	v14 =	vld.idx.msk [tilespmem:v56+s3+$0x0], $0xffff;
	v4 =	vadd.f32 v4, v5  }
0x36e: {  	v22 =	vor.u32 v22, v19;
	v54 =	vor.u32 v31, v20;
	v18 =	vor.u32 v30, v7  }
0x36f: {  	v28 =	vor.u32 v31, v13;
	v56 =	vor.u32 v31, v29;
	[tilespmem:v0+s19+$0x0] =	vst.idx.msk $0xffff, v4;
	v0 =	vld [tilespmem:$0x1F890]  }
0x370: {  	v38 =	vor.u32 v26, v20;
	v27 =	vmul.f32 v33, v1;
	v5 =	vmul.f32 v2, v21  }
0x371: {  	v39 =	vor.u32 v26, v29;
	v15 =	vmul.f32 v15, v6;
	v9 =	vmul.f32 v9, v45  }
0x372: {  	v10 =	vmul.f32 v53, v11;
	v34 =	vor.u32 v26, v13;
	v14 =	vmul.f32 v43, v14  }
0x373: {  	v22 =	vld.idx.msk [tilespmem:v22+s3+$0x0], $0xffff;
	v26 =	vadd.f32 v5, v27;
	v27 =	vor.u32 s2, v24;
	v9 =	vadd.f32 v9, v15  }
0x374: {  	v31 =	vld.idx.msk [tilespmem:v32+s3+$0x0], $0xffff;
	v14 =	vadd.f32 v14, v10;
	v10 =	vor.u32 v27, v7;
	v7 =	vor.u32 s4, v24  }
0x375: {  	v53 =	vor.u32 v7, v13;
	v13 =	vadd.f32 v9, v26;
	_ =	sdelay $0x1  }
0x376: {  	[tilespmem:v0+s19+$0x0] =	vst.idx.msk $0xffff, v13;
	v0 =	vld [tilespmem:$0x1F8A0]  }
0x377: {  	v32 =	vor.u32 v30, v8  }
0x378: {  	v31 =	vmul.f32 v31, v42;
	v5 =	vor.u32 v27, v8;
	v8 =	vmul.f32 v22, v41;
	_ =	sdelay $0x1  }
0x379: {  	v16 =	vld.idx.msk [tilespmem:v56+s3+$0x0], $0xffff;
	v8 =	vadd.f32 v8, v31  }
0x37a: {  	v21 =	vld.idx.msk [tilespmem:v28+s3+$0x0], $0xffff  }
0x37b: {  	v28 =	vld.idx.msk [tilespmem:v54+s3+$0x0], $0xffff;
	v8 =	vadd.f32 v8, v14;
	_ =	sdelay $0x1  }
0x37c: {  	s26 =	smov.u32 s21;
	[tilespmem:v0+s19+$0x0] =	vst.idx.msk $0xffff, v8;
	v0 =	vld [tilespmem:$0x1F8B0]  }
0x37d: {  	v36 =	vld [tilespmem:s26+$0x100];
	_ =	sdelay $0x1  }
0x37e: {  	v16 =	vmul.f32 v16, v47;
	v15 =	vmul.f32 v28, v46  }
0x37f: {  	v17 =	vor.u32 v50, v19;
	v25 =	vor.u32 v50, v57;
	v33 =	vor.u32 v50, v12  }
0x380: {  	v50 =	vor.u32 s0, v24;
	v13 =	vadd.f32 v16, v15;
	v16 =	vmul.f32 v0, v3;
	v0 =	vld [tilespmem:$0x1F8C0]  }
0x381: {  	v54 =	vor.u32 v50, v12;
	v12 =	vmul.f32 v48, v21;
	v21 =	vmul.f32 v36, v44;
	_ =	sdelay $0x1  }
0x382: {  	v12 =	vadd.f32 v12, v21  }
0x383: {  	v3 =	vld [tilespmem:$0x1F8E0]  }
0x384: {  	v8 =	vadd.f32 v13, v12;
	v12 =	vmul.f32 v0, v49;
	v0 =	vld [tilespmem:$0x1F8D0];
	_ =	sdelay $0x4  }
0x385: {  	v13 =	vmul.f32 v3, v0;
	v0 =	vld [tilespmem:$0x1F8F0]  }
0x386: {  	v3 =	vld [tilespmem:$0x1F900];
	_ =	sdelay $0x4  }
0x387: {  	v36 =	vmul.f32 v3, v0;
	v0 =	vld [tilespmem:$0x1F910];
	_ =	sdelay $0x7  }
0x388: {  	[tilespmem:v0+s19+$0x0] =	vst.idx.msk $0xffff, v8;
	v0 =	vld [tilespmem:$0x1F920];
	_ =	sdelay $0x4  }
0x389: {  	v24 =	vmov v2;
	v2 =	vmul.f32 v58, v0;
	v0 =	vld [tilespmem:$0x1F930];
	_ =	sdelay $0x4  }
0x38a: {  	v23 =	vmov v6;
	v6 =	vmul.f32 v59, v0;
	v0 =	vld [tilespmem:$0x1F940]  }
0x38b: {  	v35 =	vld [tilespmem:$0x1FF90]  }
0x38c: {  	v30 =	vor.u32 v30, v55;
	v31 =	vld [tilespmem:$0x1FF60]  }
0x38d: {  	v9 =	vor.u32 v27, v55;
	v55 =	vor.u32 v7, v29;
	v29 =	vmov v1;
	v1 =	vld [tilespmem:$0x1F970]  }
0x38e: {  	v14 =	vld.idx.msk [tilespmem:v18+s3+$0x0], $0xffff  }
0x38f: {  	v2 =	vadd.f32 v6, v2;
	v6 =	vmul.f32 v62, v0;
	v0 =	vld [tilespmem:$0x1F950]  }
0x390: {  	v15 =	vld.idx.msk [tilespmem:v32+s3+$0x0], $0xffff  }
0x391: {  	v18 =	vld.idx.msk [tilespmem:v30+s3+$0x0], $0xffff  }
0x392: {  	v32 =	vld [tilespmem:$0x1FF50]  }
0x393: {  	v56 =	vor.u32 v7, v20;
	v7 =	vld.idx.msk [tilespmem:v25+s3+$0x0], $0xffff  }
0x394: {  	v62 =	vmul.f32 v52, v0;
	v0 =	vld [tilespmem:$0x1F960]  }
0x395: {  	s30 =	sadd.s32 $0x4, s30;
	v20 =	vmul.f32 v60, v40;
	v40 =	vld [tilespmem:s25+$0x200]  }
0x396: {  	p0 =	slt.u32 s30, $0x7C;
	v49 =	vld [tilespmem:s24+$0x200]  }
.Ltmp4:
0x397: {  	v21 =	vadd.f32 v13, v12;
	v12 =	vld.idx.msk [tilespmem:v17+s3+$0x0], $0xffff;
	(pc) =	sbr.rel @p0 .LBB2_9-.Ltmp4, $4  }
0x398: {  	v4 =	vor.u32 v50, v57;
	v13 =	vmul.f32 v14, v24;
	v14 =	vadd.f32 v16, v20;
	v8 =	vld.idx.msk [tilespmem:v33+s3+$0x0], $0xffff  }
0x399: {  	v57 =	vor.u32 v50, v19;
	v22 =	vmovc v11;
	v25 =	vmul.f32 v61, v37;
	v33 =	vld [tilespmem:$0x1FF70];
	v3 =	vmul.f32 v51, v0  }
0x39a: {  	v1 =	vmul.f32 v63, v1;
	v11 =	vadd.f32 v21, v14;
	v58 =	vmul.f32 v18, v45;
	v51 =	vld.idx.msk [tilespmem:v34+s3+$0x0], $0xffff  }
0x39b: {  	s31 =	sadd.s32 $0x100, s31;
	v52 =	vmul.f32 v15, v23;
	v0 =	vadd.f32 v36, v25;
	v34 =	vld [tilespmem:$0x1FF80];
	v3 =	vadd.f32 v3, v62  }
0x39c: {  	_ = 	snop  }
0x39d: {  	v12 =	vmul.f32 v12, v41;
	v8 =	vmul.f32 v8, v42;
	_ =	sdelay $0x1  }
0x39e: {  	v8 =	vadd.f32 v12, v8;
	v12 =	vld [tilespmem:$0x1F9C0];
	_ =	sdelay $0x1  }
0x39f: {  	v14 =	vmul.f32 v49, v29;
	_ =	sdelay $0x1  }
0x3a0: {  	v15 =	vld.idx.msk [tilespmem:v38+s3+$0x0], $0xffff;
	v17 =	vadd.f32 v58, v52;
	v13 =	vadd.f32 v13, v14;
	_ =	sdelay $0x1  }
0x3a1: {  	v13 =	vadd.f32 v17, v13;
	_ =	sdelay $0x1  }
0x3a2: {  	[tilespmem:v12+s19+$0x0] =	vst.idx.msk $0xffff, v13  }
0x3a3: {  	v13 =	vmul.f32 v15, v46;
	v15 =	vld [tilespmem:$0x1F9E0]  }
0x3a4: {  	v14 =	vld [tilespmem:s26+$0x200]  }
0x3a5: {  	v7 =	vmul.f32 v7, v43;
	v16 =	vld.idx.msk [tilespmem:v39+s3+$0x0], $0xffff;
	v18 =	vmul.f32 v40, v22;
	_ =	sdelay $0x1  }
0x3a6: {  	v7 =	vadd.f32 v7, v18;
	_ =	sdelay $0x1  }
0x3a7: {  	v7 =	vadd.f32 v8, v7;
	v14 =	vmul.f32 v14, v44  }
0x3a8: {  	v12 =	vmul.f32 v51, v48;
	v8 =	vld.idx.msk [tilespmem:v10+s3+$0x0], $0xffff;
	v10 =	vmul.f32 v16, v47  }
0x3a9: {  	v52 =	vld.idx.msk [tilespmem:v9+s3+$0x0], $0xffff;
	[tilespmem:v15+s19+$0x0] =	vst.idx.msk $0xffff, v7  }
0x3aa: {  	v9 =	vadd.f32 v10, v13;
	v10 =	vadd.f32 v12, v14;
	v14 =	vld [tilespmem:$0x1FA00];
	_ =	sdelay $0x2  }
0x3ab: {  	v12 =	vld.idx.msk [tilespmem:v54+s3+$0x0], $0xffff  }
0x3ac: {  	v9 =	vadd.f32 v9, v10;
	v10 =	vld.idx.msk [tilespmem:v57+s3+$0x0], $0xffff;
	_ =	sdelay $0x3  }
0x3ad: {  	[tilespmem:v14+s19+$0x0] =	vst.idx.msk $0xffff, v9  }
0x3ae: {  	v1 =	vadd.f32 v6, v1;
	v10 =	vmul.f32 v10, v41;
	v16 =	vld.idx.msk [tilespmem:v55+s3+$0x0], $0xffff;
	v55 =	vmul.f32 v12, v42;
	_ =	sdelay $0x1  }
0x3af: {  	v1 =	vadd.f32 v3, v1;
	v3 =	vadd.f32 v10, v55;
	v10 =	vld [tilespmem:$0x1F980];
	_ =	sdelay $0x7  }
0x3b0: {  	[tilespmem:v10+s19+$0x0] =	vst.idx.msk $0xffff, v11  }
0x3b1: {  	v58 =	vld [tilespmem:$0x1F990];
	_ =	sdelay $0x5  }
0x3b2: {  	v0 =	vadd.f32 v2, v0;
	_ =	sdelay $0x1  }
0x3b3: {  	[tilespmem:v58+s19+$0x0] =	vst.idx.msk $0xffff, v0  }
0x3b4: {  	v61 =	vld [tilespmem:$0x1F9A0];
	_ =	sdelay $0x4  }
0x3b5: {  	v5 =	vld.idx.msk [tilespmem:v5+s3+$0x0], $0xffff  }
0x3b6: {  	v13 =	vld [tilespmem:s24+$0x300];
	_ =	sdelay $0x1  }
0x3b7: {  	[tilespmem:v61+s19+$0x0] =	vst.idx.msk $0xffff, v1  }
0x3b8: {  	v63 =	vld [tilespmem:$0x1F9D0]  }
0x3b9: {  	v8 =	vmul.f32 v8, v24;
	v5 =	vmul.f32 v5, v23  }
0x3ba: {  	v54 =	vmul.f32 v52, v45;
	v15 =	vld.idx.msk [tilespmem:v56+s3+$0x0], $0xffff;
	v56 =	vmul.f32 v13, v29;
	_ =	sdelay $0x1  }
0x3bb: {  	v2 =	vadd.f32 v54, v5;
	v7 =	vadd.f32 v8, v56  }
0x3bc: {  	v4 =	vld.idx.msk [tilespmem:v4+s3+$0x0], $0xffff  }
0x3bd: {  	v9 =	vld [tilespmem:s25+$0x300];
	v2 =	vadd.f32 v2, v7;
	_ =	sdelay $0x1  }
0x3be: {  	[tilespmem:v63+s19+$0x0] =	vst.idx.msk $0xffff, v2  }
0x3bf: {  	v2 =	vld [tilespmem:$0x1F9F0];
	_ =	sdelay $0x1  }
0x3c0: {  	v4 =	vmul.f32 v4, v43;
	v57 =	vmul.f32 v9, v22;
	_ =	sdelay $0x1  }
0x3c1: {  	v4 =	vadd.f32 v4, v57  }
0x3c2: {  	v14 =	vld.idx.msk [tilespmem:v53+s3+$0x0], $0xffff  }
0x3c3: {  	v53 =	vld [tilespmem:s26+$0x300];
	v62 =	vadd.f32 v3, v4;
	_ =	sdelay $0x1  }
0x3c4: {  	[tilespmem:v2+s19+$0x0] =	vst.idx.msk $0xffff, v62  }
0x3c5: {  	v1 =	vld [tilespmem:$0x1FA10]  }
0x3c6: {  	v9 =	vmul.f32 v14, v48;
	v12 =	vmul.f32 v15, v46  }
0x3c7: {  	v8 =	vmul.f32 v16, v47;
	v6 =	vmul.f32 v53, v44;
	_ =	sdelay $0x1  }
0x3c8: {  	v59 =	vadd.f32 v8, v12;
	v60 =	vadd.f32 v9, v6;
	_ =	sdelay $0x1  }
0x3c9: {  	v0 =	vadd.f32 v59, v60;
	_ =	sdelay $0x1  }
0x3ca: {  	s22 =	sadd.s32 $0x1, s22;
	[tilespmem:v1+s19+$0x0] =	vst.idx.msk $0xffff, v0  }
0x3cb: {  	p0 =	sne.s32 s22, $0x20;
	v27 =	vld [tilespmem:$0x1FFF0]  }
.Ltmp5:
0x3cc: {  	v54 =	vld [tilespmem:$0x1FFC0];
	(pc) =	sbr.rel @p0 .LBB2_2-.Ltmp5, $4  }
0x3cd: {  	v56 =	vld [tilespmem:$0x1FFD0]  }
0x3ce: {  	s0 =	sadd.s32 s23, s7;
	v15 =	vld [tilespmem:$0x1FFE0]  }
0x3cf: {  	s0 =	sadd.s32 $0x400, s0;
	v11 =	vld [tilespmem:$0x1FFA0]  }
0x3d0: {  	v61 =	vlaneseq.u32;
	[hbm4b:s0+s3] =	stream.linear.scatter [tilespmem:s19], [sflag:$0x4], $0x2000, $0x38;
	v19 =	vld [tilespmem:$0x1FFB0]  }
0x3d1: {  	s0 =	simm.s32 $0x3  }
0x3d2: {  	_ =	swait.ge [sflag:s0], $0x2000  }
0x3d3: {  	[sflag:s0] =	ssyncset.done $0x0  }
0x3d4: {  	[sflag:s0] =	ssyncadd.s32 $0xFFFFE000  }
0x3d5: {  	_ =	swait.ge [sflag:s18], $0x2000  }
0x3d6: {  	s2 =	rddreg [dreg:$0x7]  }
0x3d7: {  	s31 =	rddreg [dreg:$0x6];
	s2 =	sadd.s32 $0x1, s2  }
0x3d8: {  	p0 =	sne.s32 s2, s31  }
.Ltmp6:
0x3d9: {  	_ = 	snop;
	(pc) =	sbr.rel @p0 .LBB2_1-.Ltmp6, $3  }
0x3da: {  	_ =	sdelay $0x1  }
0x3db: {  	[sflag:s18] =	ssyncset.done $0x0  }
0x3dc: {  	[sflag:s18] =	ssyncadd.s32 $0xFFFFE000  }
0x3dd: {  	_ =	sfence.sel $0x180000  }
0x3de: {  	[bflag:$0x0] =	sbarrier.arrive $0xFFFF  }
0x3df: {  	_ =	strace $0x9000004D  }
0x3e0: {  	s0 =	stileid.u32;
	[bflag:$0x2] =	sbarrier.arrive $0xFFFF  }
0x3e1: {  	p0 =	sne.s32 s0, $0x0;
	s0 =	rddreg [dreg:$0x2]  }
0x3e2: {  	s0 =	sadd.s32 @!p0 $0x100000, s0  }
0x3e3: {  	[sflag:s0] =	ssyncadd.tile.s32 @!p0 $0x1;
	_ =	shalt  }
.Lfunc_end2:
_tile_overlayer_lowered:
.L_overlay_start_2:
0x3e4: {  	(tag) =	ssettag $0x2  }
0x3e5: {  	s0 =	rddreg [dreg:$0x0];
	s2 =	stileid.u32  }
0x3e6: {  	s1 =	rddreg [dreg:$0x1];
	p0 =	sne.s32 s2, $0x0  }
0x3e7: {  	s3 =	rddreg [dreg:$0x2];
	[bflag:$0x3] =	sbarrier.arrive $0xFFFF;
	s2 =	simm.s32 @!p0 $0x1C05  }
0x3e8: {  	[timem:s3], [sflag:s2] =	dma.local @!p0 [hbm:s0], s1  }
0x3e9: {  	s0 =	simm.s32 @!p0 $0x5  }
0x3ea: {  	_ =	swait.ge @!p0 [sflag:s0], s1  }
0x3eb: {  	s1 =	ssub.s32 @!p0 $0x0, s1;
	[sflag:s0] =	ssyncset.done @!p0 $0x0  }
0x3ec: {  	[sflag:s0] =	ssyncadd.s32 @!p0 s1  }
0x3ed: {  	[bflag:$0x3] =	sbarrier.arrive $0xFFFF  }
0x3ee: {  	_ =	shalt  }

// kernel: sparse-core-data-format-call.cloned.1.call-start
scs
called_computation_lowered:
.L_overlay_start_0:
0x0: {  	s2 =	sld [smem:$0x3FD9]  }
0x1: {  	s3 =	sld [smem:$0x3FFE];
	_ =	sdelay $0x1  }
0x2: {  	s1 =	srdreg.scid  }
0x3: {  	s0 =	sand.u32 $0x1, s1  }
0x4: {  	s19 =	sshll.u32 s0, $0xA;
	s2 =	sadd.s32 s3, s2  }
0x5: {  	s2 =	sadd.s32 s2, s19  }
0x6: {  	[smem:$0x3FC6] =	sst s2  }
0x7: {  	_ = 	snop  }
0x8: {  	s20 =	sld [smem:$0x3FC9]  }
0x9: {  	s4 =	sld [smem:$0x3FD0];
	(tm) =	ssettm $0x1  }
0xa: {  	s21 =	sld [smem:$0x3FFB];
	_ =	sdelay $0x3  }
0xb: {  	_ =	strace s21  }
0xc: {  	s2 =	sld [smem:$0x3FFC];
	_ =	sdelay $0x3  }
0xd: {  	_ =	strace s2  }
0xe: {  	s2 =	sld [smem:$0x3FFD];
	_ =	sdelay $0x3  }
0xf: {  	_ =	strace s2  }
0x10: {  	_ =	strace $0x8FFFFFFF  }
0x11: {  	s22 =	sld [smem:$0x3FDB];
	_ =	sdelay $0x1  }
0x12: {  	s5 =	simm.s32 $_scs_section_size  }
0x13: {  	s6 =	simm.s32 $_size__tile_overlayer_lowered;
	s7 =	simm.s32 $_tile_overlayer_lowered  }
0x14: {  	s8 =	simm.s32 $0x1BFF;
	s23 =	sshll.u32 s7, $0x1;
	s5 =	sadd.s32 s5, s22  }
0x15: {  	s24 =	simm.s32 $0x0;
	s6 =	sshll.u32 s6, $0x1;
	s7 =	sadd.s32 s23, s5  }
0x16: {  	[timem:s24], [sflag:s8] =	dma.local [hbm:s7], s6  }
0x17: {  	_ =	swait.ge [sflag:s8], s6  }
0x18: {  	s6 =	ssub.s32 $0x0, s6;
	[sflag:s8] =	ssyncset.done $0x0  }
0x19: {  	[sflag:s8] =	ssyncadd.s32 s6;
	_ =	sdelay $0x1  }
0x1a: {  	s25 =	simm.s32 $0x1B8B  }
0x1b: {  	_ =	swait.ge [sflag:s25], $0x1  }
0x1c: {  	[sflag:s25] =	ssyncset.done $0x0  }
0x1d: {  	[sflag:s25] =	ssyncadd.s32 $0xFFFFFFFF  }
0x1e: {  	s6 =	sld [smem:$0x0]  }
0x1f: {  	s7 =	sand.u32 $0xFFFFFFFE, s1  }
0x20: {  	p0 =	sne.s32 s1, s7  }
0x21: {  	s7 =	sshll.u32 @p0 s7, $0xE  }
0x22: {  	s7 =	sadd.s32 @p0 $0x11B8D, s7;
	s8 =	sshll.u32 @p0 s6, $0x11  }
0x23: {  	s7 =	sor.u32 @p0 s8, s7  }
0x24: {  	[sflag:s7] =	ssyncadd.remote.s32 @p0 $0x1;
	_ =	sdelay $0x1  }
0x25: {  	s7 =	simm.s32 @p0 $0x1B8D  }
0x26: {  	_ =	swait.eq @p0 [sflag:s7], $0x1  }
0x27: {  	[sflag:s7] =	ssyncadd.s32 @p0 $0xFFFFFFFF  }
0x28: {  	s8 =	sshll.u32 @!p0 s1, $0xE  }
0x29: {  	s8 =	sor.u32 @!p0 $0x4000, s8;
	s7 =	simm.s32 @!p0 $0x1B8D  }
0x2a: {  	s6 =	sshll.u32 @!p0 s6, $0x11;
	s8 =	sadd.s32 @!p0 $0x11B8D, s8;
	_ =	swait.eq @!p0 [sflag:s7], $0x1  }
0x2b: {  	s6 =	sor.u32 @!p0 s6, s8;
	[sflag:s7] =	ssyncadd.s32 @!p0 $0xFFFFFFFF  }
0x2c: {  	s26 =	simm.s32 $0x1B8E;
	[sflag:s6] =	ssyncadd.remote.s32 @!p0 $0x1  }
0x2d: {  	s27 =	simm.s32 $execute0_lowered;
	[smem:$0x3FD2] =	sst s26  }
0x2e: {  	s6 =	sshll.u32 s27, $0x1;
	_ =	strace $0x80000049;
	[dreg:$0x1] =	wrdreg $0xFFFFFFFF  }
0x2f: {  	s28 =	simm.s32 $_size_execute0_lowered;
	s5 =	sadd.s32 s5, s6;
	[dreg:$0x0] =	wrdreg $0x0  }
0x30: {  	s6 =	sshll.u32 s28, $0x1;
	[dreg:$0x2] =	wrdreg s5  }
0x31: {  	[dreg:$0x3] =	wrdreg s6  }
0x32: {  	[dreg:$0x4] =	wrdreg $0xC0  }
0x33: {  	_ =	task [dreg:s24], $0x5FFFF  }
0x34: {  	[dreg:$0x1] =	wrdreg $0xFFFFFFFF  }
0x35: {  	[dreg:$0x0] =	wrdreg $0x60  }
0x36: {  	[dreg:$0x2] =	wrdreg s20  }
0x37: {  	[dreg:$0x3] =	wrdreg s4  }
0x38: {  	[dreg:$0x4] =	wrdreg $0x9  }
0x39: {  	_ =	task.clear_ibuf [dreg:s24], $0x5FFFF;
	_ =	strace $0x90000049  }
0x3a: {  	s29 =	simm.s32 $0x9;
	_ =	strace $0x8000004B  }
0x3b: {  	_ =	swait.ge [sflag:s29], $0x1  }
0x3c: {  	[sflag:s29] =	ssyncadd.s32 $0xFFFFFFFF  }
0x3d: {  	_ =	strace $0x9000004B  }
0x3e: {  	_ =	sfence  }
0x3f: {  	s30 =	sld [smem:$0x0];
	_ =	sdelay $0x2  }
0x40: {  	s31 =	sshll.u32 s1, $0xD;
	s1 =	sshrl.u32 s1, $0x2  }
0x41: {  	s4 =	sand.u32 $0x4000, s31;
	s1 =	sadd.s32 s1, s30  }
0x42: {  	s0 =	sor.u32 s4, s0;
	s1 =	sshll.u32 s1, $0x11  }
0x43: {  	s0 =	sor.u32 s1, s0  }
0x44: {  	s0 =	sadd.s32 $0x8F2B, s0  }
0x45: {  	[sflag:s0] =	ssyncadd.remote.s32 $0x1  }
0x46: {  	_ =	sfence.sel $0xFFFF  }
0x47: {  	[dreg:$0x0] =	wrdreg $0xFFFFFFFF;
	(pc) =	sbr.abs _section_cstart, $3  }
0x48: {  	[dreg:$0x1] =	wrdreg $0xFFFFFFFF  }
0x49: {  	_ =	task.clear_ibuf [dreg:s24], $0x2FFFF;
	_ =	strace $0x9FFFFFFF  }
0x4a: {  	(tm) =	ssettm $0x7FFFFFFF  }
0x4b: {  	_ =	shalt  }
tec
execute0_lowered:
.L_overlay_start_1:
0x0: {  	(tag) =	ssettag $0x1  }
0x1: {  	s0 =	srdreg.scid  }
0x2: {  	s1 =	sshll.u32 s0, $0x4  }
0x3: {  	s2 =	rddreg [dreg:$0x0];
	s0 =	stileid.u32;
	s1 =	sand.u32 $0x10, s1  }
0x4: {  	s4 =	rddreg [dreg:$0x1];
	s1 =	sor.u32 s0, s1  }
0x5: {  	s7 =	simm.s32 $0x1;
	s8 =	simm.s32 $0x2;
	s3 =	sshll.u32 s1, $0x1  }
0x6: {  	s9 =	simm.s32 $0x0;
	s12 =	simm.s32 $0x0;
	s6 =	ssub.s32 $0x800, s3  }
.Ltmp0:
0x7: {  	s11 =	simm.s32 $0x0;
	s5 =	sand.u32 $0x3E, s6;
	(pc) =	sbr.rel .LBB1_1-.Ltmp0, $4  }
0x8: {  	s1 =	rddreg [dreg:$0x2];
	_ =	strace $0x8000004A;
	p0 =	sne.s32 s5, $0x0  }
0x9: {  	s6 =	sshrl.u32 s6, $0x6;
	s5 =	simm.s32 $0x1;
	s7 =	simm.s32 @!p0 $0x0  }
0xa: {  	s10 =	smov.u32 s3;
	[sflag:s5] =	ssyncpa.u1 $0x0;
	s6 =	sadd.s32 s7, s6  }
0xb: {  	[sflag:s8] =	ssyncpa.u1 $0x0;
	s8 =	simm.s32 $0x0;
	s7 =	sadd.s32 $0x1, s6  }
.LBB1_9:
0xc: {  	s14 =	sadd.s32 $0x40, s10  }
0xd: {  	p1 =	sgt.s32 s14, $0x7FF  }
0xe: {  	s14 =	smov.u32 @p1 s3;
	p1 =	sne.s32 s11, s7  }
.Ltmp1:
0xf: {  	p0 =	slt.u32 s11, $0x2;
	(pc) =	sbr.rel @!p1 .LBB1_10-.Ltmp1, $4  }
0x10: {  	s13 =	simm.s32 @!p0 $0x2  }
0x11: {  	s15 =	sadd.s32 $0x1, s11;
	_ =	swait.ge @!p0 [sflag:s13], $0x4000  }
0x12: {  	s12 =	smov.u32 s10;
	s9 =	sadd.s32 $0x4000, s9;
	[sflag:s13] =	ssyncset.done @!p0 $0x0  }
0x13: {  	s11 =	smov.u32 s15;
	s10 =	smov.u32 s14;
	[sflag:s13] =	ssyncadd.s32 @!p0 $0xFFFFC000  }
.LBB1_1:
0x14: {  	p0 =	sge.u32 s11, s6  }
0x15: {  	s13 =	sxor.u32 @!p0 $0xFFFFFFFF, s11  }
0x16: {  	s31 =	sadd.s32 $0xFFFFFFFF, s11;
	s14 =	sshll.u32 @!p0 s10, $0xA;
	s13 =	sshll.u32 @!p0 s13, $0xE  }
0x17: {  	s15 =	simm.s32 @!p0 $0x0;
	s14 =	sadd.s32 @!p0 s2, s14;
	s13 =	sand.u32 @!p0 $0x4000, s13  }
0x18: {  	[tilespmem:s13], [sflag:$0x1] =	stream.linear.gather @!p0 [hbm4b:s14+s15], $0x4000, $0x38;
	[tilespmem:$0x10000] =	vst v63  }
0x19: {  	p0 =	sge.u32 s31, s6  }
.Ltmp2:
0x1a: {  	_ = 	snop;
	(pc) =	sbr.rel @p0 .LBB1_9-.Ltmp2, $1  }
0x1b: {  	_ =	sdelay $0x3  }
0x1c: {  	s13 =	sshll.u32 s9, $0x2  }
0x1d: {  	_ =	swait.ge [sflag:s5], $0x4000;
	s14 =	sshll.u32 s11, $0xE;
	s16 =	simm.s32 $0x0  }
0x1e: {  	p1 =	por $0x1, $0x1;
	s13 =	sand.u32 $0x10000, s13;
	[sflag:s5] =	ssyncset.done $0x0  }
0x1f: {  	s14 =	sand.u32 $0x4000, s14;
	s15 =	sshrl.u32 s13, $0x2;
	[sflag:s5] =	ssyncadd.s32 $0xFFFFC000  }
0x20: {  	s13 =	sor.u32 $0x8000, s14;
	s14 =	sadd.s32 $0x8040, s15;
	s15 =	sadd.s32 $0x40, s15  }
.LBB1_3:
0x21: {  	s16 =	sshll.u32 s16, $0x2  }
0x22: {  	p0 =	por p1, p1;
	s17 =	sshra.s32 s16, $0x2  }
0x23: {  	s18 =	simm.s32 $0x0;
	s16 =	sadd.s32 s17, s14;
	s17 =	sadd.s32 s17, s15  }
.LBB1_4:
0x24: {  	v0 =	vmov s17;
	_ =	sdelay $0x3  }
0x25: {  	s20 =	simm.s32 $0x0  }
0x26: {  	v6 =	vld.idx.msk [tilespmem:v0+s20+$0x30 ss:$0x1], $0xffff  }
0x27: {  	v7 =	vld.idx.msk [tilespmem:v0+s20+$0xFFFFFFC0 ss:$0x1], $0xffff  }
0x28: {  	v5 =	vld.idx.msk [tilespmem:v0+s20+$0xFFFFFFD0 ss:$0x1], $0xffff  }
0x29: {  	v4 =	vld.idx.msk [tilespmem:v0+s20+$0xFFFFFFE0 ss:$0x1], $0xffff  }
0x2a: {  	v3 =	vld.idx.msk [tilespmem:v0+s20+$0xFFFFFFF0 ss:$0x1], $0xffff  }
0x2b: {  	v1 =	vld.idx.msk [tilespmem:v0+s20+$0x0 ss:$0x1], $0xffff  }
0x2c: {  	v2 =	vld.idx.msk [tilespmem:v0+s20+$0x10 ss:$0x1], $0xffff;
	[tilespmem:s16+$0x30] =	vst v6  }
0x2d: {  	s19 =	simm.s32 $0x80;
	s21 =	simm.s32 $0x400;
	[tilespmem:s16+$0xFFFFFFC0] =	vst v7;
	v6 =	vld.idx.msk [tilespmem:v0+s20+$0x20 ss:$0x1], $0xffff;
	s20 =	smov.u32 s16  }
.LBB1_5:
0x2e: {  	p1 =	sne.s32 s21, $0xE00;
	v7 =	vld.idx.msk [tilespmem:v0+s19+$0x30 ss:$0x1], $0xffff;
	[tilespmem:s20+$0xFFFFFFD0] =	vst v5  }
0x2f: {  	v8 =	vld.idx.msk [tilespmem:v0+s19+$0xFFFFFFC0 ss:$0x1], $0xffff;
	[tilespmem:s20+$0xFFFFFFE0] =	vst v4  }
0x30: {  	v5 =	vld.idx.msk [tilespmem:v0+s19+$0xFFFFFFD0 ss:$0x1], $0xffff;
	[tilespmem:s20+$0xFFFFFFF0] =	vst v3  }
.Ltmp3:
0x31: {  	v4 =	vld.idx.msk [tilespmem:v0+s19+$0xFFFFFFE0 ss:$0x1], $0xffff;
	[tilespmem:s20+$0x0] =	vst v1;
	(pc) =	sbr.rel @p1 .LBB1_5-.Ltmp3, $4  }
0x32: {  	v3 =	vld.idx.msk [tilespmem:v0+s19+$0xFFFFFFF0 ss:$0x1], $0xffff;
	[tilespmem:s20+$0x10] =	vst v2  }
0x33: {  	v1 =	vld.idx.msk [tilespmem:v0+s19+$0x0 ss:$0x1], $0xffff;
	[tilespmem:s20+$0x20] =	vst v6;
	s20 =	sadd.s32 $0x400, s20  }
0x34: {  	v2 =	vld.idx.msk [tilespmem:v0+s19+$0x10 ss:$0x1], $0xffff;
	[tilespmem:s20+$0x30] =	vst v7  }
0x35: {  	[tilespmem:s20+$0xFFFFFFC0] =	vst v8;
	v6 =	vld.idx.msk [tilespmem:v0+s19+$0x20 ss:$0x1], $0xffff;
	s19 =	sshra.s32 s21, $0x2;
	s21 =	sadd.s32 $0x200, s21  }
0x36: {  	_ =	sdelay $0x2  }
0x37: {  	[tilespmem:s20+$0xFFFFFFD0] =	vst v5  }
0x38: {  	v56 =	vld.idx.msk [tilespmem:v0+s19+$0x30 ss:$0x1], $0xffff;
	[tilespmem:s20+$0xFFFFFFE0] =	vst v4  }
0x39: {  	v57 =	vld.idx.msk [tilespmem:v0+s19+$0xFFFFFFC0 ss:$0x1], $0xffff;
	[tilespmem:s20+$0xFFFFFFF0] =	vst v3  }
0x3a: {  	v58 =	vld.idx.msk [tilespmem:v0+s19+$0xFFFFFFD0 ss:$0x1], $0xffff;
	[tilespmem:s20+$0x0] =	vst v1  }
0x3b: {  	v59 =	vld.idx.msk [tilespmem:v0+s19+$0xFFFFFFE0 ss:$0x1], $0xffff;
	[tilespmem:s20+$0x10] =	vst v2  }
0x3c: {  	v60 =	vld.idx.msk [tilespmem:v0+s19+$0xFFFFFFF0 ss:$0x1], $0xffff;
	s31 =	sadd.s32 $0x400, s20;
	[tilespmem:s20+$0x20] =	vst v6  }
0x3d: {  	v61 =	vld.idx.msk [tilespmem:v0+s19+$0x0 ss:$0x1], $0xffff;
	[tilespmem:s31+$0x30] =	vst v56  }
0x3e: {  	v62 =	vld.idx.msk [tilespmem:v0+s19+$0x10 ss:$0x1], $0xffff;
	s18 =	sadd.s32 $0x1, s18;
	[tilespmem:s31+$0xFFFFFFC0] =	vst v57  }
0x3f: {  	v63 =	vld.idx.msk [tilespmem:v0+s19+$0x20 ss:$0x1], $0xffff;
	p1 =	sne.s32 s18, $0x8;
	[tilespmem:s31+$0xFFFFFFD0] =	vst v58  }
.Ltmp4:
0x40: {  	[tilespmem:s31+$0xFFFFFFE0] =	vst v59;
	(pc) =	sbr.rel @p1 .LBB1_4-.Ltmp4, $4  }
0x41: {  	[tilespmem:s31+$0xFFFFFFF0] =	vst v60  }
0x42: {  	[tilespmem:s31+$0x0] =	vst v61  }
0x43: {  	[tilespmem:s31+$0x10] =	vst v62  }
0x44: {  	s16 =	sadd.s32 $0x80, s16;
	s17 =	sadd.s32 $0x400, s17;
	[tilespmem:s31+$0x20] =	vst v63  }
.Ltmp5:
0x45: {  	(pc) =	sbr.rel @p0 .LBB1_3-.Ltmp5, $2  }
0x46: {  	_ =	sdelay $0x2  }
0x47: {  	s16 =	simm.s32 $0x2000;
	p1 =	por $0x0, $0x0  }
.Ltmp6:
0x48: {  	(pc) =	sbr.rel .LBB1_9-.Ltmp6, $4  }
0x49: {  	_ = 	snop  }
0x4a: {  	s12 =	sshll.u32 s12, $0xA  }
0x4b: {  	s12 =	sadd.s32 s4, s12  }
0x4c: {  	[hbm4b:s12+s8] =	stream.linear.scatter [tilespmem:s13], [sflag:$0x2], $0x4000, $0x38;
	[tilespmem:$0x10000] =	vst v63  }
.LBB1_10:
0x4d: {  	_ =	sfence.sel $0x180000  }
0x4e: {  	s2 =	simm.s32 $0x1;
	[bflag:$0x0] =	sbarrier.arrive $0xFFFF  }
0x4f: {  	s31 =	simm.s32 $0x2;
	[sflag:s2] =	ssyncpa.u1 $0x1  }
0x50: {  	[sflag:s31] =	ssyncpa.u1 $0x1  }
0x51: {  	p0 =	sne.s32 s0, $0x0;
	_ =	strace $0x9000004A  }
0x52: {  	s0 =	sadd.s32 @!p0 $0x100000, s1;
	[bflag:$0x2] =	sbarrier.arrive $0xFFFF  }
0x53: {  	[sflag:s0] =	ssyncadd.tile.s32 @!p0 $0x1;
	_ =	shalt  }
.Lfunc_end1:
_tile_overlayer_lowered:
.L_overlay_start_2:
0x54: {  	(tag) =	ssettag $0x2  }
0x55: {  	s0 =	rddreg [dreg:$0x0];
	s2 =	stileid.u32  }
0x56: {  	s1 =	rddreg [dreg:$0x1];
	p0 =	sne.s32 s2, $0x0  }
0x57: {  	s3 =	rddreg [dreg:$0x2];
	[bflag:$0x3] =	sbarrier.arrive $0xFFFF;
	s2 =	simm.s32 @!p0 $0x1C01  }
0x58: {  	[timem:s3], [sflag:s2] =	dma.local @!p0 [hbm:s0], s1  }
0x59: {  	s0 =	simm.s32 @!p0 $0x1  }
0x5a: {  	_ =	swait.ge @!p0 [sflag:s0], s1  }
0x5b: {  	s1 =	ssub.s32 @!p0 $0x0, s1;
	[sflag:s0] =	ssyncset.done @!p0 $0x0  }
0x5c: {  	[sflag:s0] =	ssyncadd.s32 @!p0 s1  }
0x5d: {  	[bflag:$0x3] =	sbarrier.arrive $0xFFFF  }
0x5e: {  	_ =	shalt  }

</sc_bundles>
